<compile_context>
chip_gen: v7x
topology: tpu7x:2x2x1
jax: 0.10.2.dev20260603
libtpu: 0.0.44.dev20260713+nightly
codegen_flags: <defaults>
</compile_context>

<pallas_src>
import jax
import jax.numpy as jnp
from jax import lax
from jax.experimental import pallas as pl
from jax.experimental.pallas import tpu as pltpu
from jax.experimental.pallas import tpu_sc as plsc

N = 10000
E = 160000
D_IN = 48
D_HID = 128
D_OUT = 27458

NC = 2
NS = 16
NW = NC * NS
K = 128
CH = 40
NB = 5
DH = D_HID // NC
CH2 = 80
NB2 = 4
EPT2 = CH2 * K
EP = NW * CH * K
RPT = 632
NR = RPT * NS

_mesh = plsc.VectorSubcoreMesh(
    core_axis_name="c", subcore_axis_name="s", num_cores=NC, num_subcores=NS)


def _sc_aggregate(table, src_w, dst_w, zrow, gather):
    D = table.shape[1]
    dt = table.dtype

    def body(table_hbm, src_hbm, dst_hbm, zrow_hbm, out_hbm,
             src_l, dst_l, accum, gsem, ssem, *bufs):
        c = lax.axis_index("c")
        s = lax.axis_index("s")
        w = s * NC + c
        pltpu.sync_copy(zrow_hbm, accum.at[pl.ds(s * RPT, RPT)])
        if gather:
            pltpu.sync_copy(src_hbm.at[w], src_l)
        pltpu.sync_copy(dst_hbm.at[w], dst_l)
        if not gather:
            pltpu.sync_copy(table_hbm, bufs[0])
        plsc.subcore_barrier()

        def group(g, carry):
            base = g * 2 * NB
            if gather:
                scs = []
                for half in range(2):
                    cps = [pltpu.async_copy(
                        table_hbm.at[src_l.at[base + half * NB + b]],
                        bufs[half * NB + b], gsem) for b in range(NB)]
                    for b in range(NB):
                        cps[b].wait()
                        scs.append(pltpu.async_copy(
                            bufs[half * NB + b],
                            accum.at[dst_l.at[base + half * NB + b]], ssem,
                            add=True))
                for sc in scs:
                    sc.wait()
            else:
                scs = [pltpu.async_copy(
                    bufs[0], accum.at[dst_l.at[base + b]], ssem, add=True)
                    for b in range(2 * NB)]
                for sc in scs:
                    sc.wait()
            return carry

        lax.fori_loop(0, CH // (2 * NB), group, 0)
        plsc.subcore_barrier()
        pltpu.sync_copy(accum.at[pl.ds(s * RPT, RPT)],
                        out_hbm.at[c, pl.ds(s * RPT, RPT)])

    scratch = [
        pltpu.VMEM((CH, K), jnp.int32),
        pltpu.VMEM((CH, K), jnp.int32),
        pltpu.VMEM_SHARED((NR, D), dt),
        pltpu.SemaphoreType.DMA,
        pltpu.SemaphoreType.DMA,
    ] + [pltpu.VMEM((K, D), dt) for _ in range(2 * NB)]
    k = pl.kernel(
        body,
        out_type=jax.ShapeDtypeStruct((NC, NR, D), dt),
        mesh=_mesh, scratch_types=scratch,
        compiler_params=pltpu.CompilerParams(use_tc_tiling_on_sc=False))
    return k(table, src_w, dst_w, zrow)


def _sc_aggregate_colsplit(table2, src_q, dst_q, zrow):
    DH = table2.shape[1]

    def body(table_hbm, src_hbm, dst_hbm, zrow_hbm, out_hbm,
             src_l, dst_l, accum, gsem, ssem, *bufs):
        c = lax.axis_index("c")
        s = lax.axis_index("s")
        pltpu.sync_copy(zrow_hbm, accum.at[pl.ds(s * RPT, RPT)])
        pltpu.sync_copy(src_hbm.at[c, s], src_l)
        pltpu.sync_copy(dst_hbm.at[s], dst_l)
        plsc.subcore_barrier()

        def group(g, carry):
            base = g * 2 * NB2
            gA = [pltpu.async_copy(
                table_hbm.at[src_l.at[base + b]], bufs[b], gsem)
                for b in range(NB2)]
            sA = []
            for b in range(NB2):
                gA[b].wait()
                sA.append(pltpu.async_copy(
                    bufs[b], accum.at[dst_l.at[base + b]], ssem, add=True))
            gB = [pltpu.async_copy(
                table_hbm.at[src_l.at[base + NB2 + b]], bufs[NB2 + b], gsem)
                for b in range(NB2)]
            sB = []
            for b in range(NB2):
                gB[b].wait()
                sB.append(pltpu.async_copy(
                    bufs[NB2 + b], accum.at[dst_l.at[base + NB2 + b]], ssem,
                    add=True))
            for sc in sA + sB:
                sc.wait()
            return carry

        lax.fori_loop(0, CH2 // (2 * NB2), group, 0)
        plsc.subcore_barrier()
        pltpu.sync_copy(accum.at[pl.ds(s * RPT, RPT)],
                        out_hbm.at[c, pl.ds(s * RPT, RPT)])

    scratch = [
        pltpu.VMEM((CH2, K), jnp.int32),
        pltpu.VMEM((CH2, K), jnp.int32),
        pltpu.VMEM_SHARED((NR, DH), jnp.bfloat16),
        pltpu.SemaphoreType.DMA,
        pltpu.SemaphoreType.DMA,
    ] + [pltpu.VMEM((K, DH), jnp.bfloat16) for _ in range(2 * NB2)]
    k = pl.kernel(
        body,
        out_type=jax.ShapeDtypeStruct((NC, NR, DH), jnp.bfloat16),
        mesh=_mesh, scratch_types=scratch,
        compiler_params=pltpu.CompilerParams(use_tc_tiling_on_sc=False))
    return k(table2, src_q, dst_q, zrow)


def _prep(degp, x):
    R = 2000
    grid = (N // R,)

    def body(degp_ref, x_ref, dinv_ref, xs_ref):
        deg = degp_ref[0, :, 0:1] + degp_ref[1, :, 0:1] + 1.0
        dv = lax.rsqrt(deg)
        dinv_ref[...] = dv
        xs_ref[...] = x_ref[...] * dv

    return pl.pallas_call(
        body,
        grid=grid,
        in_specs=[
            pl.BlockSpec((NC, R, 16), lambda r: (0, r, 0)),
            pl.BlockSpec((R, D_IN), lambda r: (r, 0)),
        ],
        out_specs=[
            pl.BlockSpec((R, 1), lambda r: (r, 0)),
            pl.BlockSpec((R, D_IN), lambda r: (r, 0)),
        ],
        out_shape=[
            jax.ShapeDtypeStruct((N, 1), jnp.float32),
            jax.ShapeDtypeStruct((N, D_IN), jnp.float32),
        ],
    )(degp, x)


def _layer1(pb, xs, dinv, W1, b1r):
    R = 2000
    grid = (N // R,)

    def body(pb_ref, xs_ref, dinv_ref, w_ref, b_ref, hs_ref):
        dv = dinv_ref[...]
        agg = dv * (xs_ref[...]
                    + (pb_ref[0] + pb_ref[1]).astype(jnp.float32))
        h = jnp.dot(agg, w_ref[...], preferred_element_type=jnp.float32)
        h = (dv * jnp.maximum(h + b_ref[...], 0.0)).astype(jnp.bfloat16)
        hs_ref[0] = h[:, :DH]
        hs_ref[1] = h[:, DH:]

    return pl.pallas_call(
        body,
        grid=grid,
        in_specs=[
            pl.BlockSpec((NC, R, D_IN), lambda r: (0, r, 0)),
            pl.BlockSpec((R, D_IN), lambda r: (r, 0)),
            pl.BlockSpec((R, 1), lambda r: (r, 0)),
            pl.BlockSpec((D_IN, D_HID), lambda r: (0, 0)),
            pl.BlockSpec((1, D_HID), lambda r: (0, 0)),
        ],
        out_specs=pl.BlockSpec((NC, R, DH), lambda r: (0, r, 0)),
        out_shape=jax.ShapeDtypeStruct((NC, N, DH), jnp.bfloat16),
    )(pb, xs, dinv, W1, b1r)


def _layer2(pc, hs, dinv, W2p, b2p):
    R = 2000
    CB = 1536
    ncb = pl.cdiv(W2p.shape[1], CB)
    grid = (N // R, ncb)

    def body(pc_ref, hs_ref, dinv_ref, w_ref, b_ref, out_ref, acc_ref):
        @pl.when(pl.program_id(1) == 0)
        def _():
            s0 = (hs_ref[0] + pc_ref[0]).astype(jnp.float32)
            s1 = (hs_ref[1] + pc_ref[1]).astype(jnp.float32)
            acc_ref[...] = (dinv_ref[...]
                            * jnp.concatenate([s0, s1], axis=1)
                            ).astype(jnp.bfloat16)

        y = jnp.dot(acc_ref[...], w_ref[...],
                    preferred_element_type=jnp.float32)
        out_ref[...] = jax.nn.sigmoid(y + b_ref[...])

    return pl.pallas_call(
        body,
        grid=grid,
        in_specs=[
            pl.BlockSpec((NC, R, DH), lambda r, c: (0, r, 0)),
            pl.BlockSpec((NC, R, DH), lambda r, c: (0, r, 0)),
            pl.BlockSpec((R, 1), lambda r, c: (r, 0)),
            pl.BlockSpec((D_HID, CB), lambda r, c: (0, c)),
            pl.BlockSpec((1, CB), lambda r, c: (0, c)),
        ],
        out_specs=pl.BlockSpec((R, CB), lambda r, c: (r, c)),
        out_shape=jax.ShapeDtypeStruct((N, D_OUT), jnp.float32),
        scratch_shapes=[pltpu.VMEM((R, D_HID), jnp.bfloat16)],
    )(pc, hs, dinv, W2p, b2p)


def kernel(x, edge_index, W1, b1, W2, b2):
    src = edge_index[0]
    dst = edge_index[1]
    trash = N + (jnp.arange(EP - E, dtype=jnp.int32) % (NR - N))
    src_w = jnp.concatenate(
        [src, jnp.zeros((EP - E,), jnp.int32)]).reshape(NW, CH, K)
    dst_w = jnp.concatenate([dst, trash]).reshape(NW, CH, K)

    ones_tab = jnp.ones((K, 16), jnp.float32)
    z16 = jnp.zeros((RPT, 16), jnp.float32)
    z48 = jnp.zeros((RPT, D_IN), jnp.bfloat16)

    trash2 = N + (jnp.arange(NS * EPT2 - E, dtype=jnp.int32) % (NR - N))
    src_q = jnp.concatenate(
        [src, jnp.zeros((NS * EPT2 - E,), jnp.int32)]).reshape(NS, CH2, K)
    dst_q = jnp.concatenate([dst, trash2]).reshape(NS, CH2, K)
    src_q = jnp.stack([src_q, src_q + N])
    z64 = jnp.zeros((RPT, DH), jnp.bfloat16)

    degp = _sc_aggregate(ones_tab, dst_w, dst_w, z16, gather=False)
    dinv, xs = _prep(degp, x)
    pb = _sc_aggregate(xs.astype(jnp.bfloat16), src_w, dst_w, z48,
                       gather=True)
    hs = _layer1(pb, xs, dinv, W1, b1.reshape(1, D_HID))
    pc = _sc_aggregate_colsplit(hs.reshape(NC * N, DH), src_q, dst_q, z64)

    CB = 1536
    colp = -D_OUT % CB
    W2p = jnp.pad(W2, ((0, 0), (0, colp))).astype(jnp.bfloat16)
    b2p = jnp.pad(b2, (0, colp)).reshape(1, -1)
    return _layer2(pc, hs, dinv, W2p, b2p)

# --- scband reference (transcript-rebuilt; emitter-appended) ---
"""Pipeline reference for scband-net-83296595739375 (READ-ONLY COPY).

The authoritative reference and input builder live on the scoring server;
editing this copy changes nothing except your own understanding.
"""

import jax, jax.numpy as jnp
import numpy as np

N = 10000
E = 160000
D_IN = 48
D_HID = 128
D_OUT = 27458


def setup_inputs(seed: int = 0) -> dict:
    key = jax.random.key(seed)
    ks = jax.random.split(key, 6)
    x = jax.random.normal(ks[0], (N, D_IN), dtype=jnp.float32)
    edge_index = jax.random.randint(ks[1], (2, E), 0, N, dtype=jnp.int32)
    W1 = jax.random.normal(ks[2], (D_IN, D_HID), dtype=jnp.float32) * (1.0 / np.sqrt(D_IN))
    b1 = jnp.zeros((D_HID,), dtype=jnp.float32)
    W2 = jax.random.normal(ks[3], (D_HID, D_OUT), dtype=jnp.float32) * (1.0 / np.sqrt(D_HID))
    b2 = jnp.zeros((D_OUT,), dtype=jnp.float32)
    return {"x": x, "edge_index": edge_index, "W1": W1, "b1": b1, "W2": W2, "b2": b2}


def _gcn_conv(x, W, b, src, dst, n):
    # GCNConv: X' = D^{-1/2} (A + I) D^{-1/2} X W + b
    h = x @ W
    loop = jnp.arange(n, dtype=src.dtype)
    src2 = jnp.concatenate([src, loop])
    dst2 = jnp.concatenate([dst, loop])
    deg = jnp.zeros((n,), dtype=h.dtype).at[dst2].add(1.0)
    dinv = jax.lax.rsqrt(jnp.maximum(deg, 1e-12))
    norm = dinv[src2] * dinv[dst2]
    msg = h[src2] * norm[:, None]
    out = jnp.zeros((n, h.shape[1]), dtype=h.dtype).at[dst2].add(msg)
    return out + b


def reference(x, edge_index, W1, b1, W2, b2):
    n = x.shape[0]
    src = edge_index[0]
    dst = edge_index[1]
    h = _gcn_conv(x, W1, b1, src, dst, n)
    h = jax.nn.relu(h)
    # F.dropout is identity in eval mode
    out = _gcn_conv(h, W2, b2, src, dst, n)
    return jax.nn.sigmoid(out)

if __name__ == "__main__":
    import jax
    _d = setup_inputs()
    print(jax.jit(kernel)(*tuple(_d.values())))

</pallas_src>

<mosaic_0001>
#map = affine_map<(d0, d1) -> (0, 0)>
#map1 = affine_map<(d0, d1) -> (0, 0, 0)>
module attributes {stable_mosaic.version = 14 : i64} {
  func.func @body(%arg0: i32, %arg1: i32, %arg2: memref<128x16xf32, #tpu.memory_space<hbm>>, %arg3: memref<32x40x128xi32, #tpu.memory_space<hbm>>, %arg4: memref<32x40x128xi32, #tpu.memory_space<hbm>>, %arg5: memref<632x16xf32, #tpu.memory_space<hbm>>, %arg6: memref<2x10112x16xf32, #tpu.memory_space<hbm>>, %arg7: memref<40x128xi32, #tpu.memory_space<vmem>>, %arg8: memref<40x128xi32, #tpu.memory_space<vmem>>, %arg9: memref<10112x16xf32, #tpu.memory_space<vmem_shared>>, %arg10: memref<!tpu.dma_semaphore, #tpu.memory_space<semaphore_mem>>, %arg11: memref<!tpu.dma_semaphore, #tpu.memory_space<semaphore_mem>>, %arg12: memref<128x16xf32, #tpu.memory_space<vmem>>, %arg13: memref<128x16xf32, #tpu.memory_space<vmem>>, %arg14: memref<128x16xf32, #tpu.memory_space<vmem>>, %arg15: memref<128x16xf32, #tpu.memory_space<vmem>>, %arg16: memref<128x16xf32, #tpu.memory_space<vmem>>, %arg17: memref<128x16xf32, #tpu.memory_space<vmem>>, %arg18: memref<128x16xf32, #tpu.memory_space<vmem>>, %arg19: memref<128x16xf32, #tpu.memory_space<vmem>>, %arg20: memref<128x16xf32, #tpu.memory_space<vmem>>, %arg21: memref<128x16xf32, #tpu.memory_space<vmem>>) attributes {dimension_semantics = [#tpu.dimension_semantics<core_parallel>, #tpu.dimension_semantics<subcore_parallel>], iteration_bounds = array<i64: 2, 16>, scalar_prefetch = 0 : i64, scratch_operands = 15 : i64, tpu.core_type = #tpu.core_type<sc_vector_subcore>, window_params = [{transform_indices = #map}, {transform_indices = #map1}, {transform_indices = #map1}, {transform_indices = #map}, {transform_indices = #map1}]} {
    %mul3A = arith.constant 2 : i32
    %mul3A_0 = arith.muli %arg1, %mul3A : i32
    %add3A = arith.addi %mul3A_0, %arg0 : i32
    %mul3A_1 = arith.constant 632 : i32
    %mul3A_2 = arith.muli %arg1, %mul3A_1 : i32
    "tpu.region"() ({
      %run_scoped3A = tpu.sem_alloc : memref<!tpu.dma_semaphore, #tpu.memory_space<semaphore_mem>>
      %dma_start3A = arith.constant 0 : i32
      %dma_start3A_13 = tpu.memref_slice %arg9[%mul3A_2, %dma_start3A] : memref<10112x16xf32, #tpu.memory_space<vmem_shared>> -> memref<632x16xf32, #tpu.memory_space<vmem_shared>>
      tpu.enqueue_dma source(%arg5 : memref<632x16xf32, #tpu.memory_space<hbm>>) target(%dma_start3A_13 : memref<632x16xf32, #tpu.memory_space<vmem_shared>>) target_semaphore(%run_scoped3A : memref<!tpu.dma_semaphore, #tpu.memory_space<semaphore_mem>>)
      %dma_wait3A = arith.constant 0 : i32
      %dma_wait3A_14 = tpu.memref_slice %arg9[%mul3A_2, %dma_wait3A] : memref<10112x16xf32, #tpu.memory_space<vmem_shared>> -> memref<632x16xf32, #tpu.memory_space<vmem_shared>>
      tpu.wait_dma2 semaphore(%run_scoped3A : memref<!tpu.dma_semaphore, #tpu.memory_space<semaphore_mem>>) src(%arg5 : memref<632x16xf32, #tpu.memory_space<hbm>>) dst(%dma_wait3A_14 : memref<632x16xf32, #tpu.memory_space<vmem_shared>>)
      tpu.yield
    }) : () -> ()
    "tpu.region"() ({
      %run_scoped3A = tpu.sem_alloc : memref<!tpu.dma_semaphore, #tpu.memory_space<semaphore_mem>>
      %dma_start3A = arith.constant 0 : i32
      %dma_start3A_13 = arith.constant 0 : i32
      %dma_start3A_14 = tpu.memref_slice %arg4[%add3A, %dma_start3A, %dma_start3A_13] : memref<32x40x128xi32, #tpu.memory_space<hbm>> -> memref<1x40x128xi32, #tpu.memory_space<hbm>>
      %dma_start3A_15 = tpu.memref_squeeze %dma_start3A_14 : memref<1x40x128xi32, #tpu.memory_space<hbm>> -> memref<40x128xi32, #tpu.memory_space<hbm>>
      %dma_start3A_16 = arith.constant 0 : i32
      %dma_start3A_17 = arith.constant 0 : i32
      %dma_start3A_18 = tpu.memref_slice %arg4[%add3A, %dma_start3A_16, %dma_start3A_17] : memref<32x40x128xi32, #tpu.memory_space<hbm>> -> memref<1x40x128xi32, #tpu.memory_space<hbm>>
      %dma_start3A_19 = tpu.memref_squeeze %dma_start3A_18 : memref<1x40x128xi32, #tpu.memory_space<hbm>> -> memref<40x128xi32, #tpu.memory_space<hbm>>
      tpu.enqueue_dma source(%dma_start3A_19 : memref<40x128xi32, #tpu.memory_space<hbm>>) target(%arg8 : memref<40x128xi32, #tpu.memory_space<vmem>>) target_semaphore(%run_scoped3A : memref<!tpu.dma_semaphore, #tpu.memory_space<semaphore_mem>>)
      %dma_wait3A = arith.constant 0 : i32
      %dma_wait3A_20 = arith.constant 0 : i32
      %dma_wait3A_21 = tpu.memref_slice %arg4[%add3A, %dma_wait3A, %dma_wait3A_20] : memref<32x40x128xi32, #tpu.memory_space<hbm>> -> memref<1x40x128xi32, #tpu.memory_space<hbm>>
      %dma_wait3A_22 = tpu.memref_squeeze %dma_wait3A_21 : memref<1x40x128xi32, #tpu.memory_space<hbm>> -> memref<40x128xi32, #tpu.memory_space<hbm>>
      %dma_wait3A_23 = arith.constant 0 : i32
      %dma_wait3A_24 = arith.constant 0 : i32
      %dma_wait3A_25 = tpu.memref_slice %arg4[%add3A, %dma_wait3A_23, %dma_wait3A_24] : memref<32x40x128xi32, #tpu.memory_space<hbm>> -> memref<1x40x128xi32, #tpu.memory_space<hbm>>
      %dma_wait3A_26 = tpu.memref_squeeze %dma_wait3A_25 : memref<1x40x128xi32, #tpu.memory_space<hbm>> -> memref<40x128xi32, #tpu.memory_space<hbm>>
      tpu.wait_dma2 semaphore(%run_scoped3A : memref<!tpu.dma_semaphore, #tpu.memory_space<semaphore_mem>>) src(%dma_wait3A_26 : memref<40x128xi32, #tpu.memory_space<hbm>>) dst(%arg8 : memref<40x128xi32, #tpu.memory_space<vmem>>)
      tpu.yield
    }) : () -> ()
    "tpu.region"() ({
      %run_scoped3A = tpu.sem_alloc : memref<!tpu.dma_semaphore, #tpu.memory_space<semaphore_mem>>
      tpu.enqueue_dma source(%arg2 : memref<128x16xf32, #tpu.memory_space<hbm>>) target(%arg12 : memref<128x16xf32, #tpu.memory_space<vmem>>) target_semaphore(%run_scoped3A : memref<!tpu.dma_semaphore, #tpu.memory_space<semaphore_mem>>)
      tpu.wait_dma2 semaphore(%run_scoped3A : memref<!tpu.dma_semaphore, #tpu.memory_space<semaphore_mem>>) src(%arg2 : memref<128x16xf32, #tpu.memory_space<hbm>>) dst(%arg12 : memref<128x16xf32, #tpu.memory_space<vmem>>)
      tpu.yield
    }) : () -> ()
    %barrier3A = arith.constant 0 : index
    tpu.barrier barrier_id(%barrier3A)
    %scan3A = arith.constant 0 : i32
    %scan3A_3 = arith.constant 0 : i32
    %scan3A_4 = arith.constant 4 : i32
    %scan3A_5 = arith.addi %scan3A_3, %scan3A_4 : i32
    %scan3A_6 = arith.constant 1 : i32
    scf.for %scan3A_13 = %scan3A_3 to %scan3A_5 step %scan3A_6  : i32 {
      %mul3A_14 = arith.constant 2 : i32
      %mul3A_15 = arith.muli %scan3A_13, %mul3A_14 : i32
      %mul3A_16 = arith.constant 5 : i32
      %mul3A_17 = arith.muli %mul3A_15, %mul3A_16 : i32
      %add3A_18 = arith.constant 0 : i32
      %add3A_19 = arith.addi %mul3A_17, %add3A_18 : i32
      %dma_start3A = arith.constant 0 : i32
      %dma_start3A_20 = tpu.memref_slice %arg8[%add3A_19, %dma_start3A] : memref<40x128xi32, #tpu.memory_space<vmem>> -> memref<1x128xi32, #tpu.memory_space<vmem>>
      %dma_start3A_21 = tpu.memref_squeeze %dma_start3A_20 : memref<1x128xi32, #tpu.memory_space<vmem>> -> memref<128xi32, #tpu.memory_space<vmem>>
      %dma_start3A_22 = arith.constant 0 : i32
      %dma_start3A_23 = arith.constant 0 : i32
      %dma_start3A_24 = tpu.memref_slice %arg9[%dma_start3A_22, %dma_start3A_23] : memref<10112x16xf32, #tpu.memory_space<vmem_shared>> -> memref<10112x16xf32, #tpu.memory_space<vmem_shared>>
      tpu.enqueue_indirect_dma source(%arg12 : memref<128x16xf32, #tpu.memory_space<vmem>>) target(%dma_start3A_24 : memref<10112x16xf32, #tpu.memory_space<vmem_shared>>) offsets(%dma_start3A_21 : memref<128xi32, #tpu.memory_space<vmem>>) semaphore(%arg11 : memref<!tpu.dma_semaphore, #tpu.memory_space<semaphore_mem>>) {add = true}
      %add3A_25 = arith.constant 1 : i32
      %add3A_26 = arith.addi %mul3A_17, %add3A_25 : i32
      %dma_start3A_27 = arith.constant 0 : i32
      %dma_start3A_28 = tpu.memref_slice %arg8[%add3A_26, %dma_start3A_27] : memref<40x128xi32, #tpu.memory_space<vmem>> -> memref<1x128xi32, #tpu.memory_space<vmem>>
      %dma_start3A_29 = tpu.memref_squeeze %dma_start3A_28 : memref<1x128xi32, #tpu.memory_space<vmem>> -> memref<128xi32, #tpu.memory_space<vmem>>
      %dma_start3A_30 = arith.constant 0 : i32
      %dma_start3A_31 = arith.constant 0 : i32
      %dma_start3A_32 = tpu.memref_slice %arg9[%dma_start3A_30, %dma_start3A_31] : memref<10112x16xf32, #tpu.memory_space<vmem_shared>> -> memref<10112x16xf32, #tpu.memory_space<vmem_shared>>
      tpu.enqueue_indirect_dma source(%arg12 : memref<128x16xf32, #tpu.memory_space<vmem>>) target(%dma_start3A_32 : memref<10112x16xf32, #tpu.memory_space<vmem_shared>>) offsets(%dma_start3A_29 : memref<128xi32, #tpu.memory_space<vmem>>) semaphore(%arg11 : memref<!tpu.dma_semaphore, #tpu.memory_space<semaphore_mem>>) {add = true}
      %add3A_33 = arith.constant 2 : i32
      %add3A_34 = arith.addi %mul3A_17, %add3A_33 : i32
      %dma_start3A_35 = arith.constant 0 : i32
      %dma_start3A_36 = tpu.memref_slice %arg8[%add3A_34, %dma_start3A_35] : memref<40x128xi32, #tpu.memory_space<vmem>> -> memref<1x128xi32, #tpu.memory_space<vmem>>
      %dma_start3A_37 = tpu.memref_squeeze %dma_start3A_36 : memref<1x128xi32, #tpu.memory_space<vmem>> -> memref<128xi32, #tpu.memory_space<vmem>>
      %dma_start3A_38 = arith.constant 0 : i32
      %dma_start3A_39 = arith.constant 0 : i32
      %dma_start3A_40 = tpu.memref_slice %arg9[%dma_start3A_38, %dma_start3A_39] : memref<10112x16xf32, #tpu.memory_space<vmem_shared>> -> memref<10112x16xf32, #tpu.memory_space<vmem_shared>>
      tpu.enqueue_indirect_dma source(%arg12 : memref<128x16xf32, #tpu.memory_space<vmem>>) target(%dma_start3A_40 : memref<10112x16xf32, #tpu.memory_space<vmem_shared>>) offsets(%dma_start3A_37 : memref<128xi32, #tpu.memory_space<vmem>>) semaphore(%arg11 : memref<!tpu.dma_semaphore, #tpu.memory_space<semaphore_mem>>) {add = true}
      %add3A_41 = arith.constant 3 : i32
      %add3A_42 = arith.addi %mul3A_17, %add3A_41 : i32
      %dma_start3A_43 = arith.constant 0 : i32
      %dma_start3A_44 = tpu.memref_slice %arg8[%add3A_42, %dma_start3A_43] : memref<40x128xi32, #tpu.memory_space<vmem>> -> memref<1x128xi32, #tpu.memory_space<vmem>>
      %dma_start3A_45 = tpu.memref_squeeze %dma_start3A_44 : memref<1x128xi32, #tpu.memory_space<vmem>> -> memref<128xi32, #tpu.memory_space<vmem>>
      %dma_start3A_46 = arith.constant 0 : i32
      %dma_start3A_47 = arith.constant 0 : i32
      %dma_start3A_48 = tpu.memref_slice %arg9[%dma_start3A_46, %dma_start3A_47] : memref<10112x16xf32, #tpu.memory_space<vmem_shared>> -> memref<10112x16xf32, #tpu.memory_space<vmem_shared>>
      tpu.enqueue_indirect_dma source(%arg12 : memref<128x16xf32, #tpu.memory_space<vmem>>) target(%dma_start3A_48 : memref<10112x16xf32, #tpu.memory_space<vmem_shared>>) offsets(%dma_start3A_45 : memref<128xi32, #tpu.memory_space<vmem>>) semaphore(%arg11 : memref<!tpu.dma_semaphore, #tpu.memory_space<semaphore_mem>>) {add = true}
      %add3A_49 = arith.constant 4 : i32
      %add3A_50 = arith.addi %mul3A_17, %add3A_49 : i32
      %dma_start3A_51 = arith.constant 0 : i32
      %dma_start3A_52 = tpu.memref_slice %arg8[%add3A_50, %dma_start3A_51] : memref<40x128xi32, #tpu.memory_space<vmem>> -> memref<1x128xi32, #tpu.memory_space<vmem>>
      %dma_start3A_53 = tpu.memref_squeeze %dma_start3A_52 : memref<1x128xi32, #tpu.memory_space<vmem>> -> memref<128xi32, #tpu.memory_space<vmem>>
      %dma_start3A_54 = arith.constant 0 : i32
      %dma_start3A_55 = arith.constant 0 : i32
      %dma_start3A_56 = tpu.memref_slice %arg9[%dma_start3A_54, %dma_start3A_55] : memref<10112x16xf32, #tpu.memory_space<vmem_shared>> -> memref<10112x16xf32, #tpu.memory_space<vmem_shared>>
      tpu.enqueue_indirect_dma source(%arg12 : memref<128x16xf32, #tpu.memory_space<vmem>>) target(%dma_start3A_56 : memref<10112x16xf32, #tpu.memory_space<vmem_shared>>) offsets(%dma_start3A_53 : memref<128xi32, #tpu.memory_space<vmem>>) semaphore(%arg11 : memref<!tpu.dma_semaphore, #tpu.memory_space<semaphore_mem>>) {add = true}
      %add3A_57 = arith.constant 5 : i32
      %add3A_58 = arith.addi %mul3A_17, %add3A_57 : i32
      %dma_start3A_59 = arith.constant 0 : i32
      %dma_start3A_60 = tpu.memref_slice %arg8[%add3A_58, %dma_start3A_59] : memref<40x128xi32, #tpu.memory_space<vmem>> -> memref<1x128xi32, #tpu.memory_space<vmem>>
      %dma_start3A_61 = tpu.memref_squeeze %dma_start3A_60 : memref<1x128xi32, #tpu.memory_space<vmem>> -> memref<128xi32, #tpu.memory_space<vmem>>
      %dma_start3A_62 = arith.constant 0 : i32
      %dma_start3A_63 = arith.constant 0 : i32
      %dma_start3A_64 = tpu.memref_slice %arg9[%dma_start3A_62, %dma_start3A_63] : memref<10112x16xf32, #tpu.memory_space<vmem_shared>> -> memref<10112x16xf32, #tpu.memory_space<vmem_shared>>
      tpu.enqueue_indirect_dma source(%arg12 : memref<128x16xf32, #tpu.memory_space<vmem>>) target(%dma_start3A_64 : memref<10112x16xf32, #tpu.memory_space<vmem_shared>>) offsets(%dma_start3A_61 : memref<128xi32, #tpu.memory_space<vmem>>) semaphore(%arg11 : memref<!tpu.dma_semaphore, #tpu.memory_space<semaphore_mem>>) {add = true}
      %add3A_65 = arith.constant 6 : i32
      %add3A_66 = arith.addi %mul3A_17, %add3A_65 : i32
      %dma_start3A_67 = arith.constant 0 : i32
      %dma_start3A_68 = tpu.memref_slice %arg8[%add3A_66, %dma_start3A_67] : memref<40x128xi32, #tpu.memory_space<vmem>> -> memref<1x128xi32, #tpu.memory_space<vmem>>
      %dma_start3A_69 = tpu.memref_squeeze %dma_start3A_68 : memref<1x128xi32, #tpu.memory_space<vmem>> -> memref<128xi32, #tpu.memory_space<vmem>>
      %dma_start3A_70 = arith.constant 0 : i32
      %dma_start3A_71 = arith.constant 0 : i32
      %dma_start3A_72 = tpu.memref_slice %arg9[%dma_start3A_70, %dma_start3A_71] : memref<10112x16xf32, #tpu.memory_space<vmem_shared>> -> memref<10112x16xf32, #tpu.memory_space<vmem_shared>>
      tpu.enqueue_indirect_dma source(%arg12 : memref<128x16xf32, #tpu.memory_space<vmem>>) target(%dma_start3A_72 : memref<10112x16xf32, #tpu.memory_space<vmem_shared>>) offsets(%dma_start3A_69 : memref<128xi32, #tpu.memory_space<vmem>>) semaphore(%arg11 : memref<!tpu.dma_semaphore, #tpu.memory_space<semaphore_mem>>) {add = true}
      %add3A_73 = arith.constant 7 : i32
      %add3A_74 = arith.addi %mul3A_17, %add3A_73 : i32
      %dma_start3A_75 = arith.constant 0 : i32
      %dma_start3A_76 = tpu.memref_slice %arg8[%add3A_74, %dma_start3A_75] : memref<40x128xi32, #tpu.memory_space<vmem>> -> memref<1x128xi32, #tpu.memory_space<vmem>>
      %dma_start3A_77 = tpu.memref_squeeze %dma_start3A_76 : memref<1x128xi32, #tpu.memory_space<vmem>> -> memref<128xi32, #tpu.memory_space<vmem>>
      %dma_start3A_78 = arith.constant 0 : i32
      %dma_start3A_79 = arith.constant 0 : i32
      %dma_start3A_80 = tpu.memref_slice %arg9[%dma_start3A_78, %dma_start3A_79] : memref<10112x16xf32, #tpu.memory_space<vmem_shared>> -> memref<10112x16xf32, #tpu.memory_space<vmem_shared>>
      tpu.enqueue_indirect_dma source(%arg12 : memref<128x16xf32, #tpu.memory_space<vmem>>) target(%dma_start3A_80 : memref<10112x16xf32, #tpu.memory_space<vmem_shared>>) offsets(%dma_start3A_77 : memref<128xi32, #tpu.memory_space<vmem>>) semaphore(%arg11 : memref<!tpu.dma_semaphore, #tpu.memory_space<semaphore_mem>>) {add = true}
      %add3A_81 = arith.constant 8 : i32
      %add3A_82 = arith.addi %mul3A_17, %add3A_81 : i32
      %dma_start3A_83 = arith.constant 0 : i32
      %dma_start3A_84 = tpu.memref_slice %arg8[%add3A_82, %dma_start3A_83] : memref<40x128xi32, #tpu.memory_space<vmem>> -> memref<1x128xi32, #tpu.memory_space<vmem>>
      %dma_start3A_85 = tpu.memref_squeeze %dma_start3A_84 : memref<1x128xi32, #tpu.memory_space<vmem>> -> memref<128xi32, #tpu.memory_space<vmem>>
      %dma_start3A_86 = arith.constant 0 : i32
      %dma_start3A_87 = arith.constant 0 : i32
      %dma_start3A_88 = tpu.memref_slice %arg9[%dma_start3A_86, %dma_start3A_87] : memref<10112x16xf32, #tpu.memory_space<vmem_shared>> -> memref<10112x16xf32, #tpu.memory_space<vmem_shared>>
      tpu.enqueue_indirect_dma source(%arg12 : memref<128x16xf32, #tpu.memory_space<vmem>>) target(%dma_start3A_88 : memref<10112x16xf32, #tpu.memory_space<vmem_shared>>) offsets(%dma_start3A_85 : memref<128xi32, #tpu.memory_space<vmem>>) semaphore(%arg11 : memref<!tpu.dma_semaphore, #tpu.memory_space<semaphore_mem>>) {add = true}
      %add3A_89 = arith.constant 9 : i32
      %add3A_90 = arith.addi %mul3A_17, %add3A_89 : i32
      %dma_start3A_91 = arith.constant 0 : i32
      %dma_start3A_92 = tpu.memref_slice %arg8[%add3A_90, %dma_start3A_91] : memref<40x128xi32, #tpu.memory_space<vmem>> -> memref<1x128xi32, #tpu.memory_space<vmem>>
      %dma_start3A_93 = tpu.memref_squeeze %dma_start3A_92 : memref<1x128xi32, #tpu.memory_space<vmem>> -> memref<128xi32, #tpu.memory_space<vmem>>
      %dma_start3A_94 = arith.constant 0 : i32
      %dma_start3A_95 = arith.constant 0 : i32
      %dma_start3A_96 = tpu.memref_slice %arg9[%dma_start3A_94, %dma_start3A_95] : memref<10112x16xf32, #tpu.memory_space<vmem_shared>> -> memref<10112x16xf32, #tpu.memory_space<vmem_shared>>
      tpu.enqueue_indirect_dma source(%arg12 : memref<128x16xf32, #tpu.memory_space<vmem>>) target(%dma_start3A_96 : memref<10112x16xf32, #tpu.memory_space<vmem_shared>>) offsets(%dma_start3A_93 : memref<128xi32, #tpu.memory_space<vmem>>) semaphore(%arg11 : memref<!tpu.dma_semaphore, #tpu.memory_space<semaphore_mem>>) {add = true}
      %dma_wait3A = arith.constant 0 : i32
      %dma_wait3A_97 = tpu.memref_slice %arg8[%add3A_19, %dma_wait3A] : memref<40x128xi32, #tpu.memory_space<vmem>> -> memref<1x128xi32, #tpu.memory_space<vmem>>
      %dma_wait3A_98 = tpu.memref_squeeze %dma_wait3A_97 : memref<1x128xi32, #tpu.memory_space<vmem>> -> memref<128xi32, #tpu.memory_space<vmem>>
      %dma_wait3A_99 = arith.constant 0 : i32
      %dma_wait3A_100 = arith.constant 0 : i32
      %dma_wait3A_101 = tpu.memref_slice %arg9[%dma_wait3A_99, %dma_wait3A_100] : memref<10112x16xf32, #tpu.memory_space<vmem_shared>> -> memref<10112x16xf32, #tpu.memory_space<vmem_shared>>
      tpu.wait_indirect_dma semaphore(%arg11 : memref<!tpu.dma_semaphore, #tpu.memory_space<semaphore_mem>>) src(%arg12 : memref<128x16xf32, #tpu.memory_space<vmem>>) dst(%dma_wait3A_101 : memref<10112x16xf32, #tpu.memory_space<vmem_shared>>)
      %dma_wait3A_102 = arith.constant 0 : i32
      %dma_wait3A_103 = tpu.memref_slice %arg8[%add3A_26, %dma_wait3A_102] : memref<40x128xi32, #tpu.memory_space<vmem>> -> memref<1x128xi32, #tpu.memory_space<vmem>>
      %dma_wait3A_104 = tpu.memref_squeeze %dma_wait3A_103 : memref<1x128xi32, #tpu.memory_space<vmem>> -> memref<128xi32, #tpu.memory_space<vmem>>
      %dma_wait3A_105 = arith.constant 0 : i32
      %dma_wait3A_106 = arith.constant 0 : i32
      %dma_wait3A_107 = tpu.memref_slice %arg9[%dma_wait3A_105, %dma_wait3A_106] : memref<10112x16xf32, #tpu.memory_space<vmem_shared>> -> memref<10112x16xf32, #tpu.memory_space<vmem_shared>>
      tpu.wait_indirect_dma semaphore(%arg11 : memref<!tpu.dma_semaphore, #tpu.memory_space<semaphore_mem>>) src(%arg12 : memref<128x16xf32, #tpu.memory_space<vmem>>) dst(%dma_wait3A_107 : memref<10112x16xf32, #tpu.memory_space<vmem_shared>>)
      %dma_wait3A_108 = arith.constant 0 : i32
      %dma_wait3A_109 = tpu.memref_slice %arg8[%add3A_34, %dma_wait3A_108] : memref<40x128xi32, #tpu.memory_space<vmem>> -> memref<1x128xi32, #tpu.memory_space<vmem>>
      %dma_wait3A_110 = tpu.memref_squeeze %dma_wait3A_109 : memref<1x128xi32, #tpu.memory_space<vmem>> -> memref<128xi32, #tpu.memory_space<vmem>>
      %dma_wait3A_111 = arith.constant 0 : i32
      %dma_wait3A_112 = arith.constant 0 : i32
      %dma_wait3A_113 = tpu.memref_slice %arg9[%dma_wait3A_111, %dma_wait3A_112] : memref<10112x16xf32, #tpu.memory_space<vmem_shared>> -> memref<10112x16xf32, #tpu.memory_space<vmem_shared>>
      tpu.wait_indirect_dma semaphore(%arg11 : memref<!tpu.dma_semaphore, #tpu.memory_space<semaphore_mem>>) src(%arg12 : memref<128x16xf32, #tpu.memory_space<vmem>>) dst(%dma_wait3A_113 : memref<10112x16xf32, #tpu.memory_space<vmem_shared>>)
      %dma_wait3A_114 = arith.constant 0 : i32
      %dma_wait3A_115 = tpu.memref_slice %arg8[%add3A_42, %dma_wait3A_114] : memref<40x128xi32, #tpu.memory_space<vmem>> -> memref<1x128xi32, #tpu.memory_space<vmem>>
      %dma_wait3A_116 = tpu.memref_squeeze %dma_wait3A_115 : memref<1x128xi32, #tpu.memory_space<vmem>> -> memref<128xi32, #tpu.memory_space<vmem>>
      %dma_wait3A_117 = arith.constant 0 : i32
      %dma_wait3A_118 = arith.constant 0 : i32
      %dma_wait3A_119 = tpu.memref_slice %arg9[%dma_wait3A_117, %dma_wait3A_118] : memref<10112x16xf32, #tpu.memory_space<vmem_shared>> -> memref<10112x16xf32, #tpu.memory_space<vmem_shared>>
      tpu.wait_indirect_dma semaphore(%arg11 : memref<!tpu.dma_semaphore, #tpu.memory_space<semaphore_mem>>) src(%arg12 : memref<128x16xf32, #tpu.memory_space<vmem>>) dst(%dma_wait3A_119 : memref<10112x16xf32, #tpu.memory_space<vmem_shared>>)
      %dma_wait3A_120 = arith.constant 0 : i32
      %dma_wait3A_121 = tpu.memref_slice %arg8[%add3A_50, %dma_wait3A_120] : memref<40x128xi32, #tpu.memory_space<vmem>> -> memref<1x128xi32, #tpu.memory_space<vmem>>
      %dma_wait3A_122 = tpu.memref_squeeze %dma_wait3A_121 : memref<1x128xi32, #tpu.memory_space<vmem>> -> memref<128xi32, #tpu.memory_space<vmem>>
      %dma_wait3A_123 = arith.constant 0 : i32
      %dma_wait3A_124 = arith.constant 0 : i32
      %dma_wait3A_125 = tpu.memref_slice %arg9[%dma_wait3A_123, %dma_wait3A_124] : memref<10112x16xf32, #tpu.memory_space<vmem_shared>> -> memref<10112x16xf32, #tpu.memory_space<vmem_shared>>
      tpu.wait_indirect_dma semaphore(%arg11 : memref<!tpu.dma_semaphore, #tpu.memory_space<semaphore_mem>>) src(%arg12 : memref<128x16xf32, #tpu.memory_space<vmem>>) dst(%dma_wait3A_125 : memref<10112x16xf32, #tpu.memory_space<vmem_shared>>)
      %dma_wait3A_126 = arith.constant 0 : i32
      %dma_wait3A_127 = tpu.memref_slice %arg8[%add3A_58, %dma_wait3A_126] : memref<40x128xi32, #tpu.memory_space<vmem>> -> memref<1x128xi32, #tpu.memory_space<vmem>>
      %dma_wait3A_128 = tpu.memref_squeeze %dma_wait3A_127 : memref<1x128xi32, #tpu.memory_space<vmem>> -> memref<128xi32, #tpu.memory_space<vmem>>
      %dma_wait3A_129 = arith.constant 0 : i32
      %dma_wait3A_130 = arith.constant 0 : i32
      %dma_wait3A_131 = tpu.memref_slice %arg9[%dma_wait3A_129, %dma_wait3A_130] : memref<10112x16xf32, #tpu.memory_space<vmem_shared>> -> memref<10112x16xf32, #tpu.memory_space<vmem_shared>>
      tpu.wait_indirect_dma semaphore(%arg11 : memref<!tpu.dma_semaphore, #tpu.memory_space<semaphore_mem>>) src(%arg12 : memref<128x16xf32, #tpu.memory_space<vmem>>) dst(%dma_wait3A_131 : memref<10112x16xf32, #tpu.memory_space<vmem_shared>>)
      %dma_wait3A_132 = arith.constant 0 : i32
      %dma_wait3A_133 = tpu.memref_slice %arg8[%add3A_66, %dma_wait3A_132] : memref<40x128xi32, #tpu.memory_space<vmem>> -> memref<1x128xi32, #tpu.memory_space<vmem>>
      %dma_wait3A_134 = tpu.memref_squeeze %dma_wait3A_133 : memref<1x128xi32, #tpu.memory_space<vmem>> -> memref<128xi32, #tpu.memory_space<vmem>>
      %dma_wait3A_135 = arith.constant 0 : i32
      %dma_wait3A_136 = arith.constant 0 : i32
      %dma_wait3A_137 = tpu.memref_slice %arg9[%dma_wait3A_135, %dma_wait3A_136] : memref<10112x16xf32, #tpu.memory_space<vmem_shared>> -> memref<10112x16xf32, #tpu.memory_space<vmem_shared>>
      tpu.wait_indirect_dma semaphore(%arg11 : memref<!tpu.dma_semaphore, #tpu.memory_space<semaphore_mem>>) src(%arg12 : memref<128x16xf32, #tpu.memory_space<vmem>>) dst(%dma_wait3A_137 : memref<10112x16xf32, #tpu.memory_space<vmem_shared>>)
      %dma_wait3A_138 = arith.constant 0 : i32
      %dma_wait3A_139 = tpu.memref_slice %arg8[%add3A_74, %dma_wait3A_138] : memref<40x128xi32, #tpu.memory_space<vmem>> -> memref<1x128xi32, #tpu.memory_space<vmem>>
      %dma_wait3A_140 = tpu.memref_squeeze %dma_wait3A_139 : memref<1x128xi32, #tpu.memory_space<vmem>> -> memref<128xi32, #tpu.memory_space<vmem>>
      %dma_wait3A_141 = arith.constant 0 : i32
      %dma_wait3A_142 = arith.constant 0 : i32
      %dma_wait3A_143 = tpu.memref_slice %arg9[%dma_wait3A_141, %dma_wait3A_142] : memref<10112x16xf32, #tpu.memory_space<vmem_shared>> -> memref<10112x16xf32, #tpu.memory_space<vmem_shared>>
      tpu.wait_indirect_dma semaphore(%arg11 : memref<!tpu.dma_semaphore, #tpu.memory_space<semaphore_mem>>) src(%arg12 : memref<128x16xf32, #tpu.memory_space<vmem>>) dst(%dma_wait3A_143 : memref<10112x16xf32, #tpu.memory_space<vmem_shared>>)
      %dma_wait3A_144 = arith.constant 0 : i32
      %dma_wait3A_145 = tpu.memref_slice %arg8[%add3A_82, %dma_wait3A_144] : memref<40x128xi32, #tpu.memory_space<vmem>> -> memref<1x128xi32, #tpu.memory_space<vmem>>
      %dma_wait3A_146 = tpu.memref_squeeze %dma_wait3A_145 : memref<1x128xi32, #tpu.memory_space<vmem>> -> memref<128xi32, #tpu.memory_space<vmem>>
      %dma_wait3A_147 = arith.constant 0 : i32
      %dma_wait3A_148 = arith.constant 0 : i32
      %dma_wait3A_149 = tpu.memref_slice %arg9[%dma_wait3A_147, %dma_wait3A_148] : memref<10112x16xf32, #tpu.memory_space<vmem_shared>> -> memref<10112x16xf32, #tpu.memory_space<vmem_shared>>
      tpu.wait_indirect_dma semaphore(%arg11 : memref<!tpu.dma_semaphore, #tpu.memory_space<semaphore_mem>>) src(%arg12 : memref<128x16xf32, #tpu.memory_space<vmem>>) dst(%dma_wait3A_149 : memref<10112x16xf32, #tpu.memory_space<vmem_shared>>)
      %dma_wait3A_150 = arith.constant 0 : i32
      %dma_wait3A_151 = tpu.memref_slice %arg8[%add3A_90, %dma_wait3A_150] : memref<40x128xi32, #tpu.memory_space<vmem>> -> memref<1x128xi32, #tpu.memory_space<vmem>>
      %dma_wait3A_152 = tpu.memref_squeeze %dma_wait3A_151 : memref<1x128xi32, #tpu.memory_space<vmem>> -> memref<128xi32, #tpu.memory_space<vmem>>
      %dma_wait3A_153 = arith.constant 0 : i32
      %dma_wait3A_154 = arith.constant 0 : i32
      %dma_wait3A_155 = tpu.memref_slice %arg9[%dma_wait3A_153, %dma_wait3A_154] : memref<10112x16xf32, #tpu.memory_space<vmem_shared>> -> memref<10112x16xf32, #tpu.memory_space<vmem_shared>>
      tpu.wait_indirect_dma semaphore(%arg11 : memref<!tpu.dma_semaphore, #tpu.memory_space<semaphore_mem>>) src(%arg12 : memref<128x16xf32, #tpu.memory_space<vmem>>) dst(%dma_wait3A_155 : memref<10112x16xf32, #tpu.memory_space<vmem_shared>>)
    }
    %scan3A_7 = arith.constant 4 : i32
    %barrier3A_8 = arith.constant 0 : index
    tpu.barrier barrier_id(%barrier3A_8)
    %mul3A_9 = arith.constant 632 : i32
    %mul3A_10 = arith.muli %arg1, %mul3A_9 : i32
    %mul3A_11 = arith.constant 632 : i32
    %mul3A_12 = arith.muli %arg1, %mul3A_11 : i32
    "tpu.region"() ({
      %run_scoped3A = tpu.sem_alloc : memref<!tpu.dma_semaphore, #tpu.memory_space<semaphore_mem>>
      %dma_start3A = arith.constant 0 : i32
      %dma_start3A_13 = tpu.memref_slice %arg6[%arg0, %mul3A_12, %dma_start3A] : memref<2x10112x16xf32, #tpu.memory_space<hbm>> -> memref<1x632x16xf32, #tpu.memory_space<hbm>>
      %dma_start3A_14 = tpu.memref_squeeze %dma_start3A_13 : memref<1x632x16xf32, #tpu.memory_space<hbm>> -> memref<632x16xf32, #tpu.memory_space<hbm>>
      %dma_start3A_15 = arith.constant 0 : i32
      %dma_start3A_16 = tpu.memref_slice %arg9[%mul3A_10, %dma_start3A_15] : memref<10112x16xf32, #tpu.memory_space<vmem_shared>> -> memref<632x16xf32, #tpu.memory_space<vmem_shared>>
      tpu.enqueue_dma source(%dma_start3A_16 : memref<632x16xf32, #tpu.memory_space<vmem_shared>>) target(%dma_start3A_14 : memref<632x16xf32, #tpu.memory_space<hbm>>) target_semaphore(%run_scoped3A : memref<!tpu.dma_semaphore, #tpu.memory_space<semaphore_mem>>)
      %dma_wait3A = arith.constant 0 : i32
      %dma_wait3A_17 = tpu.memref_slice %arg6[%arg0, %mul3A_12, %dma_wait3A] : memref<2x10112x16xf32, #tpu.memory_space<hbm>> -> memref<1x632x16xf32, #tpu.memory_space<hbm>>
      %dma_wait3A_18 = tpu.memref_squeeze %dma_wait3A_17 : memref<1x632x16xf32, #tpu.memory_space<hbm>> -> memref<632x16xf32, #tpu.memory_space<hbm>>
      %dma_wait3A_19 = arith.constant 0 : i32
      %dma_wait3A_20 = tpu.memref_slice %arg9[%mul3A_10, %dma_wait3A_19] : memref<10112x16xf32, #tpu.memory_space<vmem_shared>> -> memref<632x16xf32, #tpu.memory_space<vmem_shared>>
      tpu.wait_dma2 semaphore(%run_scoped3A : memref<!tpu.dma_semaphore, #tpu.memory_space<semaphore_mem>>) src(%dma_wait3A_20 : memref<632x16xf32, #tpu.memory_space<vmem_shared>>) dst(%dma_wait3A_18 : memref<632x16xf32, #tpu.memory_space<hbm>>)
      tpu.yield
    }) : () -> ()
    return
  }
}

#map = affine_map<(d0, d1) -> (0, 0)>
#map1 = affine_map<(d0, d1) -> (0, 0, 0)>
module attributes {stable_mosaic.version = 14 : i64} {
  func.func @body(%arg0: i32, %arg1: i32, %arg2: memref<10000x48xbf16, #tpu.memory_space<hbm>>, %arg3: memref<32x40x128xi32, #tpu.memory_space<hbm>>, %arg4: memref<32x40x128xi32, #tpu.memory_space<hbm>>, %arg5: memref<632x48xbf16, #tpu.memory_space<hbm>>, %arg6: memref<2x10112x48xbf16, #tpu.memory_space<hbm>>, %arg7: memref<40x128xi32, #tpu.memory_space<vmem>>, %arg8: memref<40x128xi32, #tpu.memory_space<vmem>>, %arg9: memref<10112x48xbf16, #tpu.memory_space<vmem_shared>>, %arg10: memref<!tpu.dma_semaphore, #tpu.memory_space<semaphore_mem>>, %arg11: memref<!tpu.dma_semaphore, #tpu.memory_space<semaphore_mem>>, %arg12: memref<128x48xbf16, #tpu.memory_space<vmem>>, %arg13: memref<128x48xbf16, #tpu.memory_space<vmem>>, %arg14: memref<128x48xbf16, #tpu.memory_space<vmem>>, %arg15: memref<128x48xbf16, #tpu.memory_space<vmem>>, %arg16: memref<128x48xbf16, #tpu.memory_space<vmem>>, %arg17: memref<128x48xbf16, #tpu.memory_space<vmem>>, %arg18: memref<128x48xbf16, #tpu.memory_space<vmem>>, %arg19: memref<128x48xbf16, #tpu.memory_space<vmem>>, %arg20: memref<128x48xbf16, #tpu.memory_space<vmem>>, %arg21: memref<128x48xbf16, #tpu.memory_space<vmem>>) attributes {dimension_semantics = [#tpu.dimension_semantics<core_parallel>, #tpu.dimension_semantics<subcore_parallel>], iteration_bounds = array<i64: 2, 16>, scalar_prefetch = 0 : i64, scratch_operands = 15 : i64, tpu.core_type = #tpu.core_type<sc_vector_subcore>, window_params = [{transform_indices = #map}, {transform_indices = #map1}, {transform_indices = #map1}, {transform_indices = #map}, {transform_indices = #map1}]} {
    %mul3A = arith.constant 2 : i32
    %mul3A_0 = arith.muli %arg1, %mul3A : i32
    %add3A = arith.addi %mul3A_0, %arg0 : i32
    %mul3A_1 = arith.constant 632 : i32
    %mul3A_2 = arith.muli %arg1, %mul3A_1 : i32
    "tpu.region"() ({
      %run_scoped3A = tpu.sem_alloc : memref<!tpu.dma_semaphore, #tpu.memory_space<semaphore_mem>>
      %dma_start3A = arith.constant 0 : i32
      %dma_start3A_13 = tpu.memref_slice %arg9[%mul3A_2, %dma_start3A] : memref<10112x48xbf16, #tpu.memory_space<vmem_shared>> -> memref<632x48xbf16, #tpu.memory_space<vmem_shared>>
      tpu.enqueue_dma source(%arg5 : memref<632x48xbf16, #tpu.memory_space<hbm>>) target(%dma_start3A_13 : memref<632x48xbf16, #tpu.memory_space<vmem_shared>>) target_semaphore(%run_scoped3A : memref<!tpu.dma_semaphore, #tpu.memory_space<semaphore_mem>>)
      %dma_wait3A = arith.constant 0 : i32
      %dma_wait3A_14 = tpu.memref_slice %arg9[%mul3A_2, %dma_wait3A] : memref<10112x48xbf16, #tpu.memory_space<vmem_shared>> -> memref<632x48xbf16, #tpu.memory_space<vmem_shared>>
      tpu.wait_dma2 semaphore(%run_scoped3A : memref<!tpu.dma_semaphore, #tpu.memory_space<semaphore_mem>>) src(%arg5 : memref<632x48xbf16, #tpu.memory_space<hbm>>) dst(%dma_wait3A_14 : memref<632x48xbf16, #tpu.memory_space<vmem_shared>>)
      tpu.yield
    }) : () -> ()
    "tpu.region"() ({
      %run_scoped3A = tpu.sem_alloc : memref<!tpu.dma_semaphore, #tpu.memory_space<semaphore_mem>>
      %dma_start3A = arith.constant 0 : i32
      %dma_start3A_13 = arith.constant 0 : i32
      %dma_start3A_14 = tpu.memref_slice %arg3[%add3A, %dma_start3A, %dma_start3A_13] : memref<32x40x128xi32, #tpu.memory_space<hbm>> -> memref<1x40x128xi32, #tpu.memory_space<hbm>>
      %dma_start3A_15 = tpu.memref_squeeze %dma_start3A_14 : memref<1x40x128xi32, #tpu.memory_space<hbm>> -> memref<40x128xi32, #tpu.memory_space<hbm>>
      %dma_start3A_16 = arith.constant 0 : i32
      %dma_start3A_17 = arith.constant 0 : i32
      %dma_start3A_18 = tpu.memref_slice %arg3[%add3A, %dma_start3A_16, %dma_start3A_17] : memref<32x40x128xi32, #tpu.memory_space<hbm>> -> memref<1x40x128xi32, #tpu.memory_space<hbm>>
      %dma_start3A_19 = tpu.memref_squeeze %dma_start3A_18 : memref<1x40x128xi32, #tpu.memory_space<hbm>> -> memref<40x128xi32, #tpu.memory_space<hbm>>
      tpu.enqueue_dma source(%dma_start3A_19 : memref<40x128xi32, #tpu.memory_space<hbm>>) target(%arg7 : memref<40x128xi32, #tpu.memory_space<vmem>>) target_semaphore(%run_scoped3A : memref<!tpu.dma_semaphore, #tpu.memory_space<semaphore_mem>>)
      %dma_wait3A = arith.constant 0 : i32
      %dma_wait3A_20 = arith.constant 0 : i32
      %dma_wait3A_21 = tpu.memref_slice %arg3[%add3A, %dma_wait3A, %dma_wait3A_20] : memref<32x40x128xi32, #tpu.memory_space<hbm>> -> memref<1x40x128xi32, #tpu.memory_space<hbm>>
      %dma_wait3A_22 = tpu.memref_squeeze %dma_wait3A_21 : memref<1x40x128xi32, #tpu.memory_space<hbm>> -> memref<40x128xi32, #tpu.memory_space<hbm>>
      %dma_wait3A_23 = arith.constant 0 : i32
      %dma_wait3A_24 = arith.constant 0 : i32
      %dma_wait3A_25 = tpu.memref_slice %arg3[%add3A, %dma_wait3A_23, %dma_wait3A_24] : memref<32x40x128xi32, #tpu.memory_space<hbm>> -> memref<1x40x128xi32, #tpu.memory_space<hbm>>
      %dma_wait3A_26 = tpu.memref_squeeze %dma_wait3A_25 : memref<1x40x128xi32, #tpu.memory_space<hbm>> -> memref<40x128xi32, #tpu.memory_space<hbm>>
      tpu.wait_dma2 semaphore(%run_scoped3A : memref<!tpu.dma_semaphore, #tpu.memory_space<semaphore_mem>>) src(%dma_wait3A_26 : memref<40x128xi32, #tpu.memory_space<hbm>>) dst(%arg7 : memref<40x128xi32, #tpu.memory_space<vmem>>)
      tpu.yield
    }) : () -> ()
    "tpu.region"() ({
      %run_scoped3A = tpu.sem_alloc : memref<!tpu.dma_semaphore, #tpu.memory_space<semaphore_mem>>
      %dma_start3A = arith.constant 0 : i32
      %dma_start3A_13 = arith.constant 0 : i32
      %dma_start3A_14 = tpu.memref_slice %arg4[%add3A, %dma_start3A, %dma_start3A_13] : memref<32x40x128xi32, #tpu.memory_space<hbm>> -> memref<1x40x128xi32, #tpu.memory_space<hbm>>
      %dma_start3A_15 = tpu.memref_squeeze %dma_start3A_14 : memref<1x40x128xi32, #tpu.memory_space<hbm>> -> memref<40x128xi32, #tpu.memory_space<hbm>>
      %dma_start3A_16 = arith.constant 0 : i32
      %dma_start3A_17 = arith.constant 0 : i32
      %dma_start3A_18 = tpu.memref_slice %arg4[%add3A, %dma_start3A_16, %dma_start3A_17] : memref<32x40x128xi32, #tpu.memory_space<hbm>> -> memref<1x40x128xi32, #tpu.memory_space<hbm>>
      %dma_start3A_19 = tpu.memref_squeeze %dma_start3A_18 : memref<1x40x128xi32, #tpu.memory_space<hbm>> -> memref<40x128xi32, #tpu.memory_space<hbm>>
      tpu.enqueue_dma source(%dma_start3A_19 : memref<40x128xi32, #tpu.memory_space<hbm>>) target(%arg8 : memref<40x128xi32, #tpu.memory_space<vmem>>) target_semaphore(%run_scoped3A : memref<!tpu.dma_semaphore, #tpu.memory_space<semaphore_mem>>)
      %dma_wait3A = arith.constant 0 : i32
      %dma_wait3A_20 = arith.constant 0 : i32
      %dma_wait3A_21 = tpu.memref_slice %arg4[%add3A, %dma_wait3A, %dma_wait3A_20] : memref<32x40x128xi32, #tpu.memory_space<hbm>> -> memref<1x40x128xi32, #tpu.memory_space<hbm>>
      %dma_wait3A_22 = tpu.memref_squeeze %dma_wait3A_21 : memref<1x40x128xi32, #tpu.memory_space<hbm>> -> memref<40x128xi32, #tpu.memory_space<hbm>>
      %dma_wait3A_23 = arith.constant 0 : i32
      %dma_wait3A_24 = arith.constant 0 : i32
      %dma_wait3A_25 = tpu.memref_slice %arg4[%add3A, %dma_wait3A_23, %dma_wait3A_24] : memref<32x40x128xi32, #tpu.memory_space<hbm>> -> memref<1x40x128xi32, #tpu.memory_space<hbm>>
      %dma_wait3A_26 = tpu.memref_squeeze %dma_wait3A_25 : memref<1x40x128xi32, #tpu.memory_space<hbm>> -> memref<40x128xi32, #tpu.memory_space<hbm>>
      tpu.wait_dma2 semaphore(%run_scoped3A : memref<!tpu.dma_semaphore, #tpu.memory_space<semaphore_mem>>) src(%dma_wait3A_26 : memref<40x128xi32, #tpu.memory_space<hbm>>) dst(%arg8 : memref<40x128xi32, #tpu.memory_space<vmem>>)
      tpu.yield
    }) : () -> ()
    %barrier3A = arith.constant 0 : index
    tpu.barrier barrier_id(%barrier3A)
    %scan3A = arith.constant 0 : i32
    %scan3A_3 = arith.constant 0 : i32
    %scan3A_4 = arith.constant 4 : i32
    %scan3A_5 = arith.addi %scan3A_3, %scan3A_4 : i32
    %scan3A_6 = arith.constant 1 : i32
    scf.for %scan3A_13 = %scan3A_3 to %scan3A_5 step %scan3A_6  : i32 {
      %mul3A_14 = arith.constant 2 : i32
      %mul3A_15 = arith.muli %scan3A_13, %mul3A_14 : i32
      %mul3A_16 = arith.constant 5 : i32
      %mul3A_17 = arith.muli %mul3A_15, %mul3A_16 : i32
      %add3A_18 = arith.constant 0 : i32
      %add3A_19 = arith.addi %mul3A_17, %add3A_18 : i32
      %add3A_20 = arith.constant 0 : i32
      %add3A_21 = arith.addi %add3A_19, %add3A_20 : i32
      %dma_start3A = arith.constant 0 : i32
      %dma_start3A_22 = tpu.memref_slice %arg7[%add3A_21, %dma_start3A] : memref<40x128xi32, #tpu.memory_space<vmem>> -> memref<1x128xi32, #tpu.memory_space<vmem>>
      %dma_start3A_23 = tpu.memref_squeeze %dma_start3A_22 : memref<1x128xi32, #tpu.memory_space<vmem>> -> memref<128xi32, #tpu.memory_space<vmem>>
      %dma_start3A_24 = arith.constant 0 : i32
      %dma_start3A_25 = arith.constant 0 : i32
      %dma_start3A_26 = tpu.memref_slice %arg2[%dma_start3A_24, %dma_start3A_25] : memref<10000x48xbf16, #tpu.memory_space<hbm>> -> memref<10000x48xbf16, #tpu.memory_space<hbm>>
      tpu.enqueue_indirect_dma source(%dma_start3A_26 : memref<10000x48xbf16, #tpu.memory_space<hbm>>) target(%arg12 : memref<128x48xbf16, #tpu.memory_space<vmem>>) offsets(%dma_start3A_23 : memref<128xi32, #tpu.memory_space<vmem>>) semaphore(%arg10 : memref<!tpu.dma_semaphore, #tpu.memory_space<semaphore_mem>>)
      %add3A_27 = arith.constant 0 : i32
      %add3A_28 = arith.addi %mul3A_17, %add3A_27 : i32
      %add3A_29 = arith.constant 1 : i32
      %add3A_30 = arith.addi %add3A_28, %add3A_29 : i32
      %dma_start3A_31 = arith.constant 0 : i32
      %dma_start3A_32 = tpu.memref_slice %arg7[%add3A_30, %dma_start3A_31] : memref<40x128xi32, #tpu.memory_space<vmem>> -> memref<1x128xi32, #tpu.memory_space<vmem>>
      %dma_start3A_33 = tpu.memref_squeeze %dma_start3A_32 : memref<1x128xi32, #tpu.memory_space<vmem>> -> memref<128xi32, #tpu.memory_space<vmem>>
      %dma_start3A_34 = arith.constant 0 : i32
      %dma_start3A_35 = arith.constant 0 : i32
      %dma_start3A_36 = tpu.memref_slice %arg2[%dma_start3A_34, %dma_start3A_35] : memref<10000x48xbf16, #tpu.memory_space<hbm>> -> memref<10000x48xbf16, #tpu.memory_space<hbm>>
      tpu.enqueue_indirect_dma source(%dma_start3A_36 : memref<10000x48xbf16, #tpu.memory_space<hbm>>) target(%arg13 : memref<128x48xbf16, #tpu.memory_space<vmem>>) offsets(%dma_start3A_33 : memref<128xi32, #tpu.memory_space<vmem>>) semaphore(%arg10 : memref<!tpu.dma_semaphore, #tpu.memory_space<semaphore_mem>>)
      %add3A_37 = arith.constant 0 : i32
      %add3A_38 = arith.addi %mul3A_17, %add3A_37 : i32
      %add3A_39 = arith.constant 2 : i32
      %add3A_40 = arith.addi %add3A_38, %add3A_39 : i32
      %dma_start3A_41 = arith.constant 0 : i32
      %dma_start3A_42 = tpu.memref_slice %arg7[%add3A_40, %dma_start3A_41] : memref<40x128xi32, #tpu.memory_space<vmem>> -> memref<1x128xi32, #tpu.memory_space<vmem>>
      %dma_start3A_43 = tpu.memref_squeeze %dma_start3A_42 : memref<1x128xi32, #tpu.memory_space<vmem>> -> memref<128xi32, #tpu.memory_space<vmem>>
      %dma_start3A_44 = arith.constant 0 : i32
      %dma_start3A_45 = arith.constant 0 : i32
      %dma_start3A_46 = tpu.memref_slice %arg2[%dma_start3A_44, %dma_start3A_45] : memref<10000x48xbf16, #tpu.memory_space<hbm>> -> memref<10000x48xbf16, #tpu.memory_space<hbm>>
      tpu.enqueue_indirect_dma source(%dma_start3A_46 : memref<10000x48xbf16, #tpu.memory_space<hbm>>) target(%arg14 : memref<128x48xbf16, #tpu.memory_space<vmem>>) offsets(%dma_start3A_43 : memref<128xi32, #tpu.memory_space<vmem>>) semaphore(%arg10 : memref<!tpu.dma_semaphore, #tpu.memory_space<semaphore_mem>>)
      %add3A_47 = arith.constant 0 : i32
      %add3A_48 = arith.addi %mul3A_17, %add3A_47 : i32
      %add3A_49 = arith.constant 3 : i32
      %add3A_50 = arith.addi %add3A_48, %add3A_49 : i32
      %dma_start3A_51 = arith.constant 0 : i32
      %dma_start3A_52 = tpu.memref_slice %arg7[%add3A_50, %dma_start3A_51] : memref<40x128xi32, #tpu.memory_space<vmem>> -> memref<1x128xi32, #tpu.memory_space<vmem>>
      %dma_start3A_53 = tpu.memref_squeeze %dma_start3A_52 : memref<1x128xi32, #tpu.memory_space<vmem>> -> memref<128xi32, #tpu.memory_space<vmem>>
      %dma_start3A_54 = arith.constant 0 : i32
      %dma_start3A_55 = arith.constant 0 : i32
      %dma_start3A_56 = tpu.memref_slice %arg2[%dma_start3A_54, %dma_start3A_55] : memref<10000x48xbf16, #tpu.memory_space<hbm>> -> memref<10000x48xbf16, #tpu.memory_space<hbm>>
      tpu.enqueue_indirect_dma source(%dma_start3A_56 : memref<10000x48xbf16, #tpu.memory_space<hbm>>) target(%arg15 : memref<128x48xbf16, #tpu.memory_space<vmem>>) offsets(%dma_start3A_53 : memref<128xi32, #tpu.memory_space<vmem>>) semaphore(%arg10 : memref<!tpu.dma_semaphore, #tpu.memory_space<semaphore_mem>>)
      %add3A_57 = arith.constant 0 : i32
      %add3A_58 = arith.addi %mul3A_17, %add3A_57 : i32
      %add3A_59 = arith.constant 4 : i32
      %add3A_60 = arith.addi %add3A_58, %add3A_59 : i32
      %dma_start3A_61 = arith.constant 0 : i32
      %dma_start3A_62 = tpu.memref_slice %arg7[%add3A_60, %dma_start3A_61] : memref<40x128xi32, #tpu.memory_space<vmem>> -> memref<1x128xi32, #tpu.memory_space<vmem>>
      %dma_start3A_63 = tpu.memref_squeeze %dma_start3A_62 : memref<1x128xi32, #tpu.memory_space<vmem>> -> memref<128xi32, #tpu.memory_space<vmem>>
      %dma_start3A_64 = arith.constant 0 : i32
      %dma_start3A_65 = arith.constant 0 : i32
      %dma_start3A_66 = tpu.memref_slice %arg2[%dma_start3A_64, %dma_start3A_65] : memref<10000x48xbf16, #tpu.memory_space<hbm>> -> memref<10000x48xbf16, #tpu.memory_space<hbm>>
      tpu.enqueue_indirect_dma source(%dma_start3A_66 : memref<10000x48xbf16, #tpu.memory_space<hbm>>) target(%arg16 : memref<128x48xbf16, #tpu.memory_space<vmem>>) offsets(%dma_start3A_63 : memref<128xi32, #tpu.memory_space<vmem>>) semaphore(%arg10 : memref<!tpu.dma_semaphore, #tpu.memory_space<semaphore_mem>>)
      %dma_wait3A = arith.constant 0 : i32
      %dma_wait3A_67 = tpu.memref_slice %arg7[%add3A_21, %dma_wait3A] : memref<40x128xi32, #tpu.memory_space<vmem>> -> memref<1x128xi32, #tpu.memory_space<vmem>>
      %dma_wait3A_68 = tpu.memref_squeeze %dma_wait3A_67 : memref<1x128xi32, #tpu.memory_space<vmem>> -> memref<128xi32, #tpu.memory_space<vmem>>
      %dma_wait3A_69 = arith.constant 0 : i32
      %dma_wait3A_70 = arith.constant 0 : i32
      %dma_wait3A_71 = tpu.memref_slice %arg2[%dma_wait3A_69, %dma_wait3A_70] : memref<10000x48xbf16, #tpu.memory_space<hbm>> -> memref<10000x48xbf16, #tpu.memory_space<hbm>>
      tpu.wait_indirect_dma semaphore(%arg10 : memref<!tpu.dma_semaphore, #tpu.memory_space<semaphore_mem>>) src(%dma_wait3A_71 : memref<10000x48xbf16, #tpu.memory_space<hbm>>) dst(%arg12 : memref<128x48xbf16, #tpu.memory_space<vmem>>)
      %add3A_72 = arith.constant 0 : i32
      %add3A_73 = arith.addi %mul3A_17, %add3A_72 : i32
      %add3A_74 = arith.constant 0 : i32
      %add3A_75 = arith.addi %add3A_73, %add3A_74 : i32
      %dma_start3A_76 = arith.constant 0 : i32
      %dma_start3A_77 = tpu.memref_slice %arg8[%add3A_75, %dma_start3A_76] : memref<40x128xi32, #tpu.memory_space<vmem>> -> memref<1x128xi32, #tpu.memory_space<vmem>>
      %dma_start3A_78 = tpu.memref_squeeze %dma_start3A_77 : memref<1x128xi32, #tpu.memory_space<vmem>> -> memref<128xi32, #tpu.memory_space<vmem>>
      %dma_start3A_79 = arith.constant 0 : i32
      %dma_start3A_80 = arith.constant 0 : i32
      %dma_start3A_81 = tpu.memref_slice %arg9[%dma_start3A_79, %dma_start3A_80] : memref<10112x48xbf16, #tpu.memory_space<vmem_shared>> -> memref<10112x48xbf16, #tpu.memory_space<vmem_shared>>
      tpu.enqueue_indirect_dma source(%arg12 : memref<128x48xbf16, #tpu.memory_space<vmem>>) target(%dma_start3A_81 : memref<10112x48xbf16, #tpu.memory_space<vmem_shared>>) offsets(%dma_start3A_78 : memref<128xi32, #tpu.memory_space<vmem>>) semaphore(%arg11 : memref<!tpu.dma_semaphore, #tpu.memory_space<semaphore_mem>>) {add = true}
      %dma_wait3A_82 = arith.constant 0 : i32
      %dma_wait3A_83 = tpu.memref_slice %arg7[%add3A_30, %dma_wait3A_82] : memref<40x128xi32, #tpu.memory_space<vmem>> -> memref<1x128xi32, #tpu.memory_space<vmem>>
      %dma_wait3A_84 = tpu.memref_squeeze %dma_wait3A_83 : memref<1x128xi32, #tpu.memory_space<vmem>> -> memref<128xi32, #tpu.memory_space<vmem>>
      %dma_wait3A_85 = arith.constant 0 : i32
      %dma_wait3A_86 = arith.constant 0 : i32
      %dma_wait3A_87 = tpu.memref_slice %arg2[%dma_wait3A_85, %dma_wait3A_86] : memref<10000x48xbf16, #tpu.memory_space<hbm>> -> memref<10000x48xbf16, #tpu.memory_space<hbm>>
      tpu.wait_indirect_dma semaphore(%arg10 : memref<!tpu.dma_semaphore, #tpu.memory_space<semaphore_mem>>) src(%dma_wait3A_87 : memref<10000x48xbf16, #tpu.memory_space<hbm>>) dst(%arg13 : memref<128x48xbf16, #tpu.memory_space<vmem>>)
      %add3A_88 = arith.constant 0 : i32
      %add3A_89 = arith.addi %mul3A_17, %add3A_88 : i32
      %add3A_90 = arith.constant 1 : i32
      %add3A_91 = arith.addi %add3A_89, %add3A_90 : i32
      %dma_start3A_92 = arith.constant 0 : i32
      %dma_start3A_93 = tpu.memref_slice %arg8[%add3A_91, %dma_start3A_92] : memref<40x128xi32, #tpu.memory_space<vmem>> -> memref<1x128xi32, #tpu.memory_space<vmem>>
      %dma_start3A_94 = tpu.memref_squeeze %dma_start3A_93 : memref<1x128xi32, #tpu.memory_space<vmem>> -> memref<128xi32, #tpu.memory_space<vmem>>
      %dma_start3A_95 = arith.constant 0 : i32
      %dma_start3A_96 = arith.constant 0 : i32
      %dma_start3A_97 = tpu.memref_slice %arg9[%dma_start3A_95, %dma_start3A_96] : memref<10112x48xbf16, #tpu.memory_space<vmem_shared>> -> memref<10112x48xbf16, #tpu.memory_space<vmem_shared>>
      tpu.enqueue_indirect_dma source(%arg13 : memref<128x48xbf16, #tpu.memory_space<vmem>>) target(%dma_start3A_97 : memref<10112x48xbf16, #tpu.memory_space<vmem_shared>>) offsets(%dma_start3A_94 : memref<128xi32, #tpu.memory_space<vmem>>) semaphore(%arg11 : memref<!tpu.dma_semaphore, #tpu.memory_space<semaphore_mem>>) {add = true}
      %dma_wait3A_98 = arith.constant 0 : i32
      %dma_wait3A_99 = tpu.memref_slice %arg7[%add3A_40, %dma_wait3A_98] : memref<40x128xi32, #tpu.memory_space<vmem>> -> memref<1x128xi32, #tpu.memory_space<vmem>>
      %dma_wait3A_100 = tpu.memref_squeeze %dma_wait3A_99 : memref<1x128xi32, #tpu.memory_space<vmem>> -> memref<128xi32, #tpu.memory_space<vmem>>
      %dma_wait3A_101 = arith.constant 0 : i32
      %dma_wait3A_102 = arith.constant 0 : i32
      %dma_wait3A_103 = tpu.memref_slice %arg2[%dma_wait3A_101, %dma_wait3A_102] : memref<10000x48xbf16, #tpu.memory_space<hbm>> -> memref<10000x48xbf16, #tpu.memory_space<hbm>>
      tpu.wait_indirect_dma semaphore(%arg10 : memref<!tpu.dma_semaphore, #tpu.memory_space<semaphore_mem>>) src(%dma_wait3A_103 : memref<10000x48xbf16, #tpu.memory_space<hbm>>) dst(%arg14 : memref<128x48xbf16, #tpu.memory_space<vmem>>)
      %add3A_104 = arith.constant 0 : i32
      %add3A_105 = arith.addi %mul3A_17, %add3A_104 : i32
      %add3A_106 = arith.constant 2 : i32
      %add3A_107 = arith.addi %add3A_105, %add3A_106 : i32
      %dma_start3A_108 = arith.constant 0 : i32
      %dma_start3A_109 = tpu.memref_slice %arg8[%add3A_107, %dma_start3A_108] : memref<40x128xi32, #tpu.memory_space<vmem>> -> memref<1x128xi32, #tpu.memory_space<vmem>>
      %dma_start3A_110 = tpu.memref_squeeze %dma_start3A_109 : memref<1x128xi32, #tpu.memory_space<vmem>> -> memref<128xi32, #tpu.memory_space<vmem>>
      %dma_start3A_111 = arith.constant 0 : i32
      %dma_start3A_112 = arith.constant 0 : i32
      %dma_start3A_113 = tpu.memref_slice %arg9[%dma_start3A_111, %dma_start3A_112] : memref<10112x48xbf16, #tpu.memory_space<vmem_shared>> -> memref<10112x48xbf16, #tpu.memory_space<vmem_shared>>
      tpu.enqueue_indirect_dma source(%arg14 : memref<128x48xbf16, #tpu.memory_space<vmem>>) target(%dma_start3A_113 : memref<10112x48xbf16, #tpu.memory_space<vmem_shared>>) offsets(%dma_start3A_110 : memref<128xi32, #tpu.memory_space<vmem>>) semaphore(%arg11 : memref<!tpu.dma_semaphore, #tpu.memory_space<semaphore_mem>>) {add = true}
      %dma_wait3A_114 = arith.constant 0 : i32
      %dma_wait3A_115 = tpu.memref_slice %arg7[%add3A_50, %dma_wait3A_114] : memref<40x128xi32, #tpu.memory_space<vmem>> -> memref<1x128xi32, #tpu.memory_space<vmem>>
      %dma_wait3A_116 = tpu.memref_squeeze %dma_wait3A_115 : memref<1x128xi32, #tpu.memory_space<vmem>> -> memref<128xi32, #tpu.memory_space<vmem>>
      %dma_wait3A_117 = arith.constant 0 : i32
      %dma_wait3A_118 = arith.constant 0 : i32
      %dma_wait3A_119 = tpu.memref_slice %arg2[%dma_wait3A_117, %dma_wait3A_118] : memref<10000x48xbf16, #tpu.memory_space<hbm>> -> memref<10000x48xbf16, #tpu.memory_space<hbm>>
      tpu.wait_indirect_dma semaphore(%arg10 : memref<!tpu.dma_semaphore, #tpu.memory_space<semaphore_mem>>) src(%dma_wait3A_119 : memref<10000x48xbf16, #tpu.memory_space<hbm>>) dst(%arg15 : memref<128x48xbf16, #tpu.memory_space<vmem>>)
      %add3A_120 = arith.constant 0 : i32
      %add3A_121 = arith.addi %mul3A_17, %add3A_120 : i32
      %add3A_122 = arith.constant 3 : i32
      %add3A_123 = arith.addi %add3A_121, %add3A_122 : i32
      %dma_start3A_124 = arith.constant 0 : i32
      %dma_start3A_125 = tpu.memref_slice %arg8[%add3A_123, %dma_start3A_124] : memref<40x128xi32, #tpu.memory_space<vmem>> -> memref<1x128xi32, #tpu.memory_space<vmem>>
      %dma_start3A_126 = tpu.memref_squeeze %dma_start3A_125 : memref<1x128xi32, #tpu.memory_space<vmem>> -> memref<128xi32, #tpu.memory_space<vmem>>
      %dma_start3A_127 = arith.constant 0 : i32
      %dma_start3A_128 = arith.constant 0 : i32
      %dma_start3A_129 = tpu.memref_slice %arg9[%dma_start3A_127, %dma_start3A_128] : memref<10112x48xbf16, #tpu.memory_space<vmem_shared>> -> memref<10112x48xbf16, #tpu.memory_space<vmem_shared>>
      tpu.enqueue_indirect_dma source(%arg15 : memref<128x48xbf16, #tpu.memory_space<vmem>>) target(%dma_start3A_129 : memref<10112x48xbf16, #tpu.memory_space<vmem_shared>>) offsets(%dma_start3A_126 : memref<128xi32, #tpu.memory_space<vmem>>) semaphore(%arg11 : memref<!tpu.dma_semaphore, #tpu.memory_space<semaphore_mem>>) {add = true}
      %dma_wait3A_130 = arith.constant 0 : i32
      %dma_wait3A_131 = tpu.memref_slice %arg7[%add3A_60, %dma_wait3A_130] : memref<40x128xi32, #tpu.memory_space<vmem>> -> memref<1x128xi32, #tpu.memory_space<vmem>>
      %dma_wait3A_132 = tpu.memref_squeeze %dma_wait3A_131 : memref<1x128xi32, #tpu.memory_space<vmem>> -> memref<128xi32, #tpu.memory_space<vmem>>
      %dma_wait3A_133 = arith.constant 0 : i32
      %dma_wait3A_134 = arith.constant 0 : i32
      %dma_wait3A_135 = tpu.memref_slice %arg2[%dma_wait3A_133, %dma_wait3A_134] : memref<10000x48xbf16, #tpu.memory_space<hbm>> -> memref<10000x48xbf16, #tpu.memory_space<hbm>>
      tpu.wait_indirect_dma semaphore(%arg10 : memref<!tpu.dma_semaphore, #tpu.memory_space<semaphore_mem>>) src(%dma_wait3A_135 : memref<10000x48xbf16, #tpu.memory_space<hbm>>) dst(%arg16 : memref<128x48xbf16, #tpu.memory_space<vmem>>)
      %add3A_136 = arith.constant 0 : i32
      %add3A_137 = arith.addi %mul3A_17, %add3A_136 : i32
      %add3A_138 = arith.constant 4 : i32
      %add3A_139 = arith.addi %add3A_137, %add3A_138 : i32
      %dma_start3A_140 = arith.constant 0 : i32
      %dma_start3A_141 = tpu.memref_slice %arg8[%add3A_139, %dma_start3A_140] : memref<40x128xi32, #tpu.memory_space<vmem>> -> memref<1x128xi32, #tpu.memory_space<vmem>>
      %dma_start3A_142 = tpu.memref_squeeze %dma_start3A_141 : memref<1x128xi32, #tpu.memory_space<vmem>> -> memref<128xi32, #tpu.memory_space<vmem>>
      %dma_start3A_143 = arith.constant 0 : i32
      %dma_start3A_144 = arith.constant 0 : i32
      %dma_start3A_145 = tpu.memref_slice %arg9[%dma_start3A_143, %dma_start3A_144] : memref<10112x48xbf16, #tpu.memory_space<vmem_shared>> -> memref<10112x48xbf16, #tpu.memory_space<vmem_shared>>
      tpu.enqueue_indirect_dma source(%arg16 : memref<128x48xbf16, #tpu.memory_space<vmem>>) target(%dma_start3A_145 : memref<10112x48xbf16, #tpu.memory_space<vmem_shared>>) offsets(%dma_start3A_142 : memref<128xi32, #tpu.memory_space<vmem>>) semaphore(%arg11 : memref<!tpu.dma_semaphore, #tpu.memory_space<semaphore_mem>>) {add = true}
      %add3A_146 = arith.constant 5 : i32
      %add3A_147 = arith.addi %mul3A_17, %add3A_146 : i32
      %add3A_148 = arith.constant 0 : i32
      %add3A_149 = arith.addi %add3A_147, %add3A_148 : i32
      %dma_start3A_150 = arith.constant 0 : i32
      %dma_start3A_151 = tpu.memref_slice %arg7[%add3A_149, %dma_start3A_150] : memref<40x128xi32, #tpu.memory_space<vmem>> -> memref<1x128xi32, #tpu.memory_space<vmem>>
      %dma_start3A_152 = tpu.memref_squeeze %dma_start3A_151 : memref<1x128xi32, #tpu.memory_space<vmem>> -> memref<128xi32, #tpu.memory_space<vmem>>
      %dma_start3A_153 = arith.constant 0 : i32
      %dma_start3A_154 = arith.constant 0 : i32
      %dma_start3A_155 = tpu.memref_slice %arg2[%dma_start3A_153, %dma_start3A_154] : memref<10000x48xbf16, #tpu.memory_space<hbm>> -> memref<10000x48xbf16, #tpu.memory_space<hbm>>
      tpu.enqueue_indirect_dma source(%dma_start3A_155 : memref<10000x48xbf16, #tpu.memory_space<hbm>>) target(%arg17 : memref<128x48xbf16, #tpu.memory_space<vmem>>) offsets(%dma_start3A_152 : memref<128xi32, #tpu.memory_space<vmem>>) semaphore(%arg10 : memref<!tpu.dma_semaphore, #tpu.memory_space<semaphore_mem>>)
      %add3A_156 = arith.constant 5 : i32
      %add3A_157 = arith.addi %mul3A_17, %add3A_156 : i32
      %add3A_158 = arith.constant 1 : i32
      %add3A_159 = arith.addi %add3A_157, %add3A_158 : i32
      %dma_start3A_160 = arith.constant 0 : i32
      %dma_start3A_161 = tpu.memref_slice %arg7[%add3A_159, %dma_start3A_160] : memref<40x128xi32, #tpu.memory_space<vmem>> -> memref<1x128xi32, #tpu.memory_space<vmem>>
      %dma_start3A_162 = tpu.memref_squeeze %dma_start3A_161 : memref<1x128xi32, #tpu.memory_space<vmem>> -> memref<128xi32, #tpu.memory_space<vmem>>
      %dma_start3A_163 = arith.constant 0 : i32
      %dma_start3A_164 = arith.constant 0 : i32
      %dma_start3A_165 = tpu.memref_slice %arg2[%dma_start3A_163, %dma_start3A_164] : memref<10000x48xbf16, #tpu.memory_space<hbm>> -> memref<10000x48xbf16, #tpu.memory_space<hbm>>
      tpu.enqueue_indirect_dma source(%dma_start3A_165 : memref<10000x48xbf16, #tpu.memory_space<hbm>>) target(%arg18 : memref<128x48xbf16, #tpu.memory_space<vmem>>) offsets(%dma_start3A_162 : memref<128xi32, #tpu.memory_space<vmem>>) semaphore(%arg10 : memref<!tpu.dma_semaphore, #tpu.memory_space<semaphore_mem>>)
      %add3A_166 = arith.constant 5 : i32
      %add3A_167 = arith.addi %mul3A_17, %add3A_166 : i32
      %add3A_168 = arith.constant 2 : i32
      %add3A_169 = arith.addi %add3A_167, %add3A_168 : i32
      %dma_start3A_170 = arith.constant 0 : i32
      %dma_start3A_171 = tpu.memref_slice %arg7[%add3A_169, %dma_start3A_170] : memref<40x128xi32, #tpu.memory_space<vmem>> -> memref<1x128xi32, #tpu.memory_space<vmem>>
      %dma_start3A_172 = tpu.memref_squeeze %dma_start3A_171 : memref<1x128xi32, #tpu.memory_space<vmem>> -> memref<128xi32, #tpu.memory_space<vmem>>
      %dma_start3A_173 = arith.constant 0 : i32
      %dma_start3A_174 = arith.constant 0 : i32
      %dma_start3A_175 = tpu.memref_slice %arg2[%dma_start3A_173, %dma_start3A_174] : memref<10000x48xbf16, #tpu.memory_space<hbm>> -> memref<10000x48xbf16, #tpu.memory_space<hbm>>
      tpu.enqueue_indirect_dma source(%dma_start3A_175 : memref<10000x48xbf16, #tpu.memory_space<hbm>>) target(%arg19 : memref<128x48xbf16, #tpu.memory_space<vmem>>) offsets(%dma_start3A_172 : memref<128xi32, #tpu.memory_space<vmem>>) semaphore(%arg10 : memref<!tpu.dma_semaphore, #tpu.memory_space<semaphore_mem>>)
      %add3A_176 = arith.constant 5 : i32
      %add3A_177 = arith.addi %mul3A_17, %add3A_176 : i32
      %add3A_178 = arith.constant 3 : i32
      %add3A_179 = arith.addi %add3A_177, %add3A_178 : i32
      %dma_start3A_180 = arith.constant 0 : i32
      %dma_start3A_181 = tpu.memref_slice %arg7[%add3A_179, %dma_start3A_180] : memref<40x128xi32, #tpu.memory_space<vmem>> -> memref<1x128xi32, #tpu.memory_space<vmem>>
      %dma_start3A_182 = tpu.memref_squeeze %dma_start3A_181 : memref<1x128xi32, #tpu.memory_space<vmem>> -> memref<128xi32, #tpu.memory_space<vmem>>
      %dma_start3A_183 = arith.constant 0 : i32
      %dma_start3A_184 = arith.constant 0 : i32
      %dma_start3A_185 = tpu.memref_slice %arg2[%dma_start3A_183, %dma_start3A_184] : memref<10000x48xbf16, #tpu.memory_space<hbm>> -> memref<10000x48xbf16, #tpu.memory_space<hbm>>
      tpu.enqueue_indirect_dma source(%dma_start3A_185 : memref<10000x48xbf16, #tpu.memory_space<hbm>>) target(%arg20 : memref<128x48xbf16, #tpu.memory_space<vmem>>) offsets(%dma_start3A_182 : memref<128xi32, #tpu.memory_space<vmem>>) semaphore(%arg10 : memref<!tpu.dma_semaphore, #tpu.memory_space<semaphore_mem>>)
      %add3A_186 = arith.constant 5 : i32
      %add3A_187 = arith.addi %mul3A_17, %add3A_186 : i32
      %add3A_188 = arith.constant 4 : i32
      %add3A_189 = arith.addi %add3A_187, %add3A_188 : i32
      %dma_start3A_190 = arith.constant 0 : i32
      %dma_start3A_191 = tpu.memref_slice %arg7[%add3A_189, %dma_start3A_190] : memref<40x128xi32, #tpu.memory_space<vmem>> -> memref<1x128xi32, #tpu.memory_space<vmem>>
      %dma_start3A_192 = tpu.memref_squeeze %dma_start3A_191 : memref<1x128xi32, #tpu.memory_space<vmem>> -> memref<128xi32, #tpu.memory_space<vmem>>
      %dma_start3A_193 = arith.constant 0 : i32
      %dma_start3A_194 = arith.constant 0 : i32
      %dma_start3A_195 = tpu.memref_slice %arg2[%dma_start3A_193, %dma_start3A_194] : memref<10000x48xbf16, #tpu.memory_space<hbm>> -> memref<10000x48xbf16, #tpu.memory_space<hbm>>
      tpu.enqueue_indirect_dma source(%dma_start3A_195 : memref<10000x48xbf16, #tpu.memory_space<hbm>>) target(%arg21 : memref<128x48xbf16, #tpu.memory_space<vmem>>) offsets(%dma_start3A_192 : memref<128xi32, #tpu.memory_space<vmem>>) semaphore(%arg10 : memref<!tpu.dma_semaphore, #tpu.memory_space<semaphore_mem>>)
      %dma_wait3A_196 = arith.constant 0 : i32
      %dma_wait3A_197 = tpu.memref_slice %arg7[%add3A_149, %dma_wait3A_196] : memref<40x128xi32, #tpu.memory_space<vmem>> -> memref<1x128xi32, #tpu.memory_space<vmem>>
      %dma_wait3A_198 = tpu.memref_squeeze %dma_wait3A_197 : memref<1x128xi32, #tpu.memory_space<vmem>> -> memref<128xi32, #tpu.memory_space<vmem>>
      %dma_wait3A_199 = arith.constant 0 : i32
      %dma_wait3A_200 = arith.constant 0 : i32
      %dma_wait3A_201 = tpu.memref_slice %arg2[%dma_wait3A_199, %dma_wait3A_200] : memref<10000x48xbf16, #tpu.memory_space<hbm>> -> memref<10000x48xbf16, #tpu.memory_space<hbm>>
      tpu.wait_indirect_dma semaphore(%arg10 : memref<!tpu.dma_semaphore, #tpu.memory_space<semaphore_mem>>) src(%dma_wait3A_201 : memref<10000x48xbf16, #tpu.memory_space<hbm>>) dst(%arg17 : memref<128x48xbf16, #tpu.memory_space<vmem>>)
      %add3A_202 = arith.constant 5 : i32
      %add3A_203 = arith.addi %mul3A_17, %add3A_202 : i32
      %add3A_204 = arith.constant 0 : i32
      %add3A_205 = arith.addi %add3A_203, %add3A_204 : i32
      %dma_start3A_206 = arith.constant 0 : i32
      %dma_start3A_207 = tpu.memref_slice %arg8[%add3A_205, %dma_start3A_206] : memref<40x128xi32, #tpu.memory_space<vmem>> -> memref<1x128xi32, #tpu.memory_space<vmem>>
      %dma_start3A_208 = tpu.memref_squeeze %dma_start3A_207 : memref<1x128xi32, #tpu.memory_space<vmem>> -> memref<128xi32, #tpu.memory_space<vmem>>
      %dma_start3A_209 = arith.constant 0 : i32
      %dma_start3A_210 = arith.constant 0 : i32
      %dma_start3A_211 = tpu.memref_slice %arg9[%dma_start3A_209, %dma_start3A_210] : memref<10112x48xbf16, #tpu.memory_space<vmem_shared>> -> memref<10112x48xbf16, #tpu.memory_space<vmem_shared>>
      tpu.enqueue_indirect_dma source(%arg17 : memref<128x48xbf16, #tpu.memory_space<vmem>>) target(%dma_start3A_211 : memref<10112x48xbf16, #tpu.memory_space<vmem_shared>>) offsets(%dma_start3A_208 : memref<128xi32, #tpu.memory_space<vmem>>) semaphore(%arg11 : memref<!tpu.dma_semaphore, #tpu.memory_space<semaphore_mem>>) {add = true}
      %dma_wait3A_212 = arith.constant 0 : i32
      %dma_wait3A_213 = tpu.memref_slice %arg7[%add3A_159, %dma_wait3A_212] : memref<40x128xi32, #tpu.memory_space<vmem>> -> memref<1x128xi32, #tpu.memory_space<vmem>>
      %dma_wait3A_214 = tpu.memref_squeeze %dma_wait3A_213 : memref<1x128xi32, #tpu.memory_space<vmem>> -> memref<128xi32, #tpu.memory_space<vmem>>
      %dma_wait3A_215 = arith.constant 0 : i32
      %dma_wait3A_216 = arith.constant 0 : i32
      %dma_wait3A_217 = tpu.memref_slice %arg2[%dma_wait3A_215, %dma_wait3A_216] : memref<10000x48xbf16, #tpu.memory_space<hbm>> -> memref<10000x48xbf16, #tpu.memory_space<hbm>>
      tpu.wait_indirect_dma semaphore(%arg10 : memref<!tpu.dma_semaphore, #tpu.memory_space<semaphore_mem>>) src(%dma_wait3A_217 : memref<10000x48xbf16, #tpu.memory_space<hbm>>) dst(%arg18 : memref<128x48xbf16, #tpu.memory_space<vmem>>)
      %add3A_218 = arith.constant 5 : i32
      %add3A_219 = arith.addi %mul3A_17, %add3A_218 : i32
      %add3A_220 = arith.constant 1 : i32
      %add3A_221 = arith.addi %add3A_219, %add3A_220 : i32
      %dma_start3A_222 = arith.constant 0 : i32
      %dma_start3A_223 = tpu.memref_slice %arg8[%add3A_221, %dma_start3A_222] : memref<40x128xi32, #tpu.memory_space<vmem>> -> memref<1x128xi32, #tpu.memory_space<vmem>>
      %dma_start3A_224 = tpu.memref_squeeze %dma_start3A_223 : memref<1x128xi32, #tpu.memory_space<vmem>> -> memref<128xi32, #tpu.memory_space<vmem>>
      %dma_start3A_225 = arith.constant 0 : i32
      %dma_start3A_226 = arith.constant 0 : i32
      %dma_start3A_227 = tpu.memref_slice %arg9[%dma_start3A_225, %dma_start3A_226] : memref<10112x48xbf16, #tpu.memory_space<vmem_shared>> -> memref<10112x48xbf16, #tpu.memory_space<vmem_shared>>
      tpu.enqueue_indirect_dma source(%arg18 : memref<128x48xbf16, #tpu.memory_space<vmem>>) target(%dma_start3A_227 : memref<10112x48xbf16, #tpu.memory_space<vmem_shared>>) offsets(%dma_start3A_224 : memref<128xi32, #tpu.memory_space<vmem>>) semaphore(%arg11 : memref<!tpu.dma_semaphore, #tpu.memory_space<semaphore_mem>>) {add = true}
      %dma_wait3A_228 = arith.constant 0 : i32
      %dma_wait3A_229 = tpu.memref_slice %arg7[%add3A_169, %dma_wait3A_228] : memref<40x128xi32, #tpu.memory_space<vmem>> -> memref<1x128xi32, #tpu.memory_space<vmem>>
      %dma_wait3A_230 = tpu.memref_squeeze %dma_wait3A_229 : memref<1x128xi32, #tpu.memory_space<vmem>> -> memref<128xi32, #tpu.memory_space<vmem>>
      %dma_wait3A_231 = arith.constant 0 : i32
      %dma_wait3A_232 = arith.constant 0 : i32
      %dma_wait3A_233 = tpu.memref_slice %arg2[%dma_wait3A_231, %dma_wait3A_232] : memref<10000x48xbf16, #tpu.memory_space<hbm>> -> memref<10000x48xbf16, #tpu.memory_space<hbm>>
      tpu.wait_indirect_dma semaphore(%arg10 : memref<!tpu.dma_semaphore, #tpu.memory_space<semaphore_mem>>) src(%dma_wait3A_233 : memref<10000x48xbf16, #tpu.memory_space<hbm>>) dst(%arg19 : memref<128x48xbf16, #tpu.memory_space<vmem>>)
      %add3A_234 = arith.constant 5 : i32
      %add3A_235 = arith.addi %mul3A_17, %add3A_234 : i32
      %add3A_236 = arith.constant 2 : i32
      %add3A_237 = arith.addi %add3A_235, %add3A_236 : i32
      %dma_start3A_238 = arith.constant 0 : i32
      %dma_start3A_239 = tpu.memref_slice %arg8[%add3A_237, %dma_start3A_238] : memref<40x128xi32, #tpu.memory_space<vmem>> -> memref<1x128xi32, #tpu.memory_space<vmem>>
      %dma_start3A_240 = tpu.memref_squeeze %dma_start3A_239 : memref<1x128xi32, #tpu.memory_space<vmem>> -> memref<128xi32, #tpu.memory_space<vmem>>
      %dma_start3A_241 = arith.constant 0 : i32
      %dma_start3A_242 = arith.constant 0 : i32
      %dma_start3A_243 = tpu.memref_slice %arg9[%dma_start3A_241, %dma_start3A_242] : memref<10112x48xbf16, #tpu.memory_space<vmem_shared>> -> memref<10112x48xbf16, #tpu.memory_space<vmem_shared>>
      tpu.enqueue_indirect_dma source(%arg19 : memref<128x48xbf16, #tpu.memory_space<vmem>>) target(%dma_start3A_243 : memref<10112x48xbf16, #tpu.memory_space<vmem_shared>>) offsets(%dma_start3A_240 : memref<128xi32, #tpu.memory_space<vmem>>) semaphore(%arg11 : memref<!tpu.dma_semaphore, #tpu.memory_space<semaphore_mem>>) {add = true}
      %dma_wait3A_244 = arith.constant 0 : i32
      %dma_wait3A_245 = tpu.memref_slice %arg7[%add3A_179, %dma_wait3A_244] : memref<40x128xi32, #tpu.memory_space<vmem>> -> memref<1x128xi32, #tpu.memory_space<vmem>>
      %dma_wait3A_246 = tpu.memref_squeeze %dma_wait3A_245 : memref<1x128xi32, #tpu.memory_space<vmem>> -> memref<128xi32, #tpu.memory_space<vmem>>
      %dma_wait3A_247 = arith.constant 0 : i32
      %dma_wait3A_248 = arith.constant 0 : i32
      %dma_wait3A_249 = tpu.memref_slice %arg2[%dma_wait3A_247, %dma_wait3A_248] : memref<10000x48xbf16, #tpu.memory_space<hbm>> -> memref<10000x48xbf16, #tpu.memory_space<hbm>>
      tpu.wait_indirect_dma semaphore(%arg10 : memref<!tpu.dma_semaphore, #tpu.memory_space<semaphore_mem>>) src(%dma_wait3A_249 : memref<10000x48xbf16, #tpu.memory_space<hbm>>) dst(%arg20 : memref<128x48xbf16, #tpu.memory_space<vmem>>)
      %add3A_250 = arith.constant 5 : i32
      %add3A_251 = arith.addi %mul3A_17, %add3A_250 : i32
      %add3A_252 = arith.constant 3 : i32
      %add3A_253 = arith.addi %add3A_251, %add3A_252 : i32
      %dma_start3A_254 = arith.constant 0 : i32
      %dma_start3A_255 = tpu.memref_slice %arg8[%add3A_253, %dma_start3A_254] : memref<40x128xi32, #tpu.memory_space<vmem>> -> memref<1x128xi32, #tpu.memory_space<vmem>>
      %dma_start3A_256 = tpu.memref_squeeze %dma_start3A_255 : memref<1x128xi32, #tpu.memory_space<vmem>> -> memref<128xi32, #tpu.memory_space<vmem>>
      %dma_start3A_257 = arith.constant 0 : i32
      %dma_start3A_258 = arith.constant 0 : i32
      %dma_start3A_259 = tpu.memref_slice %arg9[%dma_start3A_257, %dma_start3A_258] : memref<10112x48xbf16, #tpu.memory_space<vmem_shared>> -> memref<10112x48xbf16, #tpu.memory_space<vmem_shared>>
      tpu.enqueue_indirect_dma source(%arg20 : memref<128x48xbf16, #tpu.memory_space<vmem>>) target(%dma_start3A_259 : memref<10112x48xbf16, #tpu.memory_space<vmem_shared>>) offsets(%dma_start3A_256 : memref<128xi32, #tpu.memory_space<vmem>>) semaphore(%arg11 : memref<!tpu.dma_semaphore, #tpu.memory_space<semaphore_mem>>) {add = true}
      %dma_wait3A_260 = arith.constant 0 : i32
      %dma_wait3A_261 = tpu.memref_slice %arg7[%add3A_189, %dma_wait3A_260] : memref<40x128xi32, #tpu.memory_space<vmem>> -> memref<1x128xi32, #tpu.memory_space<vmem>>
      %dma_wait3A_262 = tpu.memref_squeeze %dma_wait3A_261 : memref<1x128xi32, #tpu.memory_space<vmem>> -> memref<128xi32, #tpu.memory_space<vmem>>
      %dma_wait3A_263 = arith.constant 0 : i32
      %dma_wait3A_264 = arith.constant 0 : i32
      %dma_wait3A_265 = tpu.memref_slice %arg2[%dma_wait3A_263, %dma_wait3A_264] : memref<10000x48xbf16, #tpu.memory_space<hbm>> -> memref<10000x48xbf16, #tpu.memory_space<hbm>>
      tpu.wait_indirect_dma semaphore(%arg10 : memref<!tpu.dma_semaphore, #tpu.memory_space<semaphore_mem>>) src(%dma_wait3A_265 : memref<10000x48xbf16, #tpu.memory_space<hbm>>) dst(%arg21 : memref<128x48xbf16, #tpu.memory_space<vmem>>)
      %add3A_266 = arith.constant 5 : i32
      %add3A_267 = arith.addi %mul3A_17, %add3A_266 : i32
      %add3A_268 = arith.constant 4 : i32
      %add3A_269 = arith.addi %add3A_267, %add3A_268 : i32
      %dma_start3A_270 = arith.constant 0 : i32
      %dma_start3A_271 = tpu.memref_slice %arg8[%add3A_269, %dma_start3A_270] : memref<40x128xi32, #tpu.memory_space<vmem>> -> memref<1x128xi32, #tpu.memory_space<vmem>>
      %dma_start3A_272 = tpu.memref_squeeze %dma_start3A_271 : memref<1x128xi32, #tpu.memory_space<vmem>> -> memref<128xi32, #tpu.memory_space<vmem>>
      %dma_start3A_273 = arith.constant 0 : i32
      %dma_start3A_274 = arith.constant 0 : i32
      %dma_start3A_275 = tpu.memref_slice %arg9[%dma_start3A_273, %dma_start3A_274] : memref<10112x48xbf16, #tpu.memory_space<vmem_shared>> -> memref<10112x48xbf16, #tpu.memory_space<vmem_shared>>
      tpu.enqueue_indirect_dma source(%arg21 : memref<128x48xbf16, #tpu.memory_space<vmem>>) target(%dma_start3A_275 : memref<10112x48xbf16, #tpu.memory_space<vmem_shared>>) offsets(%dma_start3A_272 : memref<128xi32, #tpu.memory_space<vmem>>) semaphore(%arg11 : memref<!tpu.dma_semaphore, #tpu.memory_space<semaphore_mem>>) {add = true}
      %dma_wait3A_276 = arith.constant 0 : i32
      %dma_wait3A_277 = tpu.memref_slice %arg8[%add3A_75, %dma_wait3A_276] : memref<40x128xi32, #tpu.memory_space<vmem>> -> memref<1x128xi32, #tpu.memory_space<vmem>>
      %dma_wait3A_278 = tpu.memref_squeeze %dma_wait3A_277 : memref<1x128xi32, #tpu.memory_space<vmem>> -> memref<128xi32, #tpu.memory_space<vmem>>
      %dma_wait3A_279 = arith.constant 0 : i32
      %dma_wait3A_280 = arith.constant 0 : i32
      %dma_wait3A_281 = tpu.memref_slice %arg9[%dma_wait3A_279, %dma_wait3A_280] : memref<10112x48xbf16, #tpu.memory_space<vmem_shared>> -> memref<10112x48xbf16, #tpu.memory_space<vmem_shared>>
      tpu.wait_indirect_dma semaphore(%arg11 : memref<!tpu.dma_semaphore, #tpu.memory_space<semaphore_mem>>) src(%arg12 : memref<128x48xbf16, #tpu.memory_space<vmem>>) dst(%dma_wait3A_281 : memref<10112x48xbf16, #tpu.memory_space<vmem_shared>>)
      %dma_wait3A_282 = arith.constant 0 : i32
      %dma_wait3A_283 = tpu.memref_slice %arg8[%add3A_91, %dma_wait3A_282] : memref<40x128xi32, #tpu.memory_space<vmem>> -> memref<1x128xi32, #tpu.memory_space<vmem>>
      %dma_wait3A_284 = tpu.memref_squeeze %dma_wait3A_283 : memref<1x128xi32, #tpu.memory_space<vmem>> -> memref<128xi32, #tpu.memory_space<vmem>>
      %dma_wait3A_285 = arith.constant 0 : i32
      %dma_wait3A_286 = arith.constant 0 : i32
      %dma_wait3A_287 = tpu.memref_slice %arg9[%dma_wait3A_285, %dma_wait3A_286] : memref<10112x48xbf16, #tpu.memory_space<vmem_shared>> -> memref<10112x48xbf16, #tpu.memory_space<vmem_shared>>
      tpu.wait_indirect_dma semaphore(%arg11 : memref<!tpu.dma_semaphore, #tpu.memory_space<semaphore_mem>>) src(%arg13 : memref<128x48xbf16, #tpu.memory_space<vmem>>) dst(%dma_wait3A_287 : memref<10112x48xbf16, #tpu.memory_space<vmem_shared>>)
      %dma_wait3A_288 = arith.constant 0 : i32
      %dma_wait3A_289 = tpu.memref_slice %arg8[%add3A_107, %dma_wait3A_288] : memref<40x128xi32, #tpu.memory_space<vmem>> -> memref<1x128xi32, #tpu.memory_space<vmem>>
      %dma_wait3A_290 = tpu.memref_squeeze %dma_wait3A_289 : memref<1x128xi32, #tpu.memory_space<vmem>> -> memref<128xi32, #tpu.memory_space<vmem>>
      %dma_wait3A_291 = arith.constant 0 : i32
      %dma_wait3A_292 = arith.constant 0 : i32
      %dma_wait3A_293 = tpu.memref_slice %arg9[%dma_wait3A_291, %dma_wait3A_292] : memref<10112x48xbf16, #tpu.memory_space<vmem_shared>> -> memref<10112x48xbf16, #tpu.memory_space<vmem_shared>>
      tpu.wait_indirect_dma semaphore(%arg11 : memref<!tpu.dma_semaphore, #tpu.memory_space<semaphore_mem>>) src(%arg14 : memref<128x48xbf16, #tpu.memory_space<vmem>>) dst(%dma_wait3A_293 : memref<10112x48xbf16, #tpu.memory_space<vmem_shared>>)
      %dma_wait3A_294 = arith.constant 0 : i32
      %dma_wait3A_295 = tpu.memref_slice %arg8[%add3A_123, %dma_wait3A_294] : memref<40x128xi32, #tpu.memory_space<vmem>> -> memref<1x128xi32, #tpu.memory_space<vmem>>
      %dma_wait3A_296 = tpu.memref_squeeze %dma_wait3A_295 : memref<1x128xi32, #tpu.memory_space<vmem>> -> memref<128xi32, #tpu.memory_space<vmem>>
      %dma_wait3A_297 = arith.constant 0 : i32
      %dma_wait3A_298 = arith.constant 0 : i32
      %dma_wait3A_299 = tpu.memref_slice %arg9[%dma_wait3A_297, %dma_wait3A_298] : memref<10112x48xbf16, #tpu.memory_space<vmem_shared>> -> memref<10112x48xbf16, #tpu.memory_space<vmem_shared>>
      tpu.wait_indirect_dma semaphore(%arg11 : memref<!tpu.dma_semaphore, #tpu.memory_space<semaphore_mem>>) src(%arg15 : memref<128x48xbf16, #tpu.memory_space<vmem>>) dst(%dma_wait3A_299 : memref<10112x48xbf16, #tpu.memory_space<vmem_shared>>)
      %dma_wait3A_300 = arith.constant 0 : i32
      %dma_wait3A_301 = tpu.memref_slice %arg8[%add3A_139, %dma_wait3A_300] : memref<40x128xi32, #tpu.memory_space<vmem>> -> memref<1x128xi32, #tpu.memory_space<vmem>>
      %dma_wait3A_302 = tpu.memref_squeeze %dma_wait3A_301 : memref<1x128xi32, #tpu.memory_space<vmem>> -> memref<128xi32, #tpu.memory_space<vmem>>
      %dma_wait3A_303 = arith.constant 0 : i32
      %dma_wait3A_304 = arith.constant 0 : i32
      %dma_wait3A_305 = tpu.memref_slice %arg9[%dma_wait3A_303, %dma_wait3A_304] : memref<10112x48xbf16, #tpu.memory_space<vmem_shared>> -> memref<10112x48xbf16, #tpu.memory_space<vmem_shared>>
      tpu.wait_indirect_dma semaphore(%arg11 : memref<!tpu.dma_semaphore, #tpu.memory_space<semaphore_mem>>) src(%arg16 : memref<128x48xbf16, #tpu.memory_space<vmem>>) dst(%dma_wait3A_305 : memref<10112x48xbf16, #tpu.memory_space<vmem_shared>>)
      %dma_wait3A_306 = arith.constant 0 : i32
      %dma_wait3A_307 = tpu.memref_slice %arg8[%add3A_205, %dma_wait3A_306] : memref<40x128xi32, #tpu.memory_space<vmem>> -> memref<1x128xi32, #tpu.memory_space<vmem>>
      %dma_wait3A_308 = tpu.memref_squeeze %dma_wait3A_307 : memref<1x128xi32, #tpu.memory_space<vmem>> -> memref<128xi32, #tpu.memory_space<vmem>>
      %dma_wait3A_309 = arith.constant 0 : i32
      %dma_wait3A_310 = arith.constant 0 : i32
      %dma_wait3A_311 = tpu.memref_slice %arg9[%dma_wait3A_309, %dma_wait3A_310] : memref<10112x48xbf16, #tpu.memory_space<vmem_shared>> -> memref<10112x48xbf16, #tpu.memory_space<vmem_shared>>
      tpu.wait_indirect_dma semaphore(%arg11 : memref<!tpu.dma_semaphore, #tpu.memory_space<semaphore_mem>>) src(%arg17 : memref<128x48xbf16, #tpu.memory_space<vmem>>) dst(%dma_wait3A_311 : memref<10112x48xbf16, #tpu.memory_space<vmem_shared>>)
      %dma_wait3A_312 = arith.constant 0 : i32
      %dma_wait3A_313 = tpu.memref_slice %arg8[%add3A_221, %dma_wait3A_312] : memref<40x128xi32, #tpu.memory_space<vmem>> -> memref<1x128xi32, #tpu.memory_space<vmem>>
      %dma_wait3A_314 = tpu.memref_squeeze %dma_wait3A_313 : memref<1x128xi32, #tpu.memory_space<vmem>> -> memref<128xi32, #tpu.memory_space<vmem>>
      %dma_wait3A_315 = arith.constant 0 : i32
      %dma_wait3A_316 = arith.constant 0 : i32
      %dma_wait3A_317 = tpu.memref_slice %arg9[%dma_wait3A_315, %dma_wait3A_316] : memref<10112x48xbf16, #tpu.memory_space<vmem_shared>> -> memref<10112x48xbf16, #tpu.memory_space<vmem_shared>>
      tpu.wait_indirect_dma semaphore(%arg11 : memref<!tpu.dma_semaphore, #tpu.memory_space<semaphore_mem>>) src(%arg18 : memref<128x48xbf16, #tpu.memory_space<vmem>>) dst(%dma_wait3A_317 : memref<10112x48xbf16, #tpu.memory_space<vmem_shared>>)
      %dma_wait3A_318 = arith.constant 0 : i32
      %dma_wait3A_319 = tpu.memref_slice %arg8[%add3A_237, %dma_wait3A_318] : memref<40x128xi32, #tpu.memory_space<vmem>> -> memref<1x128xi32, #tpu.memory_space<vmem>>
      %dma_wait3A_320 = tpu.memref_squeeze %dma_wait3A_319 : memref<1x128xi32, #tpu.memory_space<vmem>> -> memref<128xi32, #tpu.memory_space<vmem>>
      %dma_wait3A_321 = arith.constant 0 : i32
      %dma_wait3A_322 = arith.constant 0 : i32
      %dma_wait3A_323 = tpu.memref_slice %arg9[%dma_wait3A_321, %dma_wait3A_322] : memref<10112x48xbf16, #tpu.memory_space<vmem_shared>> -> memref<10112x48xbf16, #tpu.memory_space<vmem_shared>>
      tpu.wait_indirect_dma semaphore(%arg11 : memref<!tpu.dma_semaphore, #tpu.memory_space<semaphore_mem>>) src(%arg19 : memref<128x48xbf16, #tpu.memory_space<vmem>>) dst(%dma_wait3A_323 : memref<10112x48xbf16, #tpu.memory_space<vmem_shared>>)
      %dma_wait3A_324 = arith.constant 0 : i32
      %dma_wait3A_325 = tpu.memref_slice %arg8[%add3A_253, %dma_wait3A_324] : memref<40x128xi32, #tpu.memory_space<vmem>> -> memref<1x128xi32, #tpu.memory_space<vmem>>
      %dma_wait3A_326 = tpu.memref_squeeze %dma_wait3A_325 : memref<1x128xi32, #tpu.memory_space<vmem>> -> memref<128xi32, #tpu.memory_space<vmem>>
      %dma_wait3A_327 = arith.constant 0 : i32
      %dma_wait3A_328 = arith.constant 0 : i32
      %dma_wait3A_329 = tpu.memref_slice %arg9[%dma_wait3A_327, %dma_wait3A_328] : memref<10112x48xbf16, #tpu.memory_space<vmem_shared>> -> memref<10112x48xbf16, #tpu.memory_space<vmem_shared>>
      tpu.wait_indirect_dma semaphore(%arg11 : memref<!tpu.dma_semaphore, #tpu.memory_space<semaphore_mem>>) src(%arg20 : memref<128x48xbf16, #tpu.memory_space<vmem>>) dst(%dma_wait3A_329 : memref<10112x48xbf16, #tpu.memory_space<vmem_shared>>)
      %dma_wait3A_330 = arith.constant 0 : i32
      %dma_wait3A_331 = tpu.memref_slice %arg8[%add3A_269, %dma_wait3A_330] : memref<40x128xi32, #tpu.memory_space<vmem>> -> memref<1x128xi32, #tpu.memory_space<vmem>>
      %dma_wait3A_332 = tpu.memref_squeeze %dma_wait3A_331 : memref<1x128xi32, #tpu.memory_space<vmem>> -> memref<128xi32, #tpu.memory_space<vmem>>
      %dma_wait3A_333 = arith.constant 0 : i32
      %dma_wait3A_334 = arith.constant 0 : i32
      %dma_wait3A_335 = tpu.memref_slice %arg9[%dma_wait3A_333, %dma_wait3A_334] : memref<10112x48xbf16, #tpu.memory_space<vmem_shared>> -> memref<10112x48xbf16, #tpu.memory_space<vmem_shared>>
      tpu.wait_indirect_dma semaphore(%arg11 : memref<!tpu.dma_semaphore, #tpu.memory_space<semaphore_mem>>) src(%arg21 : memref<128x48xbf16, #tpu.memory_space<vmem>>) dst(%dma_wait3A_335 : memref<10112x48xbf16, #tpu.memory_space<vmem_shared>>)
    }
    %scan3A_7 = arith.constant 4 : i32
    %barrier3A_8 = arith.constant 0 : index
    tpu.barrier barrier_id(%barrier3A_8)
    %mul3A_9 = arith.constant 632 : i32
    %mul3A_10 = arith.muli %arg1, %mul3A_9 : i32
    %mul3A_11 = arith.constant 632 : i32
    %mul3A_12 = arith.muli %arg1, %mul3A_11 : i32
    "tpu.region"() ({
      %run_scoped3A = tpu.sem_alloc : memref<!tpu.dma_semaphore, #tpu.memory_space<semaphore_mem>>
      %dma_start3A = arith.constant 0 : i32
      %dma_start3A_13 = tpu.memref_slice %arg6[%arg0, %mul3A_12, %dma_start3A] : memref<2x10112x48xbf16, #tpu.memory_space<hbm>> -> memref<1x632x48xbf16, #tpu.memory_space<hbm>>
      %dma_start3A_14 = tpu.memref_squeeze %dma_start3A_13 : memref<1x632x48xbf16, #tpu.memory_space<hbm>> -> memref<632x48xbf16, #tpu.memory_space<hbm>>
      %dma_start3A_15 = arith.constant 0 : i32
      %dma_start3A_16 = tpu.memref_slice %arg9[%mul3A_10, %dma_start3A_15] : memref<10112x48xbf16, #tpu.memory_space<vmem_shared>> -> memref<632x48xbf16, #tpu.memory_space<vmem_shared>>
      tpu.enqueue_dma source(%dma_start3A_16 : memref<632x48xbf16, #tpu.memory_space<vmem_shared>>) target(%dma_start3A_14 : memref<632x48xbf16, #tpu.memory_space<hbm>>) target_semaphore(%run_scoped3A : memref<!tpu.dma_semaphore, #tpu.memory_space<semaphore_mem>>)
      %dma_wait3A = arith.constant 0 : i32
      %dma_wait3A_17 = tpu.memref_slice %arg6[%arg0, %mul3A_12, %dma_wait3A] : memref<2x10112x48xbf16, #tpu.memory_space<hbm>> -> memref<1x632x48xbf16, #tpu.memory_space<hbm>>
      %dma_wait3A_18 = tpu.memref_squeeze %dma_wait3A_17 : memref<1x632x48xbf16, #tpu.memory_space<hbm>> -> memref<632x48xbf16, #tpu.memory_space<hbm>>
      %dma_wait3A_19 = arith.constant 0 : i32
      %dma_wait3A_20 = tpu.memref_slice %arg9[%mul3A_10, %dma_wait3A_19] : memref<10112x48xbf16, #tpu.memory_space<vmem_shared>> -> memref<632x48xbf16, #tpu.memory_space<vmem_shared>>
      tpu.wait_dma2 semaphore(%run_scoped3A : memref<!tpu.dma_semaphore, #tpu.memory_space<semaphore_mem>>) src(%dma_wait3A_20 : memref<632x48xbf16, #tpu.memory_space<vmem_shared>>) dst(%dma_wait3A_18 : memref<632x48xbf16, #tpu.memory_space<hbm>>)
      tpu.yield
    }) : () -> ()
    return
  }
}

#map = affine_map<(d0, d1) -> (0, 0)>
#map1 = affine_map<(d0, d1) -> (0, 0, 0, 0)>
#map2 = affine_map<(d0, d1) -> (0, 0, 0)>
module attributes {stable_mosaic.version = 14 : i64} {
  func.func @body(%arg0: i32, %arg1: i32, %arg2: memref<20000x64xbf16, #tpu.memory_space<hbm>>, %arg3: memref<2x16x80x128xi32, #tpu.memory_space<hbm>>, %arg4: memref<16x80x128xi32, #tpu.memory_space<hbm>>, %arg5: memref<632x64xbf16, #tpu.memory_space<hbm>>, %arg6: memref<2x10112x64xbf16, #tpu.memory_space<hbm>>, %arg7: memref<80x128xi32, #tpu.memory_space<vmem>>, %arg8: memref<80x128xi32, #tpu.memory_space<vmem>>, %arg9: memref<10112x64xbf16, #tpu.memory_space<vmem_shared>>, %arg10: memref<!tpu.dma_semaphore, #tpu.memory_space<semaphore_mem>>, %arg11: memref<!tpu.dma_semaphore, #tpu.memory_space<semaphore_mem>>, %arg12: memref<128x64xbf16, #tpu.memory_space<vmem>>, %arg13: memref<128x64xbf16, #tpu.memory_space<vmem>>, %arg14: memref<128x64xbf16, #tpu.memory_space<vmem>>, %arg15: memref<128x64xbf16, #tpu.memory_space<vmem>>, %arg16: memref<128x64xbf16, #tpu.memory_space<vmem>>, %arg17: memref<128x64xbf16, #tpu.memory_space<vmem>>, %arg18: memref<128x64xbf16, #tpu.memory_space<vmem>>, %arg19: memref<128x64xbf16, #tpu.memory_space<vmem>>) attributes {dimension_semantics = [#tpu.dimension_semantics<core_parallel>, #tpu.dimension_semantics<subcore_parallel>], iteration_bounds = array<i64: 2, 16>, scalar_prefetch = 0 : i64, scratch_operands = 13 : i64, tpu.core_type = #tpu.core_type<sc_vector_subcore>, window_params = [{transform_indices = #map}, {transform_indices = #map1}, {transform_indices = #map2}, {transform_indices = #map}, {transform_indices = #map2}]} {
    %mul3A = arith.constant 632 : i32
    %mul3A_0 = arith.muli %arg1, %mul3A : i32
    "tpu.region"() ({
      %run_scoped3A = tpu.sem_alloc : memref<!tpu.dma_semaphore, #tpu.memory_space<semaphore_mem>>
      %dma_start3A = arith.constant 0 : i32
      %dma_start3A_11 = tpu.memref_slice %arg9[%mul3A_0, %dma_start3A] : memref<10112x64xbf16, #tpu.memory_space<vmem_shared>> -> memref<632x64xbf16, #tpu.memory_space<vmem_shared>>
      tpu.enqueue_dma source(%arg5 : memref<632x64xbf16, #tpu.memory_space<hbm>>) target(%dma_start3A_11 : memref<632x64xbf16, #tpu.memory_space<vmem_shared>>) target_semaphore(%run_scoped3A : memref<!tpu.dma_semaphore, #tpu.memory_space<semaphore_mem>>)
      %dma_wait3A = arith.constant 0 : i32
      %dma_wait3A_12 = tpu.memref_slice %arg9[%mul3A_0, %dma_wait3A] : memref<10112x64xbf16, #tpu.memory_space<vmem_shared>> -> memref<632x64xbf16, #tpu.memory_space<vmem_shared>>
      tpu.wait_dma2 semaphore(%run_scoped3A : memref<!tpu.dma_semaphore, #tpu.memory_space<semaphore_mem>>) src(%arg5 : memref<632x64xbf16, #tpu.memory_space<hbm>>) dst(%dma_wait3A_12 : memref<632x64xbf16, #tpu.memory_space<vmem_shared>>)
      tpu.yield
    }) : () -> ()
    "tpu.region"() ({
      %run_scoped3A = tpu.sem_alloc : memref<!tpu.dma_semaphore, #tpu.memory_space<semaphore_mem>>
      %dma_start3A = arith.constant 0 : i32
      %dma_start3A_11 = arith.constant 0 : i32
      %dma_start3A_12 = tpu.memref_slice %arg3[%arg0, %arg1, %dma_start3A, %dma_start3A_11] : memref<2x16x80x128xi32, #tpu.memory_space<hbm>> -> memref<1x1x80x128xi32, #tpu.memory_space<hbm>>
      %dma_start3A_13 = tpu.memref_squeeze %dma_start3A_12 : memref<1x1x80x128xi32, #tpu.memory_space<hbm>> -> memref<80x128xi32, #tpu.memory_space<hbm>>
      %dma_start3A_14 = arith.constant 0 : i32
      %dma_start3A_15 = arith.constant 0 : i32
      %dma_start3A_16 = tpu.memref_slice %arg3[%arg0, %arg1, %dma_start3A_14, %dma_start3A_15] : memref<2x16x80x128xi32, #tpu.memory_space<hbm>> -> memref<1x1x80x128xi32, #tpu.memory_space<hbm>>
      %dma_start3A_17 = tpu.memref_squeeze %dma_start3A_16 : memref<1x1x80x128xi32, #tpu.memory_space<hbm>> -> memref<80x128xi32, #tpu.memory_space<hbm>>
      tpu.enqueue_dma source(%dma_start3A_17 : memref<80x128xi32, #tpu.memory_space<hbm>>) target(%arg7 : memref<80x128xi32, #tpu.memory_space<vmem>>) target_semaphore(%run_scoped3A : memref<!tpu.dma_semaphore, #tpu.memory_space<semaphore_mem>>)
      %dma_wait3A = arith.constant 0 : i32
      %dma_wait3A_18 = arith.constant 0 : i32
      %dma_wait3A_19 = tpu.memref_slice %arg3[%arg0, %arg1, %dma_wait3A, %dma_wait3A_18] : memref<2x16x80x128xi32, #tpu.memory_space<hbm>> -> memref<1x1x80x128xi32, #tpu.memory_space<hbm>>
      %dma_wait3A_20 = tpu.memref_squeeze %dma_wait3A_19 : memref<1x1x80x128xi32, #tpu.memory_space<hbm>> -> memref<80x128xi32, #tpu.memory_space<hbm>>
      %dma_wait3A_21 = arith.constant 0 : i32
      %dma_wait3A_22 = arith.constant 0 : i32
      %dma_wait3A_23 = tpu.memref_slice %arg3[%arg0, %arg1, %dma_wait3A_21, %dma_wait3A_22] : memref<2x16x80x128xi32, #tpu.memory_space<hbm>> -> memref<1x1x80x128xi32, #tpu.memory_space<hbm>>
      %dma_wait3A_24 = tpu.memref_squeeze %dma_wait3A_23 : memref<1x1x80x128xi32, #tpu.memory_space<hbm>> -> memref<80x128xi32, #tpu.memory_space<hbm>>
      tpu.wait_dma2 semaphore(%run_scoped3A : memref<!tpu.dma_semaphore, #tpu.memory_space<semaphore_mem>>) src(%dma_wait3A_24 : memref<80x128xi32, #tpu.memory_space<hbm>>) dst(%arg7 : memref<80x128xi32, #tpu.memory_space<vmem>>)
      tpu.yield
    }) : () -> ()
    "tpu.region"() ({
      %run_scoped3A = tpu.sem_alloc : memref<!tpu.dma_semaphore, #tpu.memory_space<semaphore_mem>>
      %dma_start3A = arith.constant 0 : i32
      %dma_start3A_11 = arith.constant 0 : i32
      %dma_start3A_12 = tpu.memref_slice %arg4[%arg1, %dma_start3A, %dma_start3A_11] : memref<16x80x128xi32, #tpu.memory_space<hbm>> -> memref<1x80x128xi32, #tpu.memory_space<hbm>>
      %dma_start3A_13 = tpu.memref_squeeze %dma_start3A_12 : memref<1x80x128xi32, #tpu.memory_space<hbm>> -> memref<80x128xi32, #tpu.memory_space<hbm>>
      %dma_start3A_14 = arith.constant 0 : i32
      %dma_start3A_15 = arith.constant 0 : i32
      %dma_start3A_16 = tpu.memref_slice %arg4[%arg1, %dma_start3A_14, %dma_start3A_15] : memref<16x80x128xi32, #tpu.memory_space<hbm>> -> memref<1x80x128xi32, #tpu.memory_space<hbm>>
      %dma_start3A_17 = tpu.memref_squeeze %dma_start3A_16 : memref<1x80x128xi32, #tpu.memory_space<hbm>> -> memref<80x128xi32, #tpu.memory_space<hbm>>
      tpu.enqueue_dma source(%dma_start3A_17 : memref<80x128xi32, #tpu.memory_space<hbm>>) target(%arg8 : memref<80x128xi32, #tpu.memory_space<vmem>>) target_semaphore(%run_scoped3A : memref<!tpu.dma_semaphore, #tpu.memory_space<semaphore_mem>>)
      %dma_wait3A = arith.constant 0 : i32
      %dma_wait3A_18 = arith.constant 0 : i32
      %dma_wait3A_19 = tpu.memref_slice %arg4[%arg1, %dma_wait3A, %dma_wait3A_18] : memref<16x80x128xi32, #tpu.memory_space<hbm>> -> memref<1x80x128xi32, #tpu.memory_space<hbm>>
      %dma_wait3A_20 = tpu.memref_squeeze %dma_wait3A_19 : memref<1x80x128xi32, #tpu.memory_space<hbm>> -> memref<80x128xi32, #tpu.memory_space<hbm>>
      %dma_wait3A_21 = arith.constant 0 : i32
      %dma_wait3A_22 = arith.constant 0 : i32
      %dma_wait3A_23 = tpu.memref_slice %arg4[%arg1, %dma_wait3A_21, %dma_wait3A_22] : memref<16x80x128xi32, #tpu.memory_space<hbm>> -> memref<1x80x128xi32, #tpu.memory_space<hbm>>
      %dma_wait3A_24 = tpu.memref_squeeze %dma_wait3A_23 : memref<1x80x128xi32, #tpu.memory_space<hbm>> -> memref<80x128xi32, #tpu.memory_space<hbm>>
      tpu.wait_dma2 semaphore(%run_scoped3A : memref<!tpu.dma_semaphore, #tpu.memory_space<semaphore_mem>>) src(%dma_wait3A_24 : memref<80x128xi32, #tpu.memory_space<hbm>>) dst(%arg8 : memref<80x128xi32, #tpu.memory_space<vmem>>)
      tpu.yield
    }) : () -> ()
    %barrier3A = arith.constant 0 : index
    tpu.barrier barrier_id(%barrier3A)
    %scan3A = arith.constant 0 : i32
    %scan3A_1 = arith.constant 0 : i32
    %scan3A_2 = arith.constant 10 : i32
    %scan3A_3 = arith.addi %scan3A_1, %scan3A_2 : i32
    %scan3A_4 = arith.constant 1 : i32
    scf.for %scan3A_11 = %scan3A_1 to %scan3A_3 step %scan3A_4  : i32 {
      %mul3A_12 = arith.constant 2 : i32
      %mul3A_13 = arith.muli %scan3A_11, %mul3A_12 : i32
      %mul3A_14 = arith.constant 4 : i32
      %mul3A_15 = arith.muli %mul3A_13, %mul3A_14 : i32
      %add3A = arith.constant 0 : i32
      %add3A_16 = arith.addi %mul3A_15, %add3A : i32
      %dma_start3A = arith.constant 0 : i32
      %dma_start3A_17 = tpu.memref_slice %arg7[%add3A_16, %dma_start3A] : memref<80x128xi32, #tpu.memory_space<vmem>> -> memref<1x128xi32, #tpu.memory_space<vmem>>
      %dma_start3A_18 = tpu.memref_squeeze %dma_start3A_17 : memref<1x128xi32, #tpu.memory_space<vmem>> -> memref<128xi32, #tpu.memory_space<vmem>>
      %dma_start3A_19 = arith.constant 0 : i32
      %dma_start3A_20 = arith.constant 0 : i32
      %dma_start3A_21 = tpu.memref_slice %arg2[%dma_start3A_19, %dma_start3A_20] : memref<20000x64xbf16, #tpu.memory_space<hbm>> -> memref<20000x64xbf16, #tpu.memory_space<hbm>>
      tpu.enqueue_indirect_dma source(%dma_start3A_21 : memref<20000x64xbf16, #tpu.memory_space<hbm>>) target(%arg12 : memref<128x64xbf16, #tpu.memory_space<vmem>>) offsets(%dma_start3A_18 : memref<128xi32, #tpu.memory_space<vmem>>) semaphore(%arg10 : memref<!tpu.dma_semaphore, #tpu.memory_space<semaphore_mem>>)
      %add3A_22 = arith.constant 1 : i32
      %add3A_23 = arith.addi %mul3A_15, %add3A_22 : i32
      %dma_start3A_24 = arith.constant 0 : i32
      %dma_start3A_25 = tpu.memref_slice %arg7[%add3A_23, %dma_start3A_24] : memref<80x128xi32, #tpu.memory_space<vmem>> -> memref<1x128xi32, #tpu.memory_space<vmem>>
      %dma_start3A_26 = tpu.memref_squeeze %dma_start3A_25 : memref<1x128xi32, #tpu.memory_space<vmem>> -> memref<128xi32, #tpu.memory_space<vmem>>
      %dma_start3A_27 = arith.constant 0 : i32
      %dma_start3A_28 = arith.constant 0 : i32
      %dma_start3A_29 = tpu.memref_slice %arg2[%dma_start3A_27, %dma_start3A_28] : memref<20000x64xbf16, #tpu.memory_space<hbm>> -> memref<20000x64xbf16, #tpu.memory_space<hbm>>
      tpu.enqueue_indirect_dma source(%dma_start3A_29 : memref<20000x64xbf16, #tpu.memory_space<hbm>>) target(%arg13 : memref<128x64xbf16, #tpu.memory_space<vmem>>) offsets(%dma_start3A_26 : memref<128xi32, #tpu.memory_space<vmem>>) semaphore(%arg10 : memref<!tpu.dma_semaphore, #tpu.memory_space<semaphore_mem>>)
      %add3A_30 = arith.constant 2 : i32
      %add3A_31 = arith.addi %mul3A_15, %add3A_30 : i32
      %dma_start3A_32 = arith.constant 0 : i32
      %dma_start3A_33 = tpu.memref_slice %arg7[%add3A_31, %dma_start3A_32] : memref<80x128xi32, #tpu.memory_space<vmem>> -> memref<1x128xi32, #tpu.memory_space<vmem>>
      %dma_start3A_34 = tpu.memref_squeeze %dma_start3A_33 : memref<1x128xi32, #tpu.memory_space<vmem>> -> memref<128xi32, #tpu.memory_space<vmem>>
      %dma_start3A_35 = arith.constant 0 : i32
      %dma_start3A_36 = arith.constant 0 : i32
      %dma_start3A_37 = tpu.memref_slice %arg2[%dma_start3A_35, %dma_start3A_36] : memref<20000x64xbf16, #tpu.memory_space<hbm>> -> memref<20000x64xbf16, #tpu.memory_space<hbm>>
      tpu.enqueue_indirect_dma source(%dma_start3A_37 : memref<20000x64xbf16, #tpu.memory_space<hbm>>) target(%arg14 : memref<128x64xbf16, #tpu.memory_space<vmem>>) offsets(%dma_start3A_34 : memref<128xi32, #tpu.memory_space<vmem>>) semaphore(%arg10 : memref<!tpu.dma_semaphore, #tpu.memory_space<semaphore_mem>>)
      %add3A_38 = arith.constant 3 : i32
      %add3A_39 = arith.addi %mul3A_15, %add3A_38 : i32
      %dma_start3A_40 = arith.constant 0 : i32
      %dma_start3A_41 = tpu.memref_slice %arg7[%add3A_39, %dma_start3A_40] : memref<80x128xi32, #tpu.memory_space<vmem>> -> memref<1x128xi32, #tpu.memory_space<vmem>>
      %dma_start3A_42 = tpu.memref_squeeze %dma_start3A_41 : memref<1x128xi32, #tpu.memory_space<vmem>> -> memref<128xi32, #tpu.memory_space<vmem>>
      %dma_start3A_43 = arith.constant 0 : i32
      %dma_start3A_44 = arith.constant 0 : i32
      %dma_start3A_45 = tpu.memref_slice %arg2[%dma_start3A_43, %dma_start3A_44] : memref<20000x64xbf16, #tpu.memory_space<hbm>> -> memref<20000x64xbf16, #tpu.memory_space<hbm>>
      tpu.enqueue_indirect_dma source(%dma_start3A_45 : memref<20000x64xbf16, #tpu.memory_space<hbm>>) target(%arg15 : memref<128x64xbf16, #tpu.memory_space<vmem>>) offsets(%dma_start3A_42 : memref<128xi32, #tpu.memory_space<vmem>>) semaphore(%arg10 : memref<!tpu.dma_semaphore, #tpu.memory_space<semaphore_mem>>)
      %dma_wait3A = arith.constant 0 : i32
      %dma_wait3A_46 = tpu.memref_slice %arg7[%add3A_16, %dma_wait3A] : memref<80x128xi32, #tpu.memory_space<vmem>> -> memref<1x128xi32, #tpu.memory_space<vmem>>
      %dma_wait3A_47 = tpu.memref_squeeze %dma_wait3A_46 : memref<1x128xi32, #tpu.memory_space<vmem>> -> memref<128xi32, #tpu.memory_space<vmem>>
      %dma_wait3A_48 = arith.constant 0 : i32
      %dma_wait3A_49 = arith.constant 0 : i32
      %dma_wait3A_50 = tpu.memref_slice %arg2[%dma_wait3A_48, %dma_wait3A_49] : memref<20000x64xbf16, #tpu.memory_space<hbm>> -> memref<20000x64xbf16, #tpu.memory_space<hbm>>
      tpu.wait_indirect_dma semaphore(%arg10 : memref<!tpu.dma_semaphore, #tpu.memory_space<semaphore_mem>>) src(%dma_wait3A_50 : memref<20000x64xbf16, #tpu.memory_space<hbm>>) dst(%arg12 : memref<128x64xbf16, #tpu.memory_space<vmem>>)
      %add3A_51 = arith.constant 0 : i32
      %add3A_52 = arith.addi %mul3A_15, %add3A_51 : i32
      %dma_start3A_53 = arith.constant 0 : i32
      %dma_start3A_54 = tpu.memref_slice %arg8[%add3A_52, %dma_start3A_53] : memref<80x128xi32, #tpu.memory_space<vmem>> -> memref<1x128xi32, #tpu.memory_space<vmem>>
      %dma_start3A_55 = tpu.memref_squeeze %dma_start3A_54 : memref<1x128xi32, #tpu.memory_space<vmem>> -> memref<128xi32, #tpu.memory_space<vmem>>
      %dma_start3A_56 = arith.constant 0 : i32
      %dma_start3A_57 = arith.constant 0 : i32
      %dma_start3A_58 = tpu.memref_slice %arg9[%dma_start3A_56, %dma_start3A_57] : memref<10112x64xbf16, #tpu.memory_space<vmem_shared>> -> memref<10112x64xbf16, #tpu.memory_space<vmem_shared>>
      tpu.enqueue_indirect_dma source(%arg12 : memref<128x64xbf16, #tpu.memory_space<vmem>>) target(%dma_start3A_58 : memref<10112x64xbf16, #tpu.memory_space<vmem_shared>>) offsets(%dma_start3A_55 : memref<128xi32, #tpu.memory_space<vmem>>) semaphore(%arg11 : memref<!tpu.dma_semaphore, #tpu.memory_space<semaphore_mem>>) {add = true}
      %dma_wait3A_59 = arith.constant 0 : i32
      %dma_wait3A_60 = tpu.memref_slice %arg7[%add3A_23, %dma_wait3A_59] : memref<80x128xi32, #tpu.memory_space<vmem>> -> memref<1x128xi32, #tpu.memory_space<vmem>>
      %dma_wait3A_61 = tpu.memref_squeeze %dma_wait3A_60 : memref<1x128xi32, #tpu.memory_space<vmem>> -> memref<128xi32, #tpu.memory_space<vmem>>
      %dma_wait3A_62 = arith.constant 0 : i32
      %dma_wait3A_63 = arith.constant 0 : i32
      %dma_wait3A_64 = tpu.memref_slice %arg2[%dma_wait3A_62, %dma_wait3A_63] : memref<20000x64xbf16, #tpu.memory_space<hbm>> -> memref<20000x64xbf16, #tpu.memory_space<hbm>>
      tpu.wait_indirect_dma semaphore(%arg10 : memref<!tpu.dma_semaphore, #tpu.memory_space<semaphore_mem>>) src(%dma_wait3A_64 : memref<20000x64xbf16, #tpu.memory_space<hbm>>) dst(%arg13 : memref<128x64xbf16, #tpu.memory_space<vmem>>)
      %add3A_65 = arith.constant 1 : i32
      %add3A_66 = arith.addi %mul3A_15, %add3A_65 : i32
      %dma_start3A_67 = arith.constant 0 : i32
      %dma_start3A_68 = tpu.memref_slice %arg8[%add3A_66, %dma_start3A_67] : memref<80x128xi32, #tpu.memory_space<vmem>> -> memref<1x128xi32, #tpu.memory_space<vmem>>
      %dma_start3A_69 = tpu.memref_squeeze %dma_start3A_68 : memref<1x128xi32, #tpu.memory_space<vmem>> -> memref<128xi32, #tpu.memory_space<vmem>>
      %dma_start3A_70 = arith.constant 0 : i32
      %dma_start3A_71 = arith.constant 0 : i32
      %dma_start3A_72 = tpu.memref_slice %arg9[%dma_start3A_70, %dma_start3A_71] : memref<10112x64xbf16, #tpu.memory_space<vmem_shared>> -> memref<10112x64xbf16, #tpu.memory_space<vmem_shared>>
      tpu.enqueue_indirect_dma source(%arg13 : memref<128x64xbf16, #tpu.memory_space<vmem>>) target(%dma_start3A_72 : memref<10112x64xbf16, #tpu.memory_space<vmem_shared>>) offsets(%dma_start3A_69 : memref<128xi32, #tpu.memory_space<vmem>>) semaphore(%arg11 : memref<!tpu.dma_semaphore, #tpu.memory_space<semaphore_mem>>) {add = true}
      %dma_wait3A_73 = arith.constant 0 : i32
      %dma_wait3A_74 = tpu.memref_slice %arg7[%add3A_31, %dma_wait3A_73] : memref<80x128xi32, #tpu.memory_space<vmem>> -> memref<1x128xi32, #tpu.memory_space<vmem>>
      %dma_wait3A_75 = tpu.memref_squeeze %dma_wait3A_74 : memref<1x128xi32, #tpu.memory_space<vmem>> -> memref<128xi32, #tpu.memory_space<vmem>>
      %dma_wait3A_76 = arith.constant 0 : i32
      %dma_wait3A_77 = arith.constant 0 : i32
      %dma_wait3A_78 = tpu.memref_slice %arg2[%dma_wait3A_76, %dma_wait3A_77] : memref<20000x64xbf16, #tpu.memory_space<hbm>> -> memref<20000x64xbf16, #tpu.memory_space<hbm>>
      tpu.wait_indirect_dma semaphore(%arg10 : memref<!tpu.dma_semaphore, #tpu.memory_space<semaphore_mem>>) src(%dma_wait3A_78 : memref<20000x64xbf16, #tpu.memory_space<hbm>>) dst(%arg14 : memref<128x64xbf16, #tpu.memory_space<vmem>>)
      %add3A_79 = arith.constant 2 : i32
      %add3A_80 = arith.addi %mul3A_15, %add3A_79 : i32
      %dma_start3A_81 = arith.constant 0 : i32
      %dma_start3A_82 = tpu.memref_slice %arg8[%add3A_80, %dma_start3A_81] : memref<80x128xi32, #tpu.memory_space<vmem>> -> memref<1x128xi32, #tpu.memory_space<vmem>>
      %dma_start3A_83 = tpu.memref_squeeze %dma_start3A_82 : memref<1x128xi32, #tpu.memory_space<vmem>> -> memref<128xi32, #tpu.memory_space<vmem>>
      %dma_start3A_84 = arith.constant 0 : i32
      %dma_start3A_85 = arith.constant 0 : i32
      %dma_start3A_86 = tpu.memref_slice %arg9[%dma_start3A_84, %dma_start3A_85] : memref<10112x64xbf16, #tpu.memory_space<vmem_shared>> -> memref<10112x64xbf16, #tpu.memory_space<vmem_shared>>
      tpu.enqueue_indirect_dma source(%arg14 : memref<128x64xbf16, #tpu.memory_space<vmem>>) target(%dma_start3A_86 : memref<10112x64xbf16, #tpu.memory_space<vmem_shared>>) offsets(%dma_start3A_83 : memref<128xi32, #tpu.memory_space<vmem>>) semaphore(%arg11 : memref<!tpu.dma_semaphore, #tpu.memory_space<semaphore_mem>>) {add = true}
      %dma_wait3A_87 = arith.constant 0 : i32
      %dma_wait3A_88 = tpu.memref_slice %arg7[%add3A_39, %dma_wait3A_87] : memref<80x128xi32, #tpu.memory_space<vmem>> -> memref<1x128xi32, #tpu.memory_space<vmem>>
      %dma_wait3A_89 = tpu.memref_squeeze %dma_wait3A_88 : memref<1x128xi32, #tpu.memory_space<vmem>> -> memref<128xi32, #tpu.memory_space<vmem>>
      %dma_wait3A_90 = arith.constant 0 : i32
      %dma_wait3A_91 = arith.constant 0 : i32
      %dma_wait3A_92 = tpu.memref_slice %arg2[%dma_wait3A_90, %dma_wait3A_91] : memref<20000x64xbf16, #tpu.memory_space<hbm>> -> memref<20000x64xbf16, #tpu.memory_space<hbm>>
      tpu.wait_indirect_dma semaphore(%arg10 : memref<!tpu.dma_semaphore, #tpu.memory_space<semaphore_mem>>) src(%dma_wait3A_92 : memref<20000x64xbf16, #tpu.memory_space<hbm>>) dst(%arg15 : memref<128x64xbf16, #tpu.memory_space<vmem>>)
      %add3A_93 = arith.constant 3 : i32
      %add3A_94 = arith.addi %mul3A_15, %add3A_93 : i32
      %dma_start3A_95 = arith.constant 0 : i32
      %dma_start3A_96 = tpu.memref_slice %arg8[%add3A_94, %dma_start3A_95] : memref<80x128xi32, #tpu.memory_space<vmem>> -> memref<1x128xi32, #tpu.memory_space<vmem>>
      %dma_start3A_97 = tpu.memref_squeeze %dma_start3A_96 : memref<1x128xi32, #tpu.memory_space<vmem>> -> memref<128xi32, #tpu.memory_space<vmem>>
      %dma_start3A_98 = arith.constant 0 : i32
      %dma_start3A_99 = arith.constant 0 : i32
      %dma_start3A_100 = tpu.memref_slice %arg9[%dma_start3A_98, %dma_start3A_99] : memref<10112x64xbf16, #tpu.memory_space<vmem_shared>> -> memref<10112x64xbf16, #tpu.memory_space<vmem_shared>>
      tpu.enqueue_indirect_dma source(%arg15 : memref<128x64xbf16, #tpu.memory_space<vmem>>) target(%dma_start3A_100 : memref<10112x64xbf16, #tpu.memory_space<vmem_shared>>) offsets(%dma_start3A_97 : memref<128xi32, #tpu.memory_space<vmem>>) semaphore(%arg11 : memref<!tpu.dma_semaphore, #tpu.memory_space<semaphore_mem>>) {add = true}
      %add3A_101 = arith.constant 4 : i32
      %add3A_102 = arith.addi %mul3A_15, %add3A_101 : i32
      %add3A_103 = arith.constant 0 : i32
      %add3A_104 = arith.addi %add3A_102, %add3A_103 : i32
      %dma_start3A_105 = arith.constant 0 : i32
      %dma_start3A_106 = tpu.memref_slice %arg7[%add3A_104, %dma_start3A_105] : memref<80x128xi32, #tpu.memory_space<vmem>> -> memref<1x128xi32, #tpu.memory_space<vmem>>
      %dma_start3A_107 = tpu.memref_squeeze %dma_start3A_106 : memref<1x128xi32, #tpu.memory_space<vmem>> -> memref<128xi32, #tpu.memory_space<vmem>>
      %dma_start3A_108 = arith.constant 0 : i32
      %dma_start3A_109 = arith.constant 0 : i32
      %dma_start3A_110 = tpu.memref_slice %arg2[%dma_start3A_108, %dma_start3A_109] : memref<20000x64xbf16, #tpu.memory_space<hbm>> -> memref<20000x64xbf16, #tpu.memory_space<hbm>>
      tpu.enqueue_indirect_dma source(%dma_start3A_110 : memref<20000x64xbf16, #tpu.memory_space<hbm>>) target(%arg16 : memref<128x64xbf16, #tpu.memory_space<vmem>>) offsets(%dma_start3A_107 : memref<128xi32, #tpu.memory_space<vmem>>) semaphore(%arg10 : memref<!tpu.dma_semaphore, #tpu.memory_space<semaphore_mem>>)
      %add3A_111 = arith.constant 4 : i32
      %add3A_112 = arith.addi %mul3A_15, %add3A_111 : i32
      %add3A_113 = arith.constant 1 : i32
      %add3A_114 = arith.addi %add3A_112, %add3A_113 : i32
      %dma_start3A_115 = arith.constant 0 : i32
      %dma_start3A_116 = tpu.memref_slice %arg7[%add3A_114, %dma_start3A_115] : memref<80x128xi32, #tpu.memory_space<vmem>> -> memref<1x128xi32, #tpu.memory_space<vmem>>
      %dma_start3A_117 = tpu.memref_squeeze %dma_start3A_116 : memref<1x128xi32, #tpu.memory_space<vmem>> -> memref<128xi32, #tpu.memory_space<vmem>>
      %dma_start3A_118 = arith.constant 0 : i32
      %dma_start3A_119 = arith.constant 0 : i32
      %dma_start3A_120 = tpu.memref_slice %arg2[%dma_start3A_118, %dma_start3A_119] : memref<20000x64xbf16, #tpu.memory_space<hbm>> -> memref<20000x64xbf16, #tpu.memory_space<hbm>>
      tpu.enqueue_indirect_dma source(%dma_start3A_120 : memref<20000x64xbf16, #tpu.memory_space<hbm>>) target(%arg17 : memref<128x64xbf16, #tpu.memory_space<vmem>>) offsets(%dma_start3A_117 : memref<128xi32, #tpu.memory_space<vmem>>) semaphore(%arg10 : memref<!tpu.dma_semaphore, #tpu.memory_space<semaphore_mem>>)
      %add3A_121 = arith.constant 4 : i32
      %add3A_122 = arith.addi %mul3A_15, %add3A_121 : i32
      %add3A_123 = arith.constant 2 : i32
      %add3A_124 = arith.addi %add3A_122, %add3A_123 : i32
      %dma_start3A_125 = arith.constant 0 : i32
      %dma_start3A_126 = tpu.memref_slice %arg7[%add3A_124, %dma_start3A_125] : memref<80x128xi32, #tpu.memory_space<vmem>> -> memref<1x128xi32, #tpu.memory_space<vmem>>
      %dma_start3A_127 = tpu.memref_squeeze %dma_start3A_126 : memref<1x128xi32, #tpu.memory_space<vmem>> -> memref<128xi32, #tpu.memory_space<vmem>>
      %dma_start3A_128 = arith.constant 0 : i32
      %dma_start3A_129 = arith.constant 0 : i32
      %dma_start3A_130 = tpu.memref_slice %arg2[%dma_start3A_128, %dma_start3A_129] : memref<20000x64xbf16, #tpu.memory_space<hbm>> -> memref<20000x64xbf16, #tpu.memory_space<hbm>>
      tpu.enqueue_indirect_dma source(%dma_start3A_130 : memref<20000x64xbf16, #tpu.memory_space<hbm>>) target(%arg18 : memref<128x64xbf16, #tpu.memory_space<vmem>>) offsets(%dma_start3A_127 : memref<128xi32, #tpu.memory_space<vmem>>) semaphore(%arg10 : memref<!tpu.dma_semaphore, #tpu.memory_space<semaphore_mem>>)
      %add3A_131 = arith.constant 4 : i32
      %add3A_132 = arith.addi %mul3A_15, %add3A_131 : i32
      %add3A_133 = arith.constant 3 : i32
      %add3A_134 = arith.addi %add3A_132, %add3A_133 : i32
      %dma_start3A_135 = arith.constant 0 : i32
      %dma_start3A_136 = tpu.memref_slice %arg7[%add3A_134, %dma_start3A_135] : memref<80x128xi32, #tpu.memory_space<vmem>> -> memref<1x128xi32, #tpu.memory_space<vmem>>
      %dma_start3A_137 = tpu.memref_squeeze %dma_start3A_136 : memref<1x128xi32, #tpu.memory_space<vmem>> -> memref<128xi32, #tpu.memory_space<vmem>>
      %dma_start3A_138 = arith.constant 0 : i32
      %dma_start3A_139 = arith.constant 0 : i32
      %dma_start3A_140 = tpu.memref_slice %arg2[%dma_start3A_138, %dma_start3A_139] : memref<20000x64xbf16, #tpu.memory_space<hbm>> -> memref<20000x64xbf16, #tpu.memory_space<hbm>>
      tpu.enqueue_indirect_dma source(%dma_start3A_140 : memref<20000x64xbf16, #tpu.memory_space<hbm>>) target(%arg19 : memref<128x64xbf16, #tpu.memory_space<vmem>>) offsets(%dma_start3A_137 : memref<128xi32, #tpu.memory_space<vmem>>) semaphore(%arg10 : memref<!tpu.dma_semaphore, #tpu.memory_space<semaphore_mem>>)
      %dma_wait3A_141 = arith.constant 0 : i32
      %dma_wait3A_142 = tpu.memref_slice %arg7[%add3A_104, %dma_wait3A_141] : memref<80x128xi32, #tpu.memory_space<vmem>> -> memref<1x128xi32, #tpu.memory_space<vmem>>
      %dma_wait3A_143 = tpu.memref_squeeze %dma_wait3A_142 : memref<1x128xi32, #tpu.memory_space<vmem>> -> memref<128xi32, #tpu.memory_space<vmem>>
      %dma_wait3A_144 = arith.constant 0 : i32
      %dma_wait3A_145 = arith.constant 0 : i32
      %dma_wait3A_146 = tpu.memref_slice %arg2[%dma_wait3A_144, %dma_wait3A_145] : memref<20000x64xbf16, #tpu.memory_space<hbm>> -> memref<20000x64xbf16, #tpu.memory_space<hbm>>
      tpu.wait_indirect_dma semaphore(%arg10 : memref<!tpu.dma_semaphore, #tpu.memory_space<semaphore_mem>>) src(%dma_wait3A_146 : memref<20000x64xbf16, #tpu.memory_space<hbm>>) dst(%arg16 : memref<128x64xbf16, #tpu.memory_space<vmem>>)
      %add3A_147 = arith.constant 4 : i32
      %add3A_148 = arith.addi %mul3A_15, %add3A_147 : i32
      %add3A_149 = arith.constant 0 : i32
      %add3A_150 = arith.addi %add3A_148, %add3A_149 : i32
      %dma_start3A_151 = arith.constant 0 : i32
      %dma_start3A_152 = tpu.memref_slice %arg8[%add3A_150, %dma_start3A_151] : memref<80x128xi32, #tpu.memory_space<vmem>> -> memref<1x128xi32, #tpu.memory_space<vmem>>
      %dma_start3A_153 = tpu.memref_squeeze %dma_start3A_152 : memref<1x128xi32, #tpu.memory_space<vmem>> -> memref<128xi32, #tpu.memory_space<vmem>>
      %dma_start3A_154 = arith.constant 0 : i32
      %dma_start3A_155 = arith.constant 0 : i32
      %dma_start3A_156 = tpu.memref_slice %arg9[%dma_start3A_154, %dma_start3A_155] : memref<10112x64xbf16, #tpu.memory_space<vmem_shared>> -> memref<10112x64xbf16, #tpu.memory_space<vmem_shared>>
      tpu.enqueue_indirect_dma source(%arg16 : memref<128x64xbf16, #tpu.memory_space<vmem>>) target(%dma_start3A_156 : memref<10112x64xbf16, #tpu.memory_space<vmem_shared>>) offsets(%dma_start3A_153 : memref<128xi32, #tpu.memory_space<vmem>>) semaphore(%arg11 : memref<!tpu.dma_semaphore, #tpu.memory_space<semaphore_mem>>) {add = true}
      %dma_wait3A_157 = arith.constant 0 : i32
      %dma_wait3A_158 = tpu.memref_slice %arg7[%add3A_114, %dma_wait3A_157] : memref<80x128xi32, #tpu.memory_space<vmem>> -> memref<1x128xi32, #tpu.memory_space<vmem>>
      %dma_wait3A_159 = tpu.memref_squeeze %dma_wait3A_158 : memref<1x128xi32, #tpu.memory_space<vmem>> -> memref<128xi32, #tpu.memory_space<vmem>>
      %dma_wait3A_160 = arith.constant 0 : i32
      %dma_wait3A_161 = arith.constant 0 : i32
      %dma_wait3A_162 = tpu.memref_slice %arg2[%dma_wait3A_160, %dma_wait3A_161] : memref<20000x64xbf16, #tpu.memory_space<hbm>> -> memref<20000x64xbf16, #tpu.memory_space<hbm>>
      tpu.wait_indirect_dma semaphore(%arg10 : memref<!tpu.dma_semaphore, #tpu.memory_space<semaphore_mem>>) src(%dma_wait3A_162 : memref<20000x64xbf16, #tpu.memory_space<hbm>>) dst(%arg17 : memref<128x64xbf16, #tpu.memory_space<vmem>>)
      %add3A_163 = arith.constant 4 : i32
      %add3A_164 = arith.addi %mul3A_15, %add3A_163 : i32
      %add3A_165 = arith.constant 1 : i32
      %add3A_166 = arith.addi %add3A_164, %add3A_165 : i32
      %dma_start3A_167 = arith.constant 0 : i32
      %dma_start3A_168 = tpu.memref_slice %arg8[%add3A_166, %dma_start3A_167] : memref<80x128xi32, #tpu.memory_space<vmem>> -> memref<1x128xi32, #tpu.memory_space<vmem>>
      %dma_start3A_169 = tpu.memref_squeeze %dma_start3A_168 : memref<1x128xi32, #tpu.memory_space<vmem>> -> memref<128xi32, #tpu.memory_space<vmem>>
      %dma_start3A_170 = arith.constant 0 : i32
      %dma_start3A_171 = arith.constant 0 : i32
      %dma_start3A_172 = tpu.memref_slice %arg9[%dma_start3A_170, %dma_start3A_171] : memref<10112x64xbf16, #tpu.memory_space<vmem_shared>> -> memref<10112x64xbf16, #tpu.memory_space<vmem_shared>>
      tpu.enqueue_indirect_dma source(%arg17 : memref<128x64xbf16, #tpu.memory_space<vmem>>) target(%dma_start3A_172 : memref<10112x64xbf16, #tpu.memory_space<vmem_shared>>) offsets(%dma_start3A_169 : memref<128xi32, #tpu.memory_space<vmem>>) semaphore(%arg11 : memref<!tpu.dma_semaphore, #tpu.memory_space<semaphore_mem>>) {add = true}
      %dma_wait3A_173 = arith.constant 0 : i32
      %dma_wait3A_174 = tpu.memref_slice %arg7[%add3A_124, %dma_wait3A_173] : memref<80x128xi32, #tpu.memory_space<vmem>> -> memref<1x128xi32, #tpu.memory_space<vmem>>
      %dma_wait3A_175 = tpu.memref_squeeze %dma_wait3A_174 : memref<1x128xi32, #tpu.memory_space<vmem>> -> memref<128xi32, #tpu.memory_space<vmem>>
      %dma_wait3A_176 = arith.constant 0 : i32
      %dma_wait3A_177 = arith.constant 0 : i32
      %dma_wait3A_178 = tpu.memref_slice %arg2[%dma_wait3A_176, %dma_wait3A_177] : memref<20000x64xbf16, #tpu.memory_space<hbm>> -> memref<20000x64xbf16, #tpu.memory_space<hbm>>
      tpu.wait_indirect_dma semaphore(%arg10 : memref<!tpu.dma_semaphore, #tpu.memory_space<semaphore_mem>>) src(%dma_wait3A_178 : memref<20000x64xbf16, #tpu.memory_space<hbm>>) dst(%arg18 : memref<128x64xbf16, #tpu.memory_space<vmem>>)
      %add3A_179 = arith.constant 4 : i32
      %add3A_180 = arith.addi %mul3A_15, %add3A_179 : i32
      %add3A_181 = arith.constant 2 : i32
      %add3A_182 = arith.addi %add3A_180, %add3A_181 : i32
      %dma_start3A_183 = arith.constant 0 : i32
      %dma_start3A_184 = tpu.memref_slice %arg8[%add3A_182, %dma_start3A_183] : memref<80x128xi32, #tpu.memory_space<vmem>> -> memref<1x128xi32, #tpu.memory_space<vmem>>
      %dma_start3A_185 = tpu.memref_squeeze %dma_start3A_184 : memref<1x128xi32, #tpu.memory_space<vmem>> -> memref<128xi32, #tpu.memory_space<vmem>>
      %dma_start3A_186 = arith.constant 0 : i32
      %dma_start3A_187 = arith.constant 0 : i32
      %dma_start3A_188 = tpu.memref_slice %arg9[%dma_start3A_186, %dma_start3A_187] : memref<10112x64xbf16, #tpu.memory_space<vmem_shared>> -> memref<10112x64xbf16, #tpu.memory_space<vmem_shared>>
      tpu.enqueue_indirect_dma source(%arg18 : memref<128x64xbf16, #tpu.memory_space<vmem>>) target(%dma_start3A_188 : memref<10112x64xbf16, #tpu.memory_space<vmem_shared>>) offsets(%dma_start3A_185 : memref<128xi32, #tpu.memory_space<vmem>>) semaphore(%arg11 : memref<!tpu.dma_semaphore, #tpu.memory_space<semaphore_mem>>) {add = true}
      %dma_wait3A_189 = arith.constant 0 : i32
      %dma_wait3A_190 = tpu.memref_slice %arg7[%add3A_134, %dma_wait3A_189] : memref<80x128xi32, #tpu.memory_space<vmem>> -> memref<1x128xi32, #tpu.memory_space<vmem>>
      %dma_wait3A_191 = tpu.memref_squeeze %dma_wait3A_190 : memref<1x128xi32, #tpu.memory_space<vmem>> -> memref<128xi32, #tpu.memory_space<vmem>>
      %dma_wait3A_192 = arith.constant 0 : i32
      %dma_wait3A_193 = arith.constant 0 : i32
      %dma_wait3A_194 = tpu.memref_slice %arg2[%dma_wait3A_192, %dma_wait3A_193] : memref<20000x64xbf16, #tpu.memory_space<hbm>> -> memref<20000x64xbf16, #tpu.memory_space<hbm>>
      tpu.wait_indirect_dma semaphore(%arg10 : memref<!tpu.dma_semaphore, #tpu.memory_space<semaphore_mem>>) src(%dma_wait3A_194 : memref<20000x64xbf16, #tpu.memory_space<hbm>>) dst(%arg19 : memref<128x64xbf16, #tpu.memory_space<vmem>>)
      %add3A_195 = arith.constant 4 : i32
      %add3A_196 = arith.addi %mul3A_15, %add3A_195 : i32
      %add3A_197 = arith.constant 3 : i32
      %add3A_198 = arith.addi %add3A_196, %add3A_197 : i32
      %dma_start3A_199 = arith.constant 0 : i32
      %dma_start3A_200 = tpu.memref_slice %arg8[%add3A_198, %dma_start3A_199] : memref<80x128xi32, #tpu.memory_space<vmem>> -> memref<1x128xi32, #tpu.memory_space<vmem>>
      %dma_start3A_201 = tpu.memref_squeeze %dma_start3A_200 : memref<1x128xi32, #tpu.memory_space<vmem>> -> memref<128xi32, #tpu.memory_space<vmem>>
      %dma_start3A_202 = arith.constant 0 : i32
      %dma_start3A_203 = arith.constant 0 : i32
      %dma_start3A_204 = tpu.memref_slice %arg9[%dma_start3A_202, %dma_start3A_203] : memref<10112x64xbf16, #tpu.memory_space<vmem_shared>> -> memref<10112x64xbf16, #tpu.memory_space<vmem_shared>>
      tpu.enqueue_indirect_dma source(%arg19 : memref<128x64xbf16, #tpu.memory_space<vmem>>) target(%dma_start3A_204 : memref<10112x64xbf16, #tpu.memory_space<vmem_shared>>) offsets(%dma_start3A_201 : memref<128xi32, #tpu.memory_space<vmem>>) semaphore(%arg11 : memref<!tpu.dma_semaphore, #tpu.memory_space<semaphore_mem>>) {add = true}
      %dma_wait3A_205 = arith.constant 0 : i32
      %dma_wait3A_206 = tpu.memref_slice %arg8[%add3A_52, %dma_wait3A_205] : memref<80x128xi32, #tpu.memory_space<vmem>> -> memref<1x128xi32, #tpu.memory_space<vmem>>
      %dma_wait3A_207 = tpu.memref_squeeze %dma_wait3A_206 : memref<1x128xi32, #tpu.memory_space<vmem>> -> memref<128xi32, #tpu.memory_space<vmem>>
      %dma_wait3A_208 = arith.constant 0 : i32
      %dma_wait3A_209 = arith.constant 0 : i32
      %dma_wait3A_210 = tpu.memref_slice %arg9[%dma_wait3A_208, %dma_wait3A_209] : memref<10112x64xbf16, #tpu.memory_space<vmem_shared>> -> memref<10112x64xbf16, #tpu.memory_space<vmem_shared>>
      tpu.wait_indirect_dma semaphore(%arg11 : memref<!tpu.dma_semaphore, #tpu.memory_space<semaphore_mem>>) src(%arg12 : memref<128x64xbf16, #tpu.memory_space<vmem>>) dst(%dma_wait3A_210 : memref<10112x64xbf16, #tpu.memory_space<vmem_shared>>)
      %dma_wait3A_211 = arith.constant 0 : i32
      %dma_wait3A_212 = tpu.memref_slice %arg8[%add3A_66, %dma_wait3A_211] : memref<80x128xi32, #tpu.memory_space<vmem>> -> memref<1x128xi32, #tpu.memory_space<vmem>>
      %dma_wait3A_213 = tpu.memref_squeeze %dma_wait3A_212 : memref<1x128xi32, #tpu.memory_space<vmem>> -> memref<128xi32, #tpu.memory_space<vmem>>
      %dma_wait3A_214 = arith.constant 0 : i32
      %dma_wait3A_215 = arith.constant 0 : i32
      %dma_wait3A_216 = tpu.memref_slice %arg9[%dma_wait3A_214, %dma_wait3A_215] : memref<10112x64xbf16, #tpu.memory_space<vmem_shared>> -> memref<10112x64xbf16, #tpu.memory_space<vmem_shared>>
      tpu.wait_indirect_dma semaphore(%arg11 : memref<!tpu.dma_semaphore, #tpu.memory_space<semaphore_mem>>) src(%arg13 : memref<128x64xbf16, #tpu.memory_space<vmem>>) dst(%dma_wait3A_216 : memref<10112x64xbf16, #tpu.memory_space<vmem_shared>>)
      %dma_wait3A_217 = arith.constant 0 : i32
      %dma_wait3A_218 = tpu.memref_slice %arg8[%add3A_80, %dma_wait3A_217] : memref<80x128xi32, #tpu.memory_space<vmem>> -> memref<1x128xi32, #tpu.memory_space<vmem>>
      %dma_wait3A_219 = tpu.memref_squeeze %dma_wait3A_218 : memref<1x128xi32, #tpu.memory_space<vmem>> -> memref<128xi32, #tpu.memory_space<vmem>>
      %dma_wait3A_220 = arith.constant 0 : i32
      %dma_wait3A_221 = arith.constant 0 : i32
      %dma_wait3A_222 = tpu.memref_slice %arg9[%dma_wait3A_220, %dma_wait3A_221] : memref<10112x64xbf16, #tpu.memory_space<vmem_shared>> -> memref<10112x64xbf16, #tpu.memory_space<vmem_shared>>
      tpu.wait_indirect_dma semaphore(%arg11 : memref<!tpu.dma_semaphore, #tpu.memory_space<semaphore_mem>>) src(%arg14 : memref<128x64xbf16, #tpu.memory_space<vmem>>) dst(%dma_wait3A_222 : memref<10112x64xbf16, #tpu.memory_space<vmem_shared>>)
      %dma_wait3A_223 = arith.constant 0 : i32
      %dma_wait3A_224 = tpu.memref_slice %arg8[%add3A_94, %dma_wait3A_223] : memref<80x128xi32, #tpu.memory_space<vmem>> -> memref<1x128xi32, #tpu.memory_space<vmem>>
      %dma_wait3A_225 = tpu.memref_squeeze %dma_wait3A_224 : memref<1x128xi32, #tpu.memory_space<vmem>> -> memref<128xi32, #tpu.memory_space<vmem>>
      %dma_wait3A_226 = arith.constant 0 : i32
      %dma_wait3A_227 = arith.constant 0 : i32
      %dma_wait3A_228 = tpu.memref_slice %arg9[%dma_wait3A_226, %dma_wait3A_227] : memref<10112x64xbf16, #tpu.memory_space<vmem_shared>> -> memref<10112x64xbf16, #tpu.memory_space<vmem_shared>>
      tpu.wait_indirect_dma semaphore(%arg11 : memref<!tpu.dma_semaphore, #tpu.memory_space<semaphore_mem>>) src(%arg15 : memref<128x64xbf16, #tpu.memory_space<vmem>>) dst(%dma_wait3A_228 : memref<10112x64xbf16, #tpu.memory_space<vmem_shared>>)
      %dma_wait3A_229 = arith.constant 0 : i32
      %dma_wait3A_230 = tpu.memref_slice %arg8[%add3A_150, %dma_wait3A_229] : memref<80x128xi32, #tpu.memory_space<vmem>> -> memref<1x128xi32, #tpu.memory_space<vmem>>
      %dma_wait3A_231 = tpu.memref_squeeze %dma_wait3A_230 : memref<1x128xi32, #tpu.memory_space<vmem>> -> memref<128xi32, #tpu.memory_space<vmem>>
      %dma_wait3A_232 = arith.constant 0 : i32
      %dma_wait3A_233 = arith.constant 0 : i32
      %dma_wait3A_234 = tpu.memref_slice %arg9[%dma_wait3A_232, %dma_wait3A_233] : memref<10112x64xbf16, #tpu.memory_space<vmem_shared>> -> memref<10112x64xbf16, #tpu.memory_space<vmem_shared>>
      tpu.wait_indirect_dma semaphore(%arg11 : memref<!tpu.dma_semaphore, #tpu.memory_space<semaphore_mem>>) src(%arg16 : memref<128x64xbf16, #tpu.memory_space<vmem>>) dst(%dma_wait3A_234 : memref<10112x64xbf16, #tpu.memory_space<vmem_shared>>)
      %dma_wait3A_235 = arith.constant 0 : i32
      %dma_wait3A_236 = tpu.memref_slice %arg8[%add3A_166, %dma_wait3A_235] : memref<80x128xi32, #tpu.memory_space<vmem>> -> memref<1x128xi32, #tpu.memory_space<vmem>>
      %dma_wait3A_237 = tpu.memref_squeeze %dma_wait3A_236 : memref<1x128xi32, #tpu.memory_space<vmem>> -> memref<128xi32, #tpu.memory_space<vmem>>
      %dma_wait3A_238 = arith.constant 0 : i32
      %dma_wait3A_239 = arith.constant 0 : i32
      %dma_wait3A_240 = tpu.memref_slice %arg9[%dma_wait3A_238, %dma_wait3A_239] : memref<10112x64xbf16, #tpu.memory_space<vmem_shared>> -> memref<10112x64xbf16, #tpu.memory_space<vmem_shared>>
      tpu.wait_indirect_dma semaphore(%arg11 : memref<!tpu.dma_semaphore, #tpu.memory_space<semaphore_mem>>) src(%arg17 : memref<128x64xbf16, #tpu.memory_space<vmem>>) dst(%dma_wait3A_240 : memref<10112x64xbf16, #tpu.memory_space<vmem_shared>>)
      %dma_wait3A_241 = arith.constant 0 : i32
      %dma_wait3A_242 = tpu.memref_slice %arg8[%add3A_182, %dma_wait3A_241] : memref<80x128xi32, #tpu.memory_space<vmem>> -> memref<1x128xi32, #tpu.memory_space<vmem>>
      %dma_wait3A_243 = tpu.memref_squeeze %dma_wait3A_242 : memref<1x128xi32, #tpu.memory_space<vmem>> -> memref<128xi32, #tpu.memory_space<vmem>>
      %dma_wait3A_244 = arith.constant 0 : i32
      %dma_wait3A_245 = arith.constant 0 : i32
      %dma_wait3A_246 = tpu.memref_slice %arg9[%dma_wait3A_244, %dma_wait3A_245] : memref<10112x64xbf16, #tpu.memory_space<vmem_shared>> -> memref<10112x64xbf16, #tpu.memory_space<vmem_shared>>
      tpu.wait_indirect_dma semaphore(%arg11 : memref<!tpu.dma_semaphore, #tpu.memory_space<semaphore_mem>>) src(%arg18 : memref<128x64xbf16, #tpu.memory_space<vmem>>) dst(%dma_wait3A_246 : memref<10112x64xbf16, #tpu.memory_space<vmem_shared>>)
      %dma_wait3A_247 = arith.constant 0 : i32
      %dma_wait3A_248 = tpu.memref_slice %arg8[%add3A_198, %dma_wait3A_247] : memref<80x128xi32, #tpu.memory_space<vmem>> -> memref<1x128xi32, #tpu.memory_space<vmem>>
      %dma_wait3A_249 = tpu.memref_squeeze %dma_wait3A_248 : memref<1x128xi32, #tpu.memory_space<vmem>> -> memref<128xi32, #tpu.memory_space<vmem>>
      %dma_wait3A_250 = arith.constant 0 : i32
      %dma_wait3A_251 = arith.constant 0 : i32
      %dma_wait3A_252 = tpu.memref_slice %arg9[%dma_wait3A_250, %dma_wait3A_251] : memref<10112x64xbf16, #tpu.memory_space<vmem_shared>> -> memref<10112x64xbf16, #tpu.memory_space<vmem_shared>>
      tpu.wait_indirect_dma semaphore(%arg11 : memref<!tpu.dma_semaphore, #tpu.memory_space<semaphore_mem>>) src(%arg19 : memref<128x64xbf16, #tpu.memory_space<vmem>>) dst(%dma_wait3A_252 : memref<10112x64xbf16, #tpu.memory_space<vmem_shared>>)
    }
    %scan3A_5 = arith.constant 10 : i32
    %barrier3A_6 = arith.constant 0 : index
    tpu.barrier barrier_id(%barrier3A_6)
    %mul3A_7 = arith.constant 632 : i32
    %mul3A_8 = arith.muli %arg1, %mul3A_7 : i32
    %mul3A_9 = arith.constant 632 : i32
    %mul3A_10 = arith.muli %arg1, %mul3A_9 : i32
    "tpu.region"() ({
      %run_scoped3A = tpu.sem_alloc : memref<!tpu.dma_semaphore, #tpu.memory_space<semaphore_mem>>
      %dma_start3A = arith.constant 0 : i32
      %dma_start3A_11 = tpu.memref_slice %arg6[%arg0, %mul3A_10, %dma_start3A] : memref<2x10112x64xbf16, #tpu.memory_space<hbm>> -> memref<1x632x64xbf16, #tpu.memory_space<hbm>>
      %dma_start3A_12 = tpu.memref_squeeze %dma_start3A_11 : memref<1x632x64xbf16, #tpu.memory_space<hbm>> -> memref<632x64xbf16, #tpu.memory_space<hbm>>
      %dma_start3A_13 = arith.constant 0 : i32
      %dma_start3A_14 = tpu.memref_slice %arg9[%mul3A_8, %dma_start3A_13] : memref<10112x64xbf16, #tpu.memory_space<vmem_shared>> -> memref<632x64xbf16, #tpu.memory_space<vmem_shared>>
      tpu.enqueue_dma source(%dma_start3A_14 : memref<632x64xbf16, #tpu.memory_space<vmem_shared>>) target(%dma_start3A_12 : memref<632x64xbf16, #tpu.memory_space<hbm>>) target_semaphore(%run_scoped3A : memref<!tpu.dma_semaphore, #tpu.memory_space<semaphore_mem>>)
      %dma_wait3A = arith.constant 0 : i32
      %dma_wait3A_15 = tpu.memref_slice %arg6[%arg0, %mul3A_10, %dma_wait3A] : memref<2x10112x64xbf16, #tpu.memory_space<hbm>> -> memref<1x632x64xbf16, #tpu.memory_space<hbm>>
      %dma_wait3A_16 = tpu.memref_squeeze %dma_wait3A_15 : memref<1x632x64xbf16, #tpu.memory_space<hbm>> -> memref<632x64xbf16, #tpu.memory_space<hbm>>
      %dma_wait3A_17 = arith.constant 0 : i32
      %dma_wait3A_18 = tpu.memref_slice %arg9[%mul3A_8, %dma_wait3A_17] : memref<10112x64xbf16, #tpu.memory_space<vmem_shared>> -> memref<632x64xbf16, #tpu.memory_space<vmem_shared>>
      tpu.wait_dma2 semaphore(%run_scoped3A : memref<!tpu.dma_semaphore, #tpu.memory_space<semaphore_mem>>) src(%dma_wait3A_18 : memref<632x64xbf16, #tpu.memory_space<vmem_shared>>) dst(%dma_wait3A_16 : memref<632x64xbf16, #tpu.memory_space<hbm>>)
      tpu.yield
    }) : () -> ()
    return
  }
}

module attributes {stable_mosaic.version = 14 : i64} {
  func.func @body(%arg0: i32, %arg1: memref<2x2000x16xf32, #tpu.memory_space<vmem>>, %arg2: memref<2000x48xf32, #tpu.memory_space<vmem>>, %arg3: memref<2000x1xf32, #tpu.memory_space<vmem>>, %arg4: memref<2000x48xf32, #tpu.memory_space<vmem>>) attributes {dimension_semantics = [#tpu.dimension_semantics<arbitrary>], iteration_bounds = array<i64: 5>, scalar_prefetch = 0 : i64, scratch_operands = 0 : i64, tpu.core_type = #tpu.core_type<tc>, window_params = [{transform_indices = @transform_0, window_bounds = array<i64: 2, 2000, 16>}, {transform_indices = @transform_1, window_bounds = array<i64: 2000, 48>}, {transform_indices = @transform_2, window_bounds = array<i64: 2000, 1>}, {transform_indices = @transform_3, window_bounds = array<i64: 2000, 48>}]} {
    %get3A = arith.constant 0 : index
    %get3A_0 = arith.constant 0 : index
    %get3A_1 = arith.constant 0 : index
    %get3A_2 = vector.load %arg1[%get3A, %get3A_0, %get3A_1] : memref<2x2000x16xf32, #tpu.memory_space<vmem>>, vector<1x2000x1xf32>
    %get3A_3 = vector.shape_cast %get3A_2 : vector<1x2000x1xf32> to vector<2000x1xf32>
    %get3A_4 = arith.constant 1 : index
    %get3A_5 = arith.constant 0 : index
    %get3A_6 = arith.constant 0 : index
    %get3A_7 = vector.load %arg1[%get3A_4, %get3A_5, %get3A_6] : memref<2x2000x16xf32, #tpu.memory_space<vmem>>, vector<1x2000x1xf32>
    %get3A_8 = vector.shape_cast %get3A_7 : vector<1x2000x1xf32> to vector<2000x1xf32>
    %add3A = arith.addf %get3A_3, %get3A_8 : vector<2000x1xf32>
    %add3A_9 = arith.constant 1.000000e+00 : f32
    %add3A_10 = vector.broadcast %add3A_9 : f32 to vector<2000x1xf32>
    %add3A_11 = arith.addf %add3A, %add3A_10 : vector<2000x1xf32>
    %rsqrt3A = math.rsqrt %add3A_11 : vector<2000x1xf32>
    %swap3A = arith.constant 0 : index
    %swap3A_12 = arith.constant 0 : index
    %swap3A_13 = vector.load %arg3[%swap3A, %swap3A_12] : memref<2000x1xf32, #tpu.memory_space<vmem>>, vector<2000x1xf32>
    tpu.vector_store %arg3[%swap3A, %swap3A_12], %rsqrt3A {strides = array<i32>} : memref<2000x1xf32, #tpu.memory_space<vmem>>, vector<2000x1xf32>,
    %get3A_14 = arith.constant 0 : index
    %get3A_15 = arith.constant 0 : index
    %get3A_16 = vector.load %arg2[%get3A_14, %get3A_15] : memref<2000x48xf32, #tpu.memory_space<vmem>>, vector<2000x48xf32>
    %mul3A = vector.broadcast %rsqrt3A : vector<2000x1xf32> to vector<2000x48xf32>
    %mul3A_17 = arith.mulf %get3A_16, %mul3A : vector<2000x48xf32>
    %swap3A_18 = arith.constant 0 : index
    %swap3A_19 = arith.constant 0 : index
    %swap3A_20 = vector.load %arg4[%swap3A_18, %swap3A_19] : memref<2000x48xf32, #tpu.memory_space<vmem>>, vector<2000x48xf32>
    tpu.vector_store %arg4[%swap3A_18, %swap3A_19], %mul3A_17 {strides = array<i32>} : memref<2000x48xf32, #tpu.memory_space<vmem>>, vector<2000x48xf32>,
    return
  }
  func.func @transform_0(%arg0: i32) -> (i32, i32, i32) {
    %c0_i32 = arith.constant 0 : i32
    %c0_i32_0 = arith.constant 0 : i32
    %c0_i32_1 = arith.constant 0 : i32
    return %c0_i32, %arg0, %c0_i32_0 : i32, i32, i32
  }
  func.func @transform_1(%arg0: i32) -> (i32, i32) {
    %c0_i32 = arith.constant 0 : i32
    %c0_i32_0 = arith.constant 0 : i32
    return %arg0, %c0_i32 : i32, i32
  }
  func.func @transform_2(%arg0: i32) -> (i32, i32) {
    %c0_i32 = arith.constant 0 : i32
    %c0_i32_0 = arith.constant 0 : i32
    return %arg0, %c0_i32 : i32, i32
  }
  func.func @transform_3(%arg0: i32) -> (i32, i32) {
    %c0_i32 = arith.constant 0 : i32
    %c0_i32_0 = arith.constant 0 : i32
    return %arg0, %c0_i32 : i32, i32
  }
}

module attributes {stable_mosaic.version = 14 : i64} {
  func.func @body(%arg0: i32, %arg1: memref<2x2000x48xbf16, #tpu.memory_space<vmem>>, %arg2: memref<2000x48xf32, #tpu.memory_space<vmem>>, %arg3: memref<2000x1xf32, #tpu.memory_space<vmem>>, %arg4: memref<48x128xf32, #tpu.memory_space<vmem>>, %arg5: memref<1x128xf32, #tpu.memory_space<vmem>>, %arg6: memref<2x2000x64xbf16, #tpu.memory_space<vmem>>) attributes {dimension_semantics = [#tpu.dimension_semantics<arbitrary>], iteration_bounds = array<i64: 5>, scalar_prefetch = 0 : i64, scratch_operands = 0 : i64, tpu.core_type = #tpu.core_type<tc>, window_params = [{transform_indices = @transform_0, window_bounds = array<i64: 2, 2000, 48>}, {transform_indices = @transform_1, window_bounds = array<i64: 2000, 48>}, {transform_indices = @transform_2, window_bounds = array<i64: 2000, 1>}, {pipeline_mode = #tpu.pipeline_mode<synchronous>, transform_indices = @transform_3, window_bounds = array<i64: 48, 128>}, {pipeline_mode = #tpu.pipeline_mode<synchronous>, transform_indices = @transform_4, window_bounds = array<i64: 1, 128>}, {transform_indices = @transform_5, window_bounds = array<i64: 2, 2000, 64>}]} {
    %get3A = arith.constant 0 : index
    %get3A_0 = arith.constant 0 : index
    %get3A_1 = vector.load %arg3[%get3A, %get3A_0] : memref<2000x1xf32, #tpu.memory_space<vmem>>, vector<2000x1xf32>
    %get3A_2 = arith.constant 0 : index
    %get3A_3 = arith.constant 0 : index
    %get3A_4 = vector.load %arg2[%get3A_2, %get3A_3] : memref<2000x48xf32, #tpu.memory_space<vmem>>, vector<2000x48xf32>
    %get3A_5 = arith.constant 0 : index
    %get3A_6 = arith.constant 0 : index
    %get3A_7 = arith.constant 0 : index
    %get3A_8 = vector.load %arg1[%get3A_5, %get3A_6, %get3A_7] : memref<2x2000x48xbf16, #tpu.memory_space<vmem>>, vector<1x2000x48xbf16>
    %get3A_9 = vector.shape_cast %get3A_8 : vector<1x2000x48xbf16> to vector<2000x48xbf16>
    %get3A_10 = arith.constant 1 : index
    %get3A_11 = arith.constant 0 : index
    %get3A_12 = arith.constant 0 : index
    %get3A_13 = vector.load %arg1[%get3A_10, %get3A_11, %get3A_12] : memref<2x2000x48xbf16, #tpu.memory_space<vmem>>, vector<1x2000x48xbf16>
    %get3A_14 = vector.shape_cast %get3A_13 : vector<1x2000x48xbf16> to vector<2000x48xbf16>
    %add3A = arith.addf %get3A_9, %get3A_14 : vector<2000x48xbf16>
    %convert_element_type3A = arith.extf %add3A : vector<2000x48xbf16> to vector<2000x48xf32>
    %add3A_15 = arith.addf %get3A_4, %convert_element_type3A : vector<2000x48xf32>
    %mul3A = vector.broadcast %get3A_1 : vector<2000x1xf32> to vector<2000x48xf32>
    %mul3A_16 = arith.mulf %mul3A, %add3A_15 : vector<2000x48xf32>
    %get3A_17 = arith.constant 0 : index
    %get3A_18 = arith.constant 0 : index
    %get3A_19 = vector.load %arg4[%get3A_17, %get3A_18] : memref<48x128xf32, #tpu.memory_space<vmem>>, vector<48x128xf32>
    %dot_general3A = arith.constant dense<0.000000e+00> : vector<2000x128xf32>
    %dot_general3A_20 = tpu.matmul %mul3A_16, %get3A_19, %dot_general3A {dimension_numbers = #tpu.dot_dimension_numbers<[1], [0], [0], [1], [0, 0, 1, 1], [], []>, transpose_lhs_hint = false} : vector<2000x48xf32>, vector<48x128xf32>, vector<2000x128xf32> -> vector<2000x128xf32>
    %get3A_21 = arith.constant 0 : index
    %get3A_22 = arith.constant 0 : index
    %get3A_23 = vector.load %arg5[%get3A_21, %get3A_22] : memref<1x128xf32, #tpu.memory_space<vmem>>, vector<1x128xf32>
    %add3A_24 = vector.broadcast %get3A_23 : vector<1x128xf32> to vector<2000x128xf32>
    %add3A_25 = arith.addf %dot_general3A_20, %add3A_24 : vector<2000x128xf32>
    %max3A = arith.constant 0.000000e+00 : f32
    %max3A_26 = vector.broadcast %max3A : f32 to vector<2000x128xf32>
    %max3A_27 = arith.maximumf %add3A_25, %max3A_26 : vector<2000x128xf32>
    %mul3A_28 = vector.broadcast %get3A_1 : vector<2000x1xf32> to vector<2000x128xf32>
    %mul3A_29 = arith.mulf %mul3A_28, %max3A_27 : vector<2000x128xf32>
    %convert_element_type3A_30 = arith.truncf %mul3A_29 : vector<2000x128xf32> to vector<2000x128xbf16>
    %slice3A = vector.extract_strided_slice %convert_element_type3A_30 {offsets = [0, 0], sizes = [2000, 64], strides = [1, 1]} : vector<2000x128xbf16> to vector<2000x64xbf16>
    %swap3A = arith.constant 0 : index
    %swap3A_31 = arith.constant 0 : index
    %swap3A_32 = arith.constant 0 : index
    %swap3A_33 = vector.load %arg6[%swap3A, %swap3A_31, %swap3A_32] : memref<2x2000x64xbf16, #tpu.memory_space<vmem>>, vector<1x2000x64xbf16>
    %swap3A_34 = vector.shape_cast %swap3A_33 : vector<1x2000x64xbf16> to vector<2000x64xbf16>
    %swap3A_35 = vector.shape_cast %slice3A : vector<2000x64xbf16> to vector<1x2000x64xbf16>
    tpu.vector_store %arg6[%swap3A, %swap3A_31, %swap3A_32], %swap3A_35 {strides = array<i32>} : memref<2x2000x64xbf16, #tpu.memory_space<vmem>>, vector<1x2000x64xbf16>,
    %slice3A_36 = vector.extract_strided_slice %convert_element_type3A_30 {offsets = [0, 64], sizes = [2000, 64], strides = [1, 1]} : vector<2000x128xbf16> to vector<2000x64xbf16>
    %swap3A_37 = arith.constant 1 : index
    %swap3A_38 = arith.constant 0 : index
    %swap3A_39 = arith.constant 0 : index
    %swap3A_40 = vector.load %arg6[%swap3A_37, %swap3A_38, %swap3A_39] : memref<2x2000x64xbf16, #tpu.memory_space<vmem>>, vector<1x2000x64xbf16>
    %swap3A_41 = vector.shape_cast %swap3A_40 : vector<1x2000x64xbf16> to vector<2000x64xbf16>
    %swap3A_42 = vector.shape_cast %slice3A_36 : vector<2000x64xbf16> to vector<1x2000x64xbf16>
    tpu.vector_store %arg6[%swap3A_37, %swap3A_38, %swap3A_39], %swap3A_42 {strides = array<i32>} : memref<2x2000x64xbf16, #tpu.memory_space<vmem>>, vector<1x2000x64xbf16>,
    return
  }
  func.func @transform_0(%arg0: i32) -> (i32, i32, i32) {
    %c0_i32 = arith.constant 0 : i32
    %c0_i32_0 = arith.constant 0 : i32
    %c0_i32_1 = arith.constant 0 : i32
    return %c0_i32, %arg0, %c0_i32_0 : i32, i32, i32
  }
  func.func @transform_1(%arg0: i32) -> (i32, i32) {
    %c0_i32 = arith.constant 0 : i32
    %c0_i32_0 = arith.constant 0 : i32
    return %arg0, %c0_i32 : i32, i32
  }
  func.func @transform_2(%arg0: i32) -> (i32, i32) {
    %c0_i32 = arith.constant 0 : i32
    %c0_i32_0 = arith.constant 0 : i32
    return %arg0, %c0_i32 : i32, i32
  }
  func.func @transform_3(%arg0: i32) -> (i32, i32) {
    %c0_i32 = arith.constant 0 : i32
    %c0_i32_0 = arith.constant 0 : i32
    %c0_i32_1 = arith.constant 0 : i32
    return %c0_i32, %c0_i32_0 : i32, i32
  }
  func.func @transform_4(%arg0: i32) -> (i32, i32) {
    %c0_i32 = arith.constant 0 : i32
    %c0_i32_0 = arith.constant 0 : i32
    %c0_i32_1 = arith.constant 0 : i32
    return %c0_i32, %c0_i32_0 : i32, i32
  }
  func.func @transform_5(%arg0: i32) -> (i32, i32, i32) {
    %c0_i32 = arith.constant 0 : i32
    %c0_i32_0 = arith.constant 0 : i32
    %c0_i32_1 = arith.constant 0 : i32
    return %c0_i32, %arg0, %c0_i32_0 : i32, i32, i32
  }
}

module attributes {stable_mosaic.version = 14 : i64} {
  func.func @body(%arg0: i32, %arg1: i32, %arg2: memref<2x2000x64xbf16, #tpu.memory_space<vmem>>, %arg3: memref<2x2000x64xbf16, #tpu.memory_space<vmem>>, %arg4: memref<2000x1xf32, #tpu.memory_space<vmem>>, %arg5: memref<128x1536xbf16, #tpu.memory_space<vmem>>, %arg6: memref<1x1536xf32, #tpu.memory_space<vmem>>, %arg7: memref<2000x1536xf32, #tpu.memory_space<vmem>>, %arg8: memref<2000x128xbf16, #tpu.memory_space<vmem>>) attributes {dimension_semantics = [#tpu.dimension_semantics<arbitrary>, #tpu.dimension_semantics<arbitrary>], iteration_bounds = array<i64: 5, 18>, scalar_prefetch = 0 : i64, scratch_operands = 1 : i64, tpu.core_type = #tpu.core_type<tc>, window_params = [{transform_indices = @transform_0, window_bounds = array<i64: 2, 2000, 64>}, {transform_indices = @transform_1, window_bounds = array<i64: 2, 2000, 64>}, {transform_indices = @transform_2, window_bounds = array<i64: 2000, 1>}, {transform_indices = @transform_3, window_bounds = array<i64: 128, 1536>}, {transform_indices = @transform_4, window_bounds = array<i64: 1, 1536>}, {transform_indices = @transform_5, window_bounds = array<i64: 2000, 1536>}]} {
    %eq3A = arith.constant 0 : i32
    %eq3A_0 = arith.cmpi eq, %arg1, %eq3A : i32
    %convert_element_type3A = arith.extui %eq3A_0 : i1 to i32
    %cond3A = arith.constant 0 : i32
    %cond3A_1 = arith.cmpi ne, %convert_element_type3A, %cond3A : i32
    scf.if %cond3A_1 {
      %get3A_19 = arith.constant 0 : index
      %get3A_20 = arith.constant 0 : index
      %get3A_21 = arith.constant 0 : index
      %get3A_22 = vector.load %arg3[%get3A_19, %get3A_20, %get3A_21] : memref<2x2000x64xbf16, #tpu.memory_space<vmem>>, vector<1x2000x64xbf16>
      %get3A_23 = vector.shape_cast %get3A_22 : vector<1x2000x64xbf16> to vector<2000x64xbf16>
      %get3A_24 = arith.constant 0 : index
      %get3A_25 = arith.constant 0 : index
      %get3A_26 = arith.constant 0 : index
      %get3A_27 = vector.load %arg2[%get3A_24, %get3A_25, %get3A_26] : memref<2x2000x64xbf16, #tpu.memory_space<vmem>>, vector<1x2000x64xbf16>
      %get3A_28 = vector.shape_cast %get3A_27 : vector<1x2000x64xbf16> to vector<2000x64xbf16>
      %add3A_29 = arith.addf %get3A_23, %get3A_28 : vector<2000x64xbf16>
      %convert_element_type3A_30 = arith.extf %add3A_29 : vector<2000x64xbf16> to vector<2000x64xf32>
      %get3A_31 = arith.constant 1 : index
      %get3A_32 = arith.constant 0 : index
      %get3A_33 = arith.constant 0 : index
      %get3A_34 = vector.load %arg3[%get3A_31, %get3A_32, %get3A_33] : memref<2x2000x64xbf16, #tpu.memory_space<vmem>>, vector<1x2000x64xbf16>
      %get3A_35 = vector.shape_cast %get3A_34 : vector<1x2000x64xbf16> to vector<2000x64xbf16>
      %get3A_36 = arith.constant 1 : index
      %get3A_37 = arith.constant 0 : index
      %get3A_38 = arith.constant 0 : index
      %get3A_39 = vector.load %arg2[%get3A_36, %get3A_37, %get3A_38] : memref<2x2000x64xbf16, #tpu.memory_space<vmem>>, vector<1x2000x64xbf16>
      %get3A_40 = vector.shape_cast %get3A_39 : vector<1x2000x64xbf16> to vector<2000x64xbf16>
      %add3A_41 = arith.addf %get3A_35, %get3A_40 : vector<2000x64xbf16>
      %convert_element_type3A_42 = arith.extf %add3A_41 : vector<2000x64xbf16> to vector<2000x64xf32>
      %get3A_43 = arith.constant 0 : index
      %get3A_44 = arith.constant 0 : index
      %get3A_45 = vector.load %arg4[%get3A_43, %get3A_44] : memref<2000x1xf32, #tpu.memory_space<vmem>>, vector<2000x1xf32>
      %concatenate3A = tpu.concatenate %convert_element_type3A_30, %convert_element_type3A_42 in 1 : vector<2000x64xf32>, vector<2000x64xf32> -> vector<2000x128xf32>
      %mul3A = vector.broadcast %get3A_45 : vector<2000x1xf32> to vector<2000x128xf32>
      %mul3A_46 = arith.mulf %mul3A, %concatenate3A : vector<2000x128xf32>
      %convert_element_type3A_47 = arith.truncf %mul3A_46 : vector<2000x128xf32> to vector<2000x128xbf16>
      %swap3A_48 = arith.constant 0 : index
      %swap3A_49 = arith.constant 0 : index
      %swap3A_50 = vector.load %arg8[%swap3A_48, %swap3A_49] : memref<2000x128xbf16, #tpu.memory_space<vmem>>, vector<2000x128xbf16>
      tpu.vector_store %arg8[%swap3A_48, %swap3A_49], %convert_element_type3A_47 {strides = array<i32>} : memref<2000x128xbf16, #tpu.memory_space<vmem>>, vector<2000x128xbf16>,
    } else {
    }
    %get3A = arith.constant 0 : index
    %get3A_2 = arith.constant 0 : index
    %get3A_3 = vector.load %arg8[%get3A, %get3A_2] : memref<2000x128xbf16, #tpu.memory_space<vmem>>, vector<2000x128xbf16>
    %get3A_4 = arith.constant 0 : index
    %get3A_5 = arith.constant 0 : index
    %get3A_6 = vector.load %arg5[%get3A_4, %get3A_5] : memref<128x1536xbf16, #tpu.memory_space<vmem>>, vector<128x1536xbf16>
    %dot_general3A = arith.constant dense<0.000000e+00> : vector<2000x1536xf32>
    %dot_general3A_7 = tpu.matmul %get3A_3, %get3A_6, %dot_general3A {dimension_numbers = #tpu.dot_dimension_numbers<[1], [0], [0], [1], [0, 0, 1, 1], [], []>, transpose_lhs_hint = false} : vector<2000x128xbf16>, vector<128x1536xbf16>, vector<2000x1536xf32> -> vector<2000x1536xf32>
    %get3A_8 = arith.constant 0 : index
    %get3A_9 = arith.constant 0 : index
    %get3A_10 = vector.load %arg6[%get3A_8, %get3A_9] : memref<1x1536xf32, #tpu.memory_space<vmem>>, vector<1x1536xf32>
    %add3A = vector.broadcast %get3A_10 : vector<1x1536xf32> to vector<2000x1536xf32>
    %add3A_11 = arith.addf %dot_general3A_7, %add3A : vector<2000x1536xf32>
    %logistic3A = arith.negf %add3A_11 : vector<2000x1536xf32>
    %logistic3A_12 = math.exp %logistic3A : vector<2000x1536xf32>
    %logistic3A_13 = arith.constant 1.000000e+00 : f32
    %logistic3A_14 = vector.broadcast %logistic3A_13 : f32 to vector<2000x1536xf32>
    %logistic3A_15 = arith.addf %logistic3A_14, %logistic3A_12 : vector<2000x1536xf32>
    %logistic3A_16 = arith.divf %logistic3A_14, %logistic3A_15 : vector<2000x1536xf32>
    %swap3A = arith.constant 0 : index
    %swap3A_17 = arith.constant 0 : index
    %swap3A_18 = vector.load %arg7[%swap3A, %swap3A_17] : memref<2000x1536xf32, #tpu.memory_space<vmem>>, vector<2000x1536xf32>
    tpu.vector_store %arg7[%swap3A, %swap3A_17], %logistic3A_16 {strides = array<i32>} : memref<2000x1536xf32, #tpu.memory_space<vmem>>, vector<2000x1536xf32>,
    return
  }
  func.func @transform_0(%arg0: i32, %arg1: i32) -> (i32, i32, i32) {
    %c0_i32 = arith.constant 0 : i32
    %c0_i32_0 = arith.constant 0 : i32
    %c0_i32_1 = arith.constant 0 : i32
    return %c0_i32, %arg0, %c0_i32_0 : i32, i32, i32
  }
  func.func @transform_1(%arg0: i32, %arg1: i32) -> (i32, i32, i32) {
    %c0_i32 = arith.constant 0 : i32
    %c0_i32_0 = arith.constant 0 : i32
    %c0_i32_1 = arith.constant 0 : i32
    return %c0_i32, %arg0, %c0_i32_0 : i32, i32, i32
  }
  func.func @transform_2(%arg0: i32, %arg1: i32) -> (i32, i32) {
    %c0_i32 = arith.constant 0 : i32
    %c0_i32_0 = arith.constant 0 : i32
    return %arg0, %c0_i32 : i32, i32
  }
  func.func @transform_3(%arg0: i32, %arg1: i32) -> (i32, i32) {
    %c0_i32 = arith.constant 0 : i32
    %c0_i32_0 = arith.constant 0 : i32
    return %c0_i32, %arg1 : i32, i32
  }
  func.func @transform_4(%arg0: i32, %arg1: i32) -> (i32, i32) {
    %c0_i32 = arith.constant 0 : i32
    %c0_i32_0 = arith.constant 0 : i32
    return %c0_i32, %arg1 : i32, i32
  }
  func.func @transform_5(%arg0: i32, %arg1: i32) -> (i32, i32) {
    %c0_i32 = arith.constant 0 : i32
    return %arg0, %arg1 : i32, i32
  }
}

</mosaic_0001>

<sc_bundles>
// kernel: kernel.11.cloned.1.call-start
scs
__scs_entry_jumppad:
0x0: {  	(pc) =	sbr.rel $0x88, $3  }
0x1: {  	(tag) =	ssettag $0x0;
	lr =	simm.s32 $0x1  }
0x2: {  	[smem:$0x3F9B] =	sst lr;
	_ =	strace $0xD0000000  }
0x3: {  	_ = 	snop  }
0x4: {  	_ = 	snop  }
0x5: {  	_ = 	snop  }
0x6: {  	_ = 	snop  }
0x7: {  	_ = 	snop  }
__scs_overlays_trampoline_lowered:
0x8: {  	[smem:$0x3FAA] =	sst s0  }
0x9: {  	[smem:$0x3FAB] =	sst s1  }
0xa: {  	[smem:$0x3FAC] =	sst s2  }
0xb: {  	[smem:$0x3FAD] =	sst s3  }
0xc: {  	[smem:$0x3FAE] =	sst s4  }
0xd: {  	[smem:$0x3FAF] =	sst s5  }
0xe: {  	[smem:$0x3FB0] =	sst s6  }
0xf: {  	[smem:$0x3FB1] =	sst s7  }
0x10: {  	[smem:$0x3FB2] =	sst s8  }
0x11: {  	[smem:$0x3FB3] =	sst s9;
	s0 =	simm.s32 @!p0 $0x0  }
0x12: {  	s1 =	sld [smem:$0x3F99];
	s0 =	simm.s32 @p0 $0x1  }
0x13: {  	[smem:$0x3FB4] =	sst s0;
	s0 =	simm.s32 @!p1 $0x0  }
0x14: {  	s2 =	sld [smem:$0x3F98];
	s0 =	simm.s32 @p1 $0x1  }
0x15: {  	[smem:$0x3FB5] =	sst s0;
	s0 =	simm.s32 @!p2 $0x0  }
0x16: {  	s3 =	sld [smem:$0x3FDB];
	s0 =	simm.s32 @p2 $0x1  }
0x17: {  	s4 =	simm.s32 $0x1BF5;
	[smem:$0x3FB7] =	sst s0  }
0x18: {  	s0 =	sld [smem:$0x3F9A];
	_ =	swait.ge [sflag:s4], $0x0  }
0x19: {  	s7 =	sld [smem:$0x3F9B]  }
0x1a: {  	s8 =	sadd.s32 $0xFFFFE003, lr  }
0x1b: {  	s9 =	sadd.s32 $0xFFFFFEF7, lr;
	s5 =	simm.s32 $0xFFFFFFFF;
	p2 =	slt.u32 s8, $0xFFFFF086  }
0x1c: {  	p1 =	slt.u32 s9, $0xF7A;
	s5 =	simm.s32 @!p2 $0x0  }
0x1d: {  	s5 =	simm.s32 @p1 $0x1;
	p0 =	seq.s32 s7, s2  }
0x1e: {  	s7 =	smul.u32 @!p0 $0xF7A, s2;
	p2 =	seq.s32 @!p0 s5, $0x0  }
0x1f: {  	s9 =	smul.u32 $0xF7A, s1;
	s8 =	simm.s32 @!p0 $0x1BF5;
	p2 =	por !p2, p0  }
0x20: {  	[sflag:s8] =	ssyncset.s32 @!p0 $0xFFFFF086;
	s6 =	sadd.s32 @!p0 s3, s7;
	s7 =	simm.s32 @!p0 $0x108  }
0x21: {  	s3 =	sadd.s32 s3, s9;
	s6 =	sadd.s32 @!p0 $0x88, s6;
	s7 =	simm.s32 @p2 $0x1082  }
0x22: {  	[simem:s7], [sflag:s8] =	dma.local @!p0 [hbm:s6], $0xF7A  }
0x23: {  	s9 =	sor.u32 $0xD0000000, s2;
	s6 =	simm.s32 $0x108;
	_ =	swait.ge @!p0 [sflag:s8], $0x0  }
0x24: {  	s3 =	sadd.s32 $0x88, s3;
	s6 =	simm.s32 @!p1 $0x1082;
	[sflag:s4] =	ssyncset.s32 $0xFFFFF086  }
0x25: {  	[simem:s6], [sflag:s4] =	dma.local [hbm:s3], $0xF7A  }
0x26: {  	[smem:$0x3F9B] =	sst s1;
	(tag) =	ssettag s2;
	_ =	strace s9  }
0x27: {  	s1 =	sld [smem:$0x3FAB]  }
0x28: {  	s2 =	sld [smem:$0x3FAC]  }
0x29: {  	s4 =	sld [smem:$0x3FAE]  }
0x2a: {  	p0 =	seq.s32 s5, $0x0;
	s5 =	sld [smem:$0x3FAF]  }
0x2b: {  	s6 =	sld [smem:$0x3FB0]  }
0x2c: {  	s7 =	sld [smem:$0x3FB1]  }
0x2d: {  	s3 =	simm.s32 $0x108;
	s8 =	sld [smem:$0x3FB2]  }
0x2e: {  	s3 =	simm.s32 @!p0 $0x1082;
	s9 =	sld [smem:$0x3FB3]  }
0x2f: {  	lr =	sadd.s32 s0, s3;
	s0 =	sld [smem:$0x3FAA]  }
0x30: {  	s3 =	sld [smem:$0x3FAD]  }
0x31: {  	[smem:$0x3FB6] =	sst s10  }
0x32: {  	s10 =	sld [smem:$0x3FB4];
	_ =	sdelay $0x3  }
0x33: {  	p0 =	seq.s32 s10, $0x1;
	s10 =	sld [smem:$0x3FB6];
	_ =	sdelay $0x3  }
0x34: {  	[smem:$0x3FB6] =	sst s10  }
0x35: {  	s10 =	sld [smem:$0x3FB5];
	_ =	sdelay $0x3  }
0x36: {  	p1 =	seq.s32 s10, $0x1;
	s10 =	sld [smem:$0x3FB6];
	_ =	sdelay $0x3  }
0x37: {  	[smem:$0x3FB6] =	sst s10  }
0x38: {  	s10 =	sld [smem:$0x3FB7]  }
0x39: {  	_ = 	snop;
	(pc) =	sbr.ind lr, $3  }
0x3a: {  	_ = 	snop  }
0x3b: {  	_ = 	snop  }
0x3c: {  	p2 =	seq.s32 s10, $0x1;
	s10 =	sld [smem:$0x3FB6]  }
0x3d: {  	_ =	shalt  }
0x3e: {  	_ =	shalt  }
0x3f: {  	_ =	shalt  }
0x40: {  	_ =	shalt  }
0x41: {  	_ =	shalt  }
0x42: {  	_ =	shalt  }
0x43: {  	_ =	shalt  }
0x44: {  	_ =	shalt  }
0x45: {  	_ =	shalt  }
0x46: {  	_ =	shalt  }
0x47: {  	_ =	shalt  }
0x48: {  	_ =	shalt  }
0x49: {  	_ =	shalt  }
0x4a: {  	_ =	shalt  }
0x4b: {  	_ =	shalt  }
0x4c: {  	_ =	shalt  }
0x4d: {  	_ =	shalt  }
0x4e: {  	_ =	shalt  }
0x4f: {  	_ =	shalt  }
0x50: {  	_ =	shalt  }
0x51: {  	_ =	shalt  }
0x52: {  	_ =	shalt  }
0x53: {  	_ =	shalt  }
0x54: {  	_ =	shalt  }
0x55: {  	_ =	shalt  }
0x56: {  	_ =	shalt  }
0x57: {  	_ =	shalt  }
0x58: {  	_ =	shalt  }
0x59: {  	_ =	shalt  }
0x5a: {  	_ =	shalt  }
0x5b: {  	_ =	shalt  }
0x5c: {  	_ =	shalt  }
0x5d: {  	_ =	shalt  }
0x5e: {  	_ =	shalt  }
0x5f: {  	_ =	shalt  }
0x60: {  	_ =	shalt  }
0x61: {  	_ =	shalt  }
0x62: {  	_ =	shalt  }
0x63: {  	_ =	shalt  }
0x64: {  	_ =	shalt  }
0x65: {  	_ =	shalt  }
0x66: {  	_ =	shalt  }
0x67: {  	_ =	shalt  }
0x68: {  	_ =	shalt  }
0x69: {  	_ =	shalt  }
0x6a: {  	_ =	shalt  }
0x6b: {  	_ =	shalt  }
0x6c: {  	_ =	shalt  }
0x6d: {  	_ =	shalt  }
0x6e: {  	_ =	shalt  }
0x6f: {  	_ =	shalt  }
0x70: {  	_ =	shalt  }
0x71: {  	_ =	shalt  }
0x72: {  	_ =	shalt  }
0x73: {  	_ =	shalt  }
0x74: {  	_ =	shalt  }
0x75: {  	_ =	shalt  }
0x76: {  	_ =	shalt  }
0x77: {  	_ =	shalt  }
0x78: {  	_ =	shalt  }
0x79: {  	_ =	shalt  }
0x7a: {  	_ =	shalt  }
0x7b: {  	_ =	shalt  }
0x7c: {  	_ =	shalt  }
0x7d: {  	_ =	shalt  }
0x7e: {  	_ =	shalt  }
0x7f: {  	_ =	shalt  }
0x80: {  	_ =	shalt  }
0x81: {  	_ =	shalt  }
0x82: {  	_ =	shalt  }
0x83: {  	_ =	shalt  }
0x84: {  	_ =	shalt  }
0x85: {  	_ =	shalt  }
0x86: {  	_ =	shalt  }
0x87: {  	_ =	shalt  }
.Lfunc_end0:
.L_simem_size_0:
called_computation.1_lowered:
.L_overlay_start_0:
0x88: {  	s2 =	sld [smem:$0x3FD9]  }
0x89: {  	s3 =	sld [smem:$0x3FFE];
	_ =	sdelay $0x1  }
0x8a: {  	s1 =	srdreg.scid  }
0x8b: {  	s0 =	sand.u32 $0x1, s1  }
0x8c: {  	s17 =	sshll.u32 s0, $0xA;
	s2 =	sadd.s32 s3, s2  }
0x8d: {  	s2 =	sadd.s32 s2, s17  }
0x8e: {  	[smem:$0x3FC2] =	sst s2  }
0x8f: {  	_ = 	snop  }
0x90: {  	s2 =	sld [smem:$0x3FD0];
	(tm) =	ssettm $0x1  }
0x91: {  	s18 =	sld [smem:$0x3FFB];
	_ =	sdelay $0x3  }
0x92: {  	_ =	strace s18  }
0x93: {  	s3 =	sld [smem:$0x3FFC];
	_ =	sdelay $0x3  }
0x94: {  	_ =	strace s3  }
0x95: {  	s3 =	sld [smem:$0x3FFD];
	_ =	sdelay $0x3  }
0x96: {  	_ =	strace s3  }
0x97: {  	_ =	strace $0x8FFFFFFF  }
0x98: {  	s19 =	sld [smem:$0x3FDB];
	_ =	sdelay $0x1  }
0x99: {  	s4 =	simm.s32 $_scs_section_size  }
0x9a: {  	s5 =	simm.s32 $_size__tile_overlayer_lowered;
	s6 =	simm.s32 $_tile_overlayer_lowered  }
0x9b: {  	s22 =	simm.s32 $0x1BFF;
	s21 =	sshll.u32 s6, $0x1;
	s3 =	sadd.s32 s4, s19  }
0x9c: {  	s7 =	simm.s32 $0x0;
	s20 =	sshll.u32 s5, $0x1;
	s5 =	sadd.s32 s21, s3  }
0x9d: {  	[timem:s7], [sflag:s22] =	dma.local [hbm:s5], s20  }
0x9e: {  	_ =	swait.ge [sflag:s22], s20  }
0x9f: {  	s4 =	ssub.s32 $0x0, s20;
	[sflag:s22] =	ssyncset.done $0x0  }
0xa0: {  	[sflag:s22] =	ssyncadd.s32 s4;
	_ =	sdelay $0x1  }
0xa1: {  	s23 =	simm.s32 $0x1B8B  }
0xa2: {  	_ =	swait.ge [sflag:s23], $0x1  }
0xa3: {  	[sflag:s23] =	ssyncset.done $0x0  }
0xa4: {  	s25 =	simm.s32 $0x1B8E;
	s24 =	sld [smem:$0x3FFE];
	[sflag:s23] =	ssyncadd.s32 $0xFFFFFFFF  }
0xa5: {  	s26 =	simm.s32 $execute0_lowered;
	[smem:$0x3FD2] =	sst s25  }
0xa6: {  	s5 =	sshll.u32 s26, $0x1;
	_ =	strace $0x80000049;
	[dreg:$0x1] =	wrdreg $0xFFFFFFFF  }
0xa7: {  	s28 =	simm.s32 $_size_execute0_lowered;
	s3 =	sadd.s32 s3, s5;
	[dreg:$0x0] =	wrdreg $0x0  }
0xa8: {  	s5 =	sshll.u32 s28, $0x1;
	[dreg:$0x2] =	wrdreg s3  }
0xa9: {  	[dreg:$0x3] =	wrdreg s5  }
0xaa: {  	[dreg:$0x4] =	wrdreg $0xC0  }
0xab: {  	_ =	task [dreg:s7], $0x5FFFF  }
0xac: {  	[dreg:$0x1] =	wrdreg $0xFFFFFFFF  }
0xad: {  	[dreg:$0x0] =	wrdreg $0x60  }
0xae: {  	[dreg:$0x2] =	wrdreg s24  }
0xaf: {  	[dreg:$0x3] =	wrdreg s2  }
0xb0: {  	[dreg:$0x4] =	wrdreg $0x28000  }
0xb1: {  	[dreg:$0x5] =	wrdreg $0x9  }
0xb2: {  	_ =	task.clear_ibuf [dreg:s7], $0x6FFFF;
	_ =	strace $0x90000049  }
0xb3: {  	s29 =	simm.s32 $0x9;
	_ =	strace $0x8000004B  }
0xb4: {  	_ =	swait.ge [sflag:s29], $0x1  }
0xb5: {  	[sflag:s29] =	ssyncadd.s32 $0xFFFFFFFF  }
0xb6: {  	_ =	strace $0x9000004B  }
0xb7: {  	_ =	sfence  }
0xb8: {  	s30 =	sld [smem:$0x0];
	_ =	sdelay $0x2  }
0xb9: {  	s31 =	sshll.u32 s1, $0xD;
	s1 =	sshrl.u32 s1, $0x2  }
0xba: {  	s3 =	sand.u32 $0x4000, s31;
	s1 =	sadd.s32 s1, s30  }
0xbb: {  	s0 =	sor.u32 s3, s0;
	s1 =	sshll.u32 s1, $0x11  }
0xbc: {  	s0 =	sor.u32 s1, s0  }
0xbd: {  	s0 =	sadd.s32 $0x8F2B, s0  }
0xbe: {  	[sflag:s0] =	ssyncadd.remote.s32 $0x1  }
0xbf: {  	_ =	sfence.sel $0xFFFF  }
0xc0: {  	[dreg:$0x0] =	wrdreg $0xFFFFFFFF;
	(pc) =	sbr.abs _section_cstart, $3  }
0xc1: {  	[dreg:$0x1] =	wrdreg $0xFFFFFFFF  }
0xc2: {  	_ =	task.clear_ibuf [dreg:s7], $0x2FFFF;
	_ =	strace $0x9FFFFFFF  }
0xc3: {  	(tm) =	ssettm $0x7FFFFFFF  }
tec
execute0_lowered:
.L_overlay_start_1:
0x0: {  	(tag) =	ssettag $0x1  }
0x1: {  	s1 =	rddreg [dreg:$0x0]  }
0x2: {  	s9 =	rddreg [dreg:$0x1];
	s3 =	srdreg.scid  }
0x3: {  	s0 =	stileid.u32;
	s2 =	rddreg [dreg:$0x2]  }
0x4: {  	s13 =	simm.s32 $0x1400;
	s14 =	simm.s32 $0x80;
	s15 =	simm.s32 $0x6340  }
0x5: {  	s16 =	simm.s32 $0x6F40;
	s17 =	simm.s32 $0x7B40;
	s18 =	simm.s32 $0x8740  }
0x6: {  	s19 =	simm.s32 $0x9340;
	s20 =	simm.s32 $0x1;
	s21 =	simm.s32 $0x9F40  }
0x7: {  	s22 =	simm.s32 $0xAB40;
	s23 =	simm.s32 $0xB740;
	s24 =	simm.s32 $0xC340  }
0x8: {  	s28 =	simm.s32 $0x0;
	s5 =	sand.u32 $0x1, s3;
	s4 =	sshll.u32 s0, $0x1  }
0x9: {  	s3 =	simm.s32 $0x0;
	s8 =	smul.u32 $0x7680, s0;
	s29 =	sshll.u32 s0, $0x6  }
0xa: {  	s4 =	sor.u32 s5, s4;
	[smem:$0x7FF] =	sst s3;
	s11 =	smul.u32 $0x76800, s5  }
0xb: {  	s7 =	ssub.s32 $0x2, s5;
	s5 =	sadd.s32 $0x10000, s1;
	s6 =	smul.u32 $0x280, s4  }
0xc: {  	_ =	strace $0x8000004A;
	s4 =	sadd.s32 $0x6000, s1;
	s10 =	sshrl.u32 s7, $0x1  }
0xd: {  	s26 =	sshrl.u32 s8, $0x1;
	s25 =	ssub.s32 s7, s10;
	s8 =	sadd.s32 s8, s11  }
0xe: {  	s30 =	sadd.s32 s26, s2;
	s26 =	simm.s32 $0x2;
	s12 =	sadd.s32 s6, s1  }
0xf: {  	s6 =	sor.u32 $0x1C03, s29;
	s31 =	sshrl.u32 s8, $0x4;
	s10 =	smax.u32 s25, $0x1  }
0x10: {  	s11 =	sshrl.u32 s30, $0x3;
	s25 =	simm.s32 $0xCF40;
	s7 =	sadd.s32 $0x10800, s12  }
0x11: {  	s8 =	sadd.s32 $0x1000, s12;
	s9 =	sadd.s32 s9, s31;
	s12 =	simm.s32 $0x3  }
.LBB2_1:
0x12: {  	[spmem:s11], [sflag:s6] =	dma.local [hbm:s5], $0x768  }
0x13: {  	_ =	swait.ge [sflag:s12], $0x768  }
0x14: {  	[sflag:s12] =	ssyncset.done $0x0  }
0x15: {  	[sflag:s12] =	ssyncadd.s32 $0xFFFFF898  }
0x16: {  	[tilespmem:s3], [sflag:$0x3] =	stream.linear.gather [hbm4b:s7+s3], $0x1400, $0x38;
	[tilespmem:$0xDB40] =	vst v63  }
0x17: {  	_ =	swait.ge [sflag:s12], $0x1400  }
0x18: {  	[sflag:s12] =	ssyncset.done $0x0  }
0x19: {  	[sflag:s12] =	ssyncadd.s32 $0xFFFFEC00  }
0x1a: {  	[tilespmem:s13], [sflag:$0x3] =	stream.linear.gather [hbm4b:s8+s3], $0x1400, $0x38;
	[tilespmem:$0xDB40] =	vst v63  }
0x1b: {  	_ =	swait.ge [sflag:s12], $0x1400  }
0x1c: {  	[sflag:s12] =	ssyncset.done $0x0  }
0x1d: {  	[sflag:s12] =	ssyncadd.s32 $0xFFFFEC00  }
0x1e: {  	s1 =	simm.s32 $0x0;
	[bflag:$0x0] =	sbarrier.arrive $0xFFFF  }
0x1f: {  	[tilespmem:s15], [sflag:$0x1] =	stream.indirect.gather [hbm4b:s4+s14], $0x18, s1, s14, $0xb8;
	[tilespmem:$0xDB40] =	vst v63  }
0x20: {  	s31 =	simm.s32 $0x80  }
0x21: {  	[tilespmem:s16], [sflag:$0x1] =	stream.indirect.gather [hbm4b:s4+s14], $0x18, s31, s14, $0xb8;
	[tilespmem:$0xDB40] =	vst v63  }
0x22: {  	s31 =	simm.s32 $0x100  }
0x23: {  	[tilespmem:s17], [sflag:$0x1] =	stream.indirect.gather [hbm4b:s4+s14], $0x18, s31, s14, $0xb8;
	[tilespmem:$0xDB40] =	vst v63  }
0x24: {  	s31 =	simm.s32 $0x180  }
0x25: {  	[tilespmem:s18], [sflag:$0x1] =	stream.indirect.gather [hbm4b:s4+s14], $0x18, s31, s14, $0xb8;
	[tilespmem:$0xDB40] =	vst v63  }
0x26: {  	s31 =	simm.s32 $0x200  }
0x27: {  	[tilespmem:s19], [sflag:$0x1] =	stream.indirect.gather [hbm4b:s4+s14], $0x18, s31, s14, $0xb8;
	[tilespmem:$0xDB40] =	vst v63  }
0x28: {  	_ =	swait.ge [sflag:s20], $0xC00  }
0x29: {  	[sflag:s20] =	ssyncset.done $0x0  }
0x2a: {  	s31 =	simm.s32 $0x1400;
	[sflag:s20] =	ssyncadd.s32 $0xFFFFF400  }
0x2b: {  	[spmem:s2] =	stream.indirect.scatter.add.bf16 [tilespmem:s15], [sflag:$0x2], $0x18, s31, s14, $0xb8;
	[tilespmem:$0xDB40] =	vst v63  }
0x2c: {  	_ =	swait.ge [sflag:s20], $0xC00  }
0x2d: {  	[sflag:s20] =	ssyncset.done $0x0  }
0x2e: {  	s31 =	simm.s32 $0x1480;
	[sflag:s20] =	ssyncadd.s32 $0xFFFFF400  }
0x2f: {  	[spmem:s2] =	stream.indirect.scatter.add.bf16 [tilespmem:s16], [sflag:$0x2], $0x18, s31, s14, $0xb8;
	[tilespmem:$0xDB40] =	vst v63  }
0x30: {  	_ =	swait.ge [sflag:s20], $0xC00  }
0x31: {  	[sflag:s20] =	ssyncset.done $0x0  }
0x32: {  	s31 =	simm.s32 $0x1500;
	[sflag:s20] =	ssyncadd.s32 $0xFFFFF400  }
0x33: {  	[spmem:s2] =	stream.indirect.scatter.add.bf16 [tilespmem:s17], [sflag:$0x2], $0x18, s31, s14, $0xb8;
	[tilespmem:$0xDB40] =	vst v63  }
0x34: {  	_ =	swait.ge [sflag:s20], $0xC00  }
0x35: {  	[sflag:s20] =	ssyncset.done $0x0  }
0x36: {  	s31 =	simm.s32 $0x1580;
	[sflag:s20] =	ssyncadd.s32 $0xFFFFF400  }
0x37: {  	[spmem:s2] =	stream.indirect.scatter.add.bf16 [tilespmem:s18], [sflag:$0x2], $0x18, s31, s14, $0xb8;
	[tilespmem:$0xDB40] =	vst v63  }
0x38: {  	_ =	swait.ge [sflag:s20], $0xC00  }
0x39: {  	[sflag:s20] =	ssyncset.done $0x0  }
0x3a: {  	s31 =	simm.s32 $0x1600;
	[sflag:s20] =	ssyncadd.s32 $0xFFFFF400  }
0x3b: {  	[spmem:s2] =	stream.indirect.scatter.add.bf16 [tilespmem:s19], [sflag:$0x2], $0x18, s31, s14, $0xb8;
	[tilespmem:$0xDB40] =	vst v63  }
0x3c: {  	s31 =	simm.s32 $0x280  }
0x3d: {  	[tilespmem:s21], [sflag:$0x1] =	stream.indirect.gather [hbm4b:s4+s14], $0x18, s31, s14, $0xb8;
	[tilespmem:$0xDB40] =	vst v63  }
0x3e: {  	s31 =	simm.s32 $0x300  }
0x3f: {  	[tilespmem:s22], [sflag:$0x1] =	stream.indirect.gather [hbm4b:s4+s14], $0x18, s31, s14, $0xb8;
	[tilespmem:$0xDB40] =	vst v63  }
0x40: {  	s31 =	simm.s32 $0x380  }
0x41: {  	[tilespmem:s23], [sflag:$0x1] =	stream.indirect.gather [hbm4b:s4+s14], $0x18, s31, s14, $0xb8;
	[tilespmem:$0xDB40] =	vst v63  }
0x42: {  	s31 =	simm.s32 $0x400  }
0x43: {  	[tilespmem:s24], [sflag:$0x1] =	stream.indirect.gather [hbm4b:s4+s14], $0x18, s31, s14, $0xb8;
	[tilespmem:$0xDB40] =	vst v63  }
0x44: {  	s31 =	simm.s32 $0x480  }
0x45: {  	[tilespmem:s25], [sflag:$0x1] =	stream.indirect.gather [hbm4b:s4+s14], $0x18, s31, s14, $0xb8;
	[tilespmem:$0xDB40] =	vst v63  }
0x46: {  	_ =	swait.ge [sflag:s20], $0xC00  }
0x47: {  	[sflag:s20] =	ssyncset.done $0x0  }
0x48: {  	s31 =	simm.s32 $0x1680;
	[sflag:s20] =	ssyncadd.s32 $0xFFFFF400  }
0x49: {  	[spmem:s2] =	stream.indirect.scatter.add.bf16 [tilespmem:s21], [sflag:$0x2], $0x18, s31, s14, $0xb8;
	[tilespmem:$0xDB40] =	vst v63  }
0x4a: {  	_ =	swait.ge [sflag:s20], $0xC00  }
0x4b: {  	[sflag:s20] =	ssyncset.done $0x0  }
0x4c: {  	s31 =	simm.s32 $0x1700;
	[sflag:s20] =	ssyncadd.s32 $0xFFFFF400  }
0x4d: {  	[spmem:s2] =	stream.indirect.scatter.add.bf16 [tilespmem:s22], [sflag:$0x2], $0x18, s31, s14, $0xb8;
	[tilespmem:$0xDB40] =	vst v63  }
0x4e: {  	_ =	swait.ge [sflag:s20], $0xC00  }
0x4f: {  	[sflag:s20] =	ssyncset.done $0x0  }
0x50: {  	s31 =	simm.s32 $0x1780;
	[sflag:s20] =	ssyncadd.s32 $0xFFFFF400  }
0x51: {  	[spmem:s2] =	stream.indirect.scatter.add.bf16 [tilespmem:s23], [sflag:$0x2], $0x18, s31, s14, $0xb8;
	[tilespmem:$0xDB40] =	vst v63  }
0x52: {  	_ =	swait.ge [sflag:s20], $0xC00  }
0x53: {  	[sflag:s20] =	ssyncset.done $0x0  }
0x54: {  	s31 =	simm.s32 $0x1800;
	[sflag:s20] =	ssyncadd.s32 $0xFFFFF400  }
0x55: {  	[spmem:s2] =	stream.indirect.scatter.add.bf16 [tilespmem:s24], [sflag:$0x2], $0x18, s31, s14, $0xb8;
	[tilespmem:$0xDB40] =	vst v63  }
0x56: {  	_ =	swait.ge [sflag:s20], $0xC00  }
0x57: {  	[sflag:s20] =	ssyncset.done $0x0  }
0x58: {  	s31 =	simm.s32 $0x1880;
	[sflag:s20] =	ssyncadd.s32 $0xFFFFF400  }
0x59: {  	[spmem:s2] =	stream.indirect.scatter.add.bf16 [tilespmem:s25], [sflag:$0x2], $0x18, s31, s14, $0xb8;
	[tilespmem:$0xDB40] =	vst v63  }
0x5a: {  	_ =	swait.ge [sflag:s26], $0xC00  }
0x5b: {  	[sflag:s26] =	ssyncset.done $0x0  }
0x5c: {  	[sflag:s26] =	ssyncadd.s32 $0xFFFFF400  }
0x5d: {  	_ =	swait.ge [sflag:s26], $0xC00  }
0x5e: {  	[sflag:s26] =	ssyncset.done $0x0  }
0x5f: {  	[sflag:s26] =	ssyncadd.s32 $0xFFFFF400  }
0x60: {  	_ =	swait.ge [sflag:s26], $0xC00  }
0x61: {  	[sflag:s26] =	ssyncset.done $0x0  }
0x62: {  	[sflag:s26] =	ssyncadd.s32 $0xFFFFF400  }
0x63: {  	_ =	swait.ge [sflag:s26], $0xC00  }
0x64: {  	[sflag:s26] =	ssyncset.done $0x0  }
0x65: {  	[sflag:s26] =	ssyncadd.s32 $0xFFFFF400  }
0x66: {  	_ =	swait.ge [sflag:s26], $0xC00  }
0x67: {  	[sflag:s26] =	ssyncset.done $0x0  }
0x68: {  	[sflag:s26] =	ssyncadd.s32 $0xFFFFF400  }
0x69: {  	_ =	swait.ge [sflag:s26], $0xC00  }
0x6a: {  	[sflag:s26] =	ssyncset.done $0x0  }
0x6b: {  	[sflag:s26] =	ssyncadd.s32 $0xFFFFF400  }
0x6c: {  	_ =	swait.ge [sflag:s26], $0xC00  }
0x6d: {  	[sflag:s26] =	ssyncset.done $0x0  }
0x6e: {  	[sflag:s26] =	ssyncadd.s32 $0xFFFFF400  }
0x6f: {  	_ =	swait.ge [sflag:s26], $0xC00  }
0x70: {  	[sflag:s26] =	ssyncset.done $0x0  }
0x71: {  	[sflag:s26] =	ssyncadd.s32 $0xFFFFF400  }
0x72: {  	_ =	swait.ge [sflag:s26], $0xC00  }
0x73: {  	[sflag:s26] =	ssyncset.done $0x0  }
0x74: {  	[sflag:s26] =	ssyncadd.s32 $0xFFFFF400  }
0x75: {  	_ =	swait.ge [sflag:s26], $0xC00  }
0x76: {  	s29 =	simm.s32 $0x1400;
	s30 =	simm.s32 $0x2800;
	[sflag:s26] =	ssyncset.done $0x0  }
.LBB2_2:
0x77: {  	s31 =	sshra.s32 s29, $0x2  }
0x78: {  	[sflag:s26] =	ssyncadd.s32 $0xFFFFF400;
	s29 =	smov.u32 s30;
	s1 =	sadd.s32 $0x1400, s30  }
0x79: {  	[tilespmem:s15], [sflag:$0x1] =	stream.indirect.gather [hbm4b:s4+s14], $0x18, s31, s14, $0xb8;
	[tilespmem:$0xDB40] =	vst v63  }
0x7a: {  	p0 =	sne.s32 s30, $0x3C00;
	s30 =	sadd.s32 $0x80, s31  }
0x7b: {  	[tilespmem:s16], [sflag:$0x1] =	stream.indirect.gather [hbm4b:s4+s14], $0x18, s30, s14, $0xb8;
	[tilespmem:$0xDB40] =	vst v63  }
0x7c: {  	s30 =	sadd.s32 $0x100, s31  }
0x7d: {  	[tilespmem:s17], [sflag:$0x1] =	stream.indirect.gather [hbm4b:s4+s14], $0x18, s30, s14, $0xb8;
	[tilespmem:$0xDB40] =	vst v63  }
0x7e: {  	s30 =	sadd.s32 $0x180, s31  }
0x7f: {  	[tilespmem:s18], [sflag:$0x1] =	stream.indirect.gather [hbm4b:s4+s14], $0x18, s30, s14, $0xb8;
	[tilespmem:$0xDB40] =	vst v63  }
0x80: {  	s30 =	sadd.s32 $0x200, s31  }
0x81: {  	[tilespmem:s19], [sflag:$0x1] =	stream.indirect.gather [hbm4b:s4+s14], $0x18, s30, s14, $0xb8;
	[tilespmem:$0xDB40] =	vst v63  }
0x82: {  	_ =	swait.ge [sflag:s20], $0xC00  }
0x83: {  	[sflag:s20] =	ssyncset.done $0x0  }
0x84: {  	s30 =	sadd.s32 $0x1400, s31;
	[sflag:s20] =	ssyncadd.s32 $0xFFFFF400  }
0x85: {  	[spmem:s2] =	stream.indirect.scatter.add.bf16 [tilespmem:s15], [sflag:$0x2], $0x18, s30, s14, $0xb8;
	[tilespmem:$0xDB40] =	vst v63  }
0x86: {  	_ =	swait.ge [sflag:s20], $0xC00  }
0x87: {  	[sflag:s20] =	ssyncset.done $0x0  }
0x88: {  	s30 =	sadd.s32 $0x1480, s31;
	[sflag:s20] =	ssyncadd.s32 $0xFFFFF400  }
0x89: {  	[spmem:s2] =	stream.indirect.scatter.add.bf16 [tilespmem:s16], [sflag:$0x2], $0x18, s30, s14, $0xb8;
	[tilespmem:$0xDB40] =	vst v63  }
0x8a: {  	_ =	swait.ge [sflag:s20], $0xC00  }
0x8b: {  	[sflag:s20] =	ssyncset.done $0x0  }
0x8c: {  	s30 =	sadd.s32 $0x1500, s31;
	[sflag:s20] =	ssyncadd.s32 $0xFFFFF400  }
0x8d: {  	[spmem:s2] =	stream.indirect.scatter.add.bf16 [tilespmem:s17], [sflag:$0x2], $0x18, s30, s14, $0xb8;
	[tilespmem:$0xDB40] =	vst v63  }
0x8e: {  	_ =	swait.ge [sflag:s20], $0xC00  }
0x8f: {  	[sflag:s20] =	ssyncset.done $0x0  }
0x90: {  	s30 =	sadd.s32 $0x1580, s31;
	[sflag:s20] =	ssyncadd.s32 $0xFFFFF400  }
0x91: {  	[spmem:s2] =	stream.indirect.scatter.add.bf16 [tilespmem:s18], [sflag:$0x2], $0x18, s30, s14, $0xb8;
	[tilespmem:$0xDB40] =	vst v63  }
0x92: {  	_ =	swait.ge [sflag:s20], $0xC00  }
0x93: {  	[sflag:s20] =	ssyncset.done $0x0  }
0x94: {  	s30 =	sadd.s32 $0x1600, s31;
	[sflag:s20] =	ssyncadd.s32 $0xFFFFF400  }
0x95: {  	[spmem:s2] =	stream.indirect.scatter.add.bf16 [tilespmem:s19], [sflag:$0x2], $0x18, s30, s14, $0xb8;
	[tilespmem:$0xDB40] =	vst v63  }
0x96: {  	s30 =	sadd.s32 $0x280, s31  }
0x97: {  	[tilespmem:s21], [sflag:$0x1] =	stream.indirect.gather [hbm4b:s4+s14], $0x18, s30, s14, $0xb8;
	[tilespmem:$0xDB40] =	vst v63  }
0x98: {  	s30 =	sadd.s32 $0x300, s31  }
0x99: {  	[tilespmem:s22], [sflag:$0x1] =	stream.indirect.gather [hbm4b:s4+s14], $0x18, s30, s14, $0xb8;
	[tilespmem:$0xDB40] =	vst v63  }
0x9a: {  	s30 =	sadd.s32 $0x380, s31  }
0x9b: {  	[tilespmem:s23], [sflag:$0x1] =	stream.indirect.gather [hbm4b:s4+s14], $0x18, s30, s14, $0xb8;
	[tilespmem:$0xDB40] =	vst v63  }
0x9c: {  	s30 =	sadd.s32 $0x400, s31  }
0x9d: {  	[tilespmem:s24], [sflag:$0x1] =	stream.indirect.gather [hbm4b:s4+s14], $0x18, s30, s14, $0xb8;
	[tilespmem:$0xDB40] =	vst v63  }
0x9e: {  	s30 =	sadd.s32 $0x480, s31  }
0x9f: {  	[tilespmem:s25], [sflag:$0x1] =	stream.indirect.gather [hbm4b:s4+s14], $0x18, s30, s14, $0xb8;
	[tilespmem:$0xDB40] =	vst v63  }
0xa0: {  	_ =	swait.ge [sflag:s20], $0xC00  }
0xa1: {  	[sflag:s20] =	ssyncset.done $0x0  }
0xa2: {  	s30 =	sadd.s32 $0x1680, s31;
	[sflag:s20] =	ssyncadd.s32 $0xFFFFF400  }
0xa3: {  	[spmem:s2] =	stream.indirect.scatter.add.bf16 [tilespmem:s21], [sflag:$0x2], $0x18, s30, s14, $0xb8;
	[tilespmem:$0xDB40] =	vst v63  }
0xa4: {  	_ =	swait.ge [sflag:s20], $0xC00  }
0xa5: {  	[sflag:s20] =	ssyncset.done $0x0  }
0xa6: {  	s30 =	sadd.s32 $0x1700, s31;
	[sflag:s20] =	ssyncadd.s32 $0xFFFFF400  }
0xa7: {  	[spmem:s2] =	stream.indirect.scatter.add.bf16 [tilespmem:s22], [sflag:$0x2], $0x18, s30, s14, $0xb8;
	[tilespmem:$0xDB40] =	vst v63  }
0xa8: {  	_ =	swait.ge [sflag:s20], $0xC00  }
0xa9: {  	[sflag:s20] =	ssyncset.done $0x0  }
0xaa: {  	s30 =	sadd.s32 $0x1780, s31;
	[sflag:s20] =	ssyncadd.s32 $0xFFFFF400  }
0xab: {  	[spmem:s2] =	stream.indirect.scatter.add.bf16 [tilespmem:s23], [sflag:$0x2], $0x18, s30, s14, $0xb8;
	[tilespmem:$0xDB40] =	vst v63  }
0xac: {  	_ =	swait.ge [sflag:s20], $0xC00  }
0xad: {  	[sflag:s20] =	ssyncset.done $0x0  }
0xae: {  	s30 =	sadd.s32 $0x1800, s31;
	[sflag:s20] =	ssyncadd.s32 $0xFFFFF400  }
0xaf: {  	[spmem:s2] =	stream.indirect.scatter.add.bf16 [tilespmem:s24], [sflag:$0x2], $0x18, s30, s14, $0xb8;
	[tilespmem:$0xDB40] =	vst v63  }
0xb0: {  	_ =	swait.ge [sflag:s20], $0xC00  }
0xb1: {  	[sflag:s20] =	ssyncset.done $0x0  }
0xb2: {  	s30 =	sadd.s32 $0x1880, s31;
	[sflag:s20] =	ssyncadd.s32 $0xFFFFF400  }
0xb3: {  	[spmem:s2] =	stream.indirect.scatter.add.bf16 [tilespmem:s25], [sflag:$0x2], $0x18, s30, s14, $0xb8;
	[tilespmem:$0xDB40] =	vst v63  }
0xb4: {  	_ =	swait.ge [sflag:s26], $0xC00  }
0xb5: {  	[sflag:s26] =	ssyncset.done $0x0  }
0xb6: {  	[sflag:s26] =	ssyncadd.s32 $0xFFFFF400  }
0xb7: {  	_ =	swait.ge [sflag:s26], $0xC00  }
0xb8: {  	[sflag:s26] =	ssyncset.done $0x0  }
0xb9: {  	[sflag:s26] =	ssyncadd.s32 $0xFFFFF400  }
0xba: {  	_ =	swait.ge [sflag:s26], $0xC00  }
0xbb: {  	[sflag:s26] =	ssyncset.done $0x0  }
0xbc: {  	[sflag:s26] =	ssyncadd.s32 $0xFFFFF400  }
0xbd: {  	_ =	swait.ge [sflag:s26], $0xC00  }
0xbe: {  	[sflag:s26] =	ssyncset.done $0x0  }
0xbf: {  	[sflag:s26] =	ssyncadd.s32 $0xFFFFF400  }
0xc0: {  	_ =	swait.ge [sflag:s26], $0xC00  }
0xc1: {  	[sflag:s26] =	ssyncset.done $0x0  }
0xc2: {  	[sflag:s26] =	ssyncadd.s32 $0xFFFFF400  }
0xc3: {  	_ =	swait.ge [sflag:s26], $0xC00  }
0xc4: {  	[sflag:s26] =	ssyncset.done $0x0  }
0xc5: {  	[sflag:s26] =	ssyncadd.s32 $0xFFFFF400  }
0xc6: {  	_ =	swait.ge [sflag:s26], $0xC00  }
0xc7: {  	[sflag:s26] =	ssyncset.done $0x0  }
0xc8: {  	[sflag:s26] =	ssyncadd.s32 $0xFFFFF400  }
0xc9: {  	_ =	swait.ge [sflag:s26], $0xC00  }
0xca: {  	[sflag:s26] =	ssyncset.done $0x0  }
0xcb: {  	[sflag:s26] =	ssyncadd.s32 $0xFFFFF400  }
.Ltmp0:
0xcc: {  	_ =	swait.ge [sflag:s26], $0xC00;
	(pc) =	sbr.rel @p0 .LBB2_2-.Ltmp0, $4  }
0xcd: {  	[sflag:s26] =	ssyncset.done $0x0  }
0xce: {  	[sflag:s26] =	ssyncadd.s32 $0xFFFFF400  }
0xcf: {  	_ =	swait.ge [sflag:s26], $0xC00  }
0xd0: {  	s30 =	smov.u32 s1;
	[sflag:s26] =	ssyncset.done $0x0  }
0xd1: {  	s29 =	sshra.s32 s29, $0x2;
	[sflag:s26] =	ssyncadd.s32 $0xFFFFF400  }
0xd2: {  	[tilespmem:s15], [sflag:$0x1] =	stream.indirect.gather [hbm4b:s4+s14], $0x18, s29, s14, $0xb8;
	[tilespmem:$0xDB40] =	vst v63  }
0xd3: {  	s1 =	sadd.s32 $0x80, s29  }
0xd4: {  	[tilespmem:s16], [sflag:$0x1] =	stream.indirect.gather [hbm4b:s4+s14], $0x18, s1, s14, $0xb8;
	[tilespmem:$0xDB40] =	vst v63  }
0xd5: {  	s30 =	sadd.s32 $0x100, s29  }
0xd6: {  	[tilespmem:s17], [sflag:$0x1] =	stream.indirect.gather [hbm4b:s4+s14], $0x18, s30, s14, $0xb8;
	[tilespmem:$0xDB40] =	vst v63  }
0xd7: {  	s31 =	sadd.s32 $0x180, s29  }
0xd8: {  	[tilespmem:s18], [sflag:$0x1] =	stream.indirect.gather [hbm4b:s4+s14], $0x18, s31, s14, $0xb8;
	[tilespmem:$0xDB40] =	vst v63  }
0xd9: {  	s30 =	sadd.s32 $0x200, s29  }
0xda: {  	[tilespmem:s19], [sflag:$0x1] =	stream.indirect.gather [hbm4b:s4+s14], $0x18, s30, s14, $0xb8;
	[tilespmem:$0xDB40] =	vst v63  }
0xdb: {  	_ =	swait.ge [sflag:s20], $0xC00  }
0xdc: {  	[sflag:s20] =	ssyncset.done $0x0  }
0xdd: {  	s31 =	sadd.s32 $0x1400, s29;
	[sflag:s20] =	ssyncadd.s32 $0xFFFFF400  }
0xde: {  	[spmem:s2] =	stream.indirect.scatter.add.bf16 [tilespmem:s15], [sflag:$0x2], $0x18, s31, s14, $0xb8;
	[tilespmem:$0xDB40] =	vst v63  }
0xdf: {  	_ =	swait.ge [sflag:s20], $0xC00  }
0xe0: {  	[sflag:s20] =	ssyncset.done $0x0  }
0xe1: {  	s30 =	sadd.s32 $0x1480, s29;
	[sflag:s20] =	ssyncadd.s32 $0xFFFFF400  }
0xe2: {  	[spmem:s2] =	stream.indirect.scatter.add.bf16 [tilespmem:s16], [sflag:$0x2], $0x18, s30, s14, $0xb8;
	[tilespmem:$0xDB40] =	vst v63  }
0xe3: {  	_ =	swait.ge [sflag:s20], $0xC00  }
0xe4: {  	[sflag:s20] =	ssyncset.done $0x0  }
0xe5: {  	s31 =	sadd.s32 $0x1500, s29;
	[sflag:s20] =	ssyncadd.s32 $0xFFFFF400  }
0xe6: {  	[spmem:s2] =	stream.indirect.scatter.add.bf16 [tilespmem:s17], [sflag:$0x2], $0x18, s31, s14, $0xb8;
	[tilespmem:$0xDB40] =	vst v63  }
0xe7: {  	_ =	swait.ge [sflag:s20], $0xC00  }
0xe8: {  	[sflag:s20] =	ssyncset.done $0x0  }
0xe9: {  	s30 =	sadd.s32 $0x1580, s29;
	[sflag:s20] =	ssyncadd.s32 $0xFFFFF400  }
0xea: {  	[spmem:s2] =	stream.indirect.scatter.add.bf16 [tilespmem:s18], [sflag:$0x2], $0x18, s30, s14, $0xb8;
	[tilespmem:$0xDB40] =	vst v63  }
0xeb: {  	_ =	swait.ge [sflag:s20], $0xC00  }
0xec: {  	[sflag:s20] =	ssyncset.done $0x0  }
0xed: {  	s31 =	sadd.s32 $0x1600, s29;
	[sflag:s20] =	ssyncadd.s32 $0xFFFFF400  }
0xee: {  	[spmem:s2] =	stream.indirect.scatter.add.bf16 [tilespmem:s19], [sflag:$0x2], $0x18, s31, s14, $0xb8;
	[tilespmem:$0xDB40] =	vst v63  }
0xef: {  	s30 =	sadd.s32 $0x280, s29  }
0xf0: {  	[tilespmem:s21], [sflag:$0x1] =	stream.indirect.gather [hbm4b:s4+s14], $0x18, s30, s14, $0xb8;
	[tilespmem:$0xDB40] =	vst v63  }
0xf1: {  	s31 =	sadd.s32 $0x300, s29  }
0xf2: {  	[tilespmem:s22], [sflag:$0x1] =	stream.indirect.gather [hbm4b:s4+s14], $0x18, s31, s14, $0xb8;
	[tilespmem:$0xDB40] =	vst v63  }
0xf3: {  	s30 =	sadd.s32 $0x380, s29  }
0xf4: {  	[tilespmem:s23], [sflag:$0x1] =	stream.indirect.gather [hbm4b:s4+s14], $0x18, s30, s14, $0xb8;
	[tilespmem:$0xDB40] =	vst v63  }
0xf5: {  	s31 =	sadd.s32 $0x400, s29  }
0xf6: {  	[tilespmem:s24], [sflag:$0x1] =	stream.indirect.gather [hbm4b:s4+s14], $0x18, s31, s14, $0xb8;
	[tilespmem:$0xDB40] =	vst v63  }
0xf7: {  	s30 =	sadd.s32 $0x480, s29  }
0xf8: {  	[tilespmem:s25], [sflag:$0x1] =	stream.indirect.gather [hbm4b:s4+s14], $0x18, s30, s14, $0xb8;
	[tilespmem:$0xDB40] =	vst v63  }
0xf9: {  	_ =	swait.ge [sflag:s20], $0xC00  }
0xfa: {  	[sflag:s20] =	ssyncset.done $0x0  }
0xfb: {  	s31 =	sadd.s32 $0x1680, s29;
	[sflag:s20] =	ssyncadd.s32 $0xFFFFF400  }
0xfc: {  	[spmem:s2] =	stream.indirect.scatter.add.bf16 [tilespmem:s21], [sflag:$0x2], $0x18, s31, s14, $0xb8;
	[tilespmem:$0xDB40] =	vst v63  }
0xfd: {  	_ =	swait.ge [sflag:s20], $0xC00  }
0xfe: {  	[sflag:s20] =	ssyncset.done $0x0  }
0xff: {  	s30 =	sadd.s32 $0x1700, s29;
	[sflag:s20] =	ssyncadd.s32 $0xFFFFF400  }
0x100: {  	[spmem:s2] =	stream.indirect.scatter.add.bf16 [tilespmem:s22], [sflag:$0x2], $0x18, s30, s14, $0xb8;
	[tilespmem:$0xDB40] =	vst v63  }
0x101: {  	_ =	swait.ge [sflag:s20], $0xC00  }
0x102: {  	[sflag:s20] =	ssyncset.done $0x0  }
0x103: {  	s31 =	sadd.s32 $0x1780, s29;
	[sflag:s20] =	ssyncadd.s32 $0xFFFFF400  }
0x104: {  	[spmem:s2] =	stream.indirect.scatter.add.bf16 [tilespmem:s23], [sflag:$0x2], $0x18, s31, s14, $0xb8;
	[tilespmem:$0xDB40] =	vst v63  }
0x105: {  	_ =	swait.ge [sflag:s20], $0xC00  }
0x106: {  	[sflag:s20] =	ssyncset.done $0x0  }
0x107: {  	s30 =	sadd.s32 $0x1800, s29;
	[sflag:s20] =	ssyncadd.s32 $0xFFFFF400  }
0x108: {  	[spmem:s2] =	stream.indirect.scatter.add.bf16 [tilespmem:s24], [sflag:$0x2], $0x18, s30, s14, $0xb8;
	[tilespmem:$0xDB40] =	vst v63  }
0x109: {  	_ =	swait.ge [sflag:s20], $0xC00  }
0x10a: {  	[sflag:s20] =	ssyncset.done $0x0  }
0x10b: {  	s31 =	sadd.s32 $0x1880, s29;
	[sflag:s20] =	ssyncadd.s32 $0xFFFFF400  }
0x10c: {  	[spmem:s2] =	stream.indirect.scatter.add.bf16 [tilespmem:s25], [sflag:$0x2], $0x18, s31, s14, $0xb8;
	[tilespmem:$0xDB40] =	vst v63  }
0x10d: {  	_ =	swait.ge [sflag:s26], $0xC00  }
0x10e: {  	[sflag:s26] =	ssyncset.done $0x0  }
0x10f: {  	[sflag:s26] =	ssyncadd.s32 $0xFFFFF400  }
0x110: {  	_ =	swait.ge [sflag:s26], $0xC00  }
0x111: {  	[sflag:s26] =	ssyncset.done $0x0  }
0x112: {  	[sflag:s26] =	ssyncadd.s32 $0xFFFFF400  }
0x113: {  	_ =	swait.ge [sflag:s26], $0xC00  }
0x114: {  	[sflag:s26] =	ssyncset.done $0x0  }
0x115: {  	[sflag:s26] =	ssyncadd.s32 $0xFFFFF400  }
0x116: {  	_ =	swait.ge [sflag:s26], $0xC00  }
0x117: {  	[sflag:s26] =	ssyncset.done $0x0  }
0x118: {  	[sflag:s26] =	ssyncadd.s32 $0xFFFFF400  }
0x119: {  	_ =	swait.ge [sflag:s26], $0xC00  }
0x11a: {  	[sflag:s26] =	ssyncset.done $0x0  }
0x11b: {  	[sflag:s26] =	ssyncadd.s32 $0xFFFFF400  }
0x11c: {  	_ =	swait.ge [sflag:s26], $0xC00  }
0x11d: {  	[sflag:s26] =	ssyncset.done $0x0  }
0x11e: {  	[sflag:s26] =	ssyncadd.s32 $0xFFFFF400  }
0x11f: {  	_ =	swait.ge [sflag:s26], $0xC00  }
0x120: {  	[sflag:s26] =	ssyncset.done $0x0  }
0x121: {  	[sflag:s26] =	ssyncadd.s32 $0xFFFFF400  }
0x122: {  	_ =	swait.ge [sflag:s26], $0xC00  }
0x123: {  	[sflag:s26] =	ssyncset.done $0x0  }
0x124: {  	[sflag:s26] =	ssyncadd.s32 $0xFFFFF400  }
0x125: {  	_ =	swait.ge [sflag:s26], $0xC00  }
0x126: {  	[sflag:s26] =	ssyncset.done $0x0  }
0x127: {  	[sflag:s26] =	ssyncadd.s32 $0xFFFFF400  }
0x128: {  	_ =	swait.ge [sflag:s26], $0xC00  }
0x129: {  	s28 =	sadd.s32 $0x1, s28;
	[sflag:s26] =	ssyncset.done $0x0  }
0x12a: {  	p0 =	sne.s32 s28, s10;
	[sflag:s26] =	ssyncadd.s32 $0xFFFFF400  }
.Ltmp1:
0x12b: {  	[bflag:$0x0] =	sbarrier.arrive $0xFFFF;
	(pc) =	sbr.rel @p0 .LBB2_1-.Ltmp1, $4  }
0x12c: {  	[hbm:s9], [sflag:s6] =	dma.local [spmem:s11], $0x768  }
0x12d: {  	_ =	swait.ge [sflag:s12], $0x768  }
0x12e: {  	[sflag:s12] =	ssyncset.done $0x0  }
0x12f: {  	[sflag:s12] =	ssyncadd.s32 $0xFFFFF898  }
0x130: {  	_ =	sfence.sel $0x180000  }
0x131: {  	[bflag:$0x0] =	sbarrier.arrive $0xFFFF  }
0x132: {  	_ =	strace $0x9000004A  }
0x133: {  	[bflag:$0x2] =	sbarrier.arrive $0xFFFF  }
0x134: {  	p0 =	sne.s32 s0, $0x0;
	s0 =	rddreg [dreg:$0x3]  }
0x135: {  	s0 =	sadd.s32 @!p0 $0x100000, s0  }
0x136: {  	[sflag:s0] =	ssyncadd.tile.s32 @!p0 $0x1;
	_ =	shalt  }
.Lfunc_end2:
_tile_overlayer_lowered:
.L_overlay_start_2:
0x137: {  	(tag) =	ssettag $0x2  }
0x138: {  	s0 =	rddreg [dreg:$0x0];
	s2 =	stileid.u32  }
0x139: {  	s1 =	rddreg [dreg:$0x1];
	p0 =	sne.s32 s2, $0x0  }
0x13a: {  	s3 =	rddreg [dreg:$0x2];
	[bflag:$0x3] =	sbarrier.arrive $0xFFFF;
	s2 =	simm.s32 @!p0 $0x1C03  }
0x13b: {  	[timem:s3], [sflag:s2] =	dma.local @!p0 [hbm:s0], s1  }
0x13c: {  	s0 =	simm.s32 @!p0 $0x3  }
0x13d: {  	_ =	swait.ge @!p0 [sflag:s0], s1  }
0x13e: {  	s1 =	ssub.s32 @!p0 $0x0, s1;
	[sflag:s0] =	ssyncset.done @!p0 $0x0  }
0x13f: {  	[sflag:s0] =	ssyncadd.s32 @!p0 s1  }
0x140: {  	[bflag:$0x3] =	sbarrier.arrive $0xFFFF  }
0x141: {  	_ =	shalt  }

// kernel: kernel.14.cloned.1.call-start
scs
__scs_entry_jumppad:
0x0: {  	(pc) =	sbr.rel $0x88, $3  }
0x1: {  	(tag) =	ssettag $0x0;
	lr =	simm.s32 $0x1  }
0x2: {  	[smem:$0x3F9B] =	sst lr;
	_ =	strace $0xD0000000  }
0x3: {  	_ = 	snop  }
0x4: {  	_ = 	snop  }
0x5: {  	_ = 	snop  }
0x6: {  	_ = 	snop  }
0x7: {  	_ = 	snop  }
__scs_overlays_trampoline_lowered:
0x8: {  	[smem:$0x3FAA] =	sst s0  }
0x9: {  	[smem:$0x3FAB] =	sst s1  }
0xa: {  	[smem:$0x3FAC] =	sst s2  }
0xb: {  	[smem:$0x3FAD] =	sst s3  }
0xc: {  	[smem:$0x3FAE] =	sst s4  }
0xd: {  	[smem:$0x3FAF] =	sst s5  }
0xe: {  	[smem:$0x3FB0] =	sst s6  }
0xf: {  	[smem:$0x3FB1] =	sst s7  }
0x10: {  	[smem:$0x3FB2] =	sst s8  }
0x11: {  	[smem:$0x3FB3] =	sst s9;
	s0 =	simm.s32 @!p0 $0x0  }
0x12: {  	s1 =	sld [smem:$0x3F99];
	s0 =	simm.s32 @p0 $0x1  }
0x13: {  	[smem:$0x3FB4] =	sst s0;
	s0 =	simm.s32 @!p1 $0x0  }
0x14: {  	s2 =	sld [smem:$0x3F98];
	s0 =	simm.s32 @p1 $0x1  }
0x15: {  	[smem:$0x3FB5] =	sst s0;
	s0 =	simm.s32 @!p2 $0x0  }
0x16: {  	s3 =	sld [smem:$0x3FDB];
	s0 =	simm.s32 @p2 $0x1  }
0x17: {  	s4 =	simm.s32 $0x1BF5;
	[smem:$0x3FB7] =	sst s0  }
0x18: {  	s0 =	sld [smem:$0x3F9A];
	_ =	swait.ge [sflag:s4], $0x0  }
0x19: {  	s7 =	sld [smem:$0x3F9B]  }
0x1a: {  	s8 =	sadd.s32 $0xFFFFE003, lr  }
0x1b: {  	s9 =	sadd.s32 $0xFFFFFEF7, lr;
	s5 =	simm.s32 $0xFFFFFFFF;
	p2 =	slt.u32 s8, $0xFFFFF086  }
0x1c: {  	p1 =	slt.u32 s9, $0xF7A;
	s5 =	simm.s32 @!p2 $0x0  }
0x1d: {  	s5 =	simm.s32 @p1 $0x1;
	p0 =	seq.s32 s7, s2  }
0x1e: {  	s7 =	smul.u32 @!p0 $0xF7A, s2;
	p2 =	seq.s32 @!p0 s5, $0x0  }
0x1f: {  	s9 =	smul.u32 $0xF7A, s1;
	s8 =	simm.s32 @!p0 $0x1BF5;
	p2 =	por !p2, p0  }
0x20: {  	[sflag:s8] =	ssyncset.s32 @!p0 $0xFFFFF086;
	s6 =	sadd.s32 @!p0 s3, s7;
	s7 =	simm.s32 @!p0 $0x108  }
0x21: {  	s3 =	sadd.s32 s3, s9;
	s6 =	sadd.s32 @!p0 $0x88, s6;
	s7 =	simm.s32 @p2 $0x1082  }
0x22: {  	[simem:s7], [sflag:s8] =	dma.local @!p0 [hbm:s6], $0xF7A  }
0x23: {  	s9 =	sor.u32 $0xD0000000, s2;
	s6 =	simm.s32 $0x108;
	_ =	swait.ge @!p0 [sflag:s8], $0x0  }
0x24: {  	s3 =	sadd.s32 $0x88, s3;
	s6 =	simm.s32 @!p1 $0x1082;
	[sflag:s4] =	ssyncset.s32 $0xFFFFF086  }
0x25: {  	[simem:s6], [sflag:s4] =	dma.local [hbm:s3], $0xF7A  }
0x26: {  	[smem:$0x3F9B] =	sst s1;
	(tag) =	ssettag s2;
	_ =	strace s9  }
0x27: {  	s1 =	sld [smem:$0x3FAB]  }
0x28: {  	s2 =	sld [smem:$0x3FAC]  }
0x29: {  	s4 =	sld [smem:$0x3FAE]  }
0x2a: {  	p0 =	seq.s32 s5, $0x0;
	s5 =	sld [smem:$0x3FAF]  }
0x2b: {  	s6 =	sld [smem:$0x3FB0]  }
0x2c: {  	s7 =	sld [smem:$0x3FB1]  }
0x2d: {  	s3 =	simm.s32 $0x108;
	s8 =	sld [smem:$0x3FB2]  }
0x2e: {  	s3 =	simm.s32 @!p0 $0x1082;
	s9 =	sld [smem:$0x3FB3]  }
0x2f: {  	lr =	sadd.s32 s0, s3;
	s0 =	sld [smem:$0x3FAA]  }
0x30: {  	s3 =	sld [smem:$0x3FAD]  }
0x31: {  	[smem:$0x3FB6] =	sst s10  }
0x32: {  	s10 =	sld [smem:$0x3FB4];
	_ =	sdelay $0x3  }
0x33: {  	p0 =	seq.s32 s10, $0x1;
	s10 =	sld [smem:$0x3FB6];
	_ =	sdelay $0x3  }
0x34: {  	[smem:$0x3FB6] =	sst s10  }
0x35: {  	s10 =	sld [smem:$0x3FB5];
	_ =	sdelay $0x3  }
0x36: {  	p1 =	seq.s32 s10, $0x1;
	s10 =	sld [smem:$0x3FB6];
	_ =	sdelay $0x3  }
0x37: {  	[smem:$0x3FB6] =	sst s10  }
0x38: {  	s10 =	sld [smem:$0x3FB7]  }
0x39: {  	_ = 	snop;
	(pc) =	sbr.ind lr, $3  }
0x3a: {  	_ = 	snop  }
0x3b: {  	_ = 	snop  }
0x3c: {  	p2 =	seq.s32 s10, $0x1;
	s10 =	sld [smem:$0x3FB6]  }
0x3d: {  	_ =	shalt  }
0x3e: {  	_ =	shalt  }
0x3f: {  	_ =	shalt  }
0x40: {  	_ =	shalt  }
0x41: {  	_ =	shalt  }
0x42: {  	_ =	shalt  }
0x43: {  	_ =	shalt  }
0x44: {  	_ =	shalt  }
0x45: {  	_ =	shalt  }
0x46: {  	_ =	shalt  }
0x47: {  	_ =	shalt  }
0x48: {  	_ =	shalt  }
0x49: {  	_ =	shalt  }
0x4a: {  	_ =	shalt  }
0x4b: {  	_ =	shalt  }
0x4c: {  	_ =	shalt  }
0x4d: {  	_ =	shalt  }
0x4e: {  	_ =	shalt  }
0x4f: {  	_ =	shalt  }
0x50: {  	_ =	shalt  }
0x51: {  	_ =	shalt  }
0x52: {  	_ =	shalt  }
0x53: {  	_ =	shalt  }
0x54: {  	_ =	shalt  }
0x55: {  	_ =	shalt  }
0x56: {  	_ =	shalt  }
0x57: {  	_ =	shalt  }
0x58: {  	_ =	shalt  }
0x59: {  	_ =	shalt  }
0x5a: {  	_ =	shalt  }
0x5b: {  	_ =	shalt  }
0x5c: {  	_ =	shalt  }
0x5d: {  	_ =	shalt  }
0x5e: {  	_ =	shalt  }
0x5f: {  	_ =	shalt  }
0x60: {  	_ =	shalt  }
0x61: {  	_ =	shalt  }
0x62: {  	_ =	shalt  }
0x63: {  	_ =	shalt  }
0x64: {  	_ =	shalt  }
0x65: {  	_ =	shalt  }
0x66: {  	_ =	shalt  }
0x67: {  	_ =	shalt  }
0x68: {  	_ =	shalt  }
0x69: {  	_ =	shalt  }
0x6a: {  	_ =	shalt  }
0x6b: {  	_ =	shalt  }
0x6c: {  	_ =	shalt  }
0x6d: {  	_ =	shalt  }
0x6e: {  	_ =	shalt  }
0x6f: {  	_ =	shalt  }
0x70: {  	_ =	shalt  }
0x71: {  	_ =	shalt  }
0x72: {  	_ =	shalt  }
0x73: {  	_ =	shalt  }
0x74: {  	_ =	shalt  }
0x75: {  	_ =	shalt  }
0x76: {  	_ =	shalt  }
0x77: {  	_ =	shalt  }
0x78: {  	_ =	shalt  }
0x79: {  	_ =	shalt  }
0x7a: {  	_ =	shalt  }
0x7b: {  	_ =	shalt  }
0x7c: {  	_ =	shalt  }
0x7d: {  	_ =	shalt  }
0x7e: {  	_ =	shalt  }
0x7f: {  	_ =	shalt  }
0x80: {  	_ =	shalt  }
0x81: {  	_ =	shalt  }
0x82: {  	_ =	shalt  }
0x83: {  	_ =	shalt  }
0x84: {  	_ =	shalt  }
0x85: {  	_ =	shalt  }
0x86: {  	_ =	shalt  }
0x87: {  	_ =	shalt  }
.Lfunc_end0:
.L_simem_size_0:
called_computation.2_lowered:
.L_overlay_start_0:
0x88: {  	s2 =	sld [smem:$0x3FD9]  }
0x89: {  	s3 =	sld [smem:$0x3FFE];
	_ =	sdelay $0x1  }
0x8a: {  	s1 =	srdreg.scid  }
0x8b: {  	s0 =	sand.u32 $0x1, s1  }
0x8c: {  	s17 =	sshll.u32 s0, $0xA;
	s2 =	sadd.s32 s3, s2  }
0x8d: {  	s2 =	sadd.s32 s2, s17  }
0x8e: {  	[smem:$0x3FC2] =	sst s2  }
0x8f: {  	_ = 	snop  }
0x90: {  	s2 =	sld [smem:$0x3FD0];
	(tm) =	ssettm $0x1  }
0x91: {  	s18 =	sld [smem:$0x3FFB];
	_ =	sdelay $0x3  }
0x92: {  	_ =	strace s18  }
0x93: {  	s3 =	sld [smem:$0x3FFC];
	_ =	sdelay $0x3  }
0x94: {  	_ =	strace s3  }
0x95: {  	s3 =	sld [smem:$0x3FFD];
	_ =	sdelay $0x3  }
0x96: {  	_ =	strace s3  }
0x97: {  	_ =	strace $0x8FFFFFFF  }
0x98: {  	s19 =	sld [smem:$0x3FDB];
	_ =	sdelay $0x1  }
0x99: {  	s4 =	simm.s32 $_scs_section_size  }
0x9a: {  	s5 =	simm.s32 $_size__tile_overlayer_lowered;
	s6 =	simm.s32 $_tile_overlayer_lowered  }
0x9b: {  	s22 =	simm.s32 $0x1BFF;
	s21 =	sshll.u32 s6, $0x1;
	s3 =	sadd.s32 s4, s19  }
0x9c: {  	s7 =	simm.s32 $0x0;
	s20 =	sshll.u32 s5, $0x1;
	s5 =	sadd.s32 s21, s3  }
0x9d: {  	[timem:s7], [sflag:s22] =	dma.local [hbm:s5], s20  }
0x9e: {  	_ =	swait.ge [sflag:s22], s20  }
0x9f: {  	s4 =	ssub.s32 $0x0, s20;
	[sflag:s22] =	ssyncset.done $0x0  }
0xa0: {  	[sflag:s22] =	ssyncadd.s32 s4;
	_ =	sdelay $0x1  }
0xa1: {  	s23 =	simm.s32 $0x1B8B  }
0xa2: {  	_ =	swait.ge [sflag:s23], $0x1  }
0xa3: {  	[sflag:s23] =	ssyncset.done $0x0  }
0xa4: {  	s25 =	simm.s32 $0x1B8E;
	s24 =	sld [smem:$0x3FFE];
	[sflag:s23] =	ssyncadd.s32 $0xFFFFFFFF  }
0xa5: {  	s26 =	simm.s32 $execute0_lowered;
	[smem:$0x3FD2] =	sst s25  }
0xa6: {  	s5 =	sshll.u32 s26, $0x1;
	_ =	strace $0x8000004C;
	[dreg:$0x1] =	wrdreg $0xFFFFFFFF  }
0xa7: {  	s28 =	simm.s32 $_size_execute0_lowered;
	s3 =	sadd.s32 s3, s5;
	[dreg:$0x0] =	wrdreg $0x0  }
0xa8: {  	s5 =	sshll.u32 s28, $0x1;
	[dreg:$0x2] =	wrdreg s3  }
0xa9: {  	[dreg:$0x3] =	wrdreg s5  }
0xaa: {  	[dreg:$0x4] =	wrdreg $0xC0  }
0xab: {  	_ =	task [dreg:s7], $0x5FFFF  }
0xac: {  	[dreg:$0x1] =	wrdreg $0xFFFFFFFF  }
0xad: {  	[dreg:$0x0] =	wrdreg $0x60  }
0xae: {  	[dreg:$0x2] =	wrdreg s24  }
0xaf: {  	[dreg:$0x3] =	wrdreg s2  }
0xb0: {  	[dreg:$0x4] =	wrdreg $0x50000  }
0xb1: {  	[dreg:$0x5] =	wrdreg $0x9  }
0xb2: {  	_ =	task.clear_ibuf [dreg:s7], $0x6FFFF;
	_ =	strace $0x9000004C  }
0xb3: {  	s29 =	simm.s32 $0x9;
	_ =	strace $0x8000004E  }
0xb4: {  	_ =	swait.ge [sflag:s29], $0x1  }
0xb5: {  	[sflag:s29] =	ssyncadd.s32 $0xFFFFFFFF  }
0xb6: {  	_ =	strace $0x9000004E  }
0xb7: {  	_ =	sfence  }
0xb8: {  	s30 =	sld [smem:$0x0];
	_ =	sdelay $0x2  }
0xb9: {  	s31 =	sshll.u32 s1, $0xD;
	s1 =	sshrl.u32 s1, $0x2  }
0xba: {  	s3 =	sand.u32 $0x4000, s31;
	s1 =	sadd.s32 s1, s30  }
0xbb: {  	s0 =	sor.u32 s3, s0;
	s1 =	sshll.u32 s1, $0x11  }
0xbc: {  	s0 =	sor.u32 s1, s0  }
0xbd: {  	s0 =	sadd.s32 $0x8F2B, s0  }
0xbe: {  	[sflag:s0] =	ssyncadd.remote.s32 $0x1  }
0xbf: {  	_ =	sfence.sel $0xFFFF  }
0xc0: {  	[dreg:$0x0] =	wrdreg $0xFFFFFFFF;
	(pc) =	sbr.abs _section_cstart, $3  }
0xc1: {  	[dreg:$0x1] =	wrdreg $0xFFFFFFFF  }
0xc2: {  	_ =	task.clear_ibuf [dreg:s7], $0x2FFFF;
	_ =	strace $0x9FFFFFFF  }
0xc3: {  	(tm) =	ssettm $0x7FFFFFFF  }
tec
execute0_lowered:
.L_overlay_start_1:
0x0: {  	(tag) =	ssettag $0x1  }
0x1: {  	s1 =	srdreg.scid;
	s5 =	rddreg [dreg:$0x0]  }
0x2: {  	s0 =	stileid.u32;
	s9 =	rddreg [dreg:$0x1]  }
0x3: {  	s2 =	rddreg [dreg:$0x2];
	s3 =	simm.s32 $0x0;
	s14 =	simm.s32 $0x80  }
0x4: {  	s15 =	simm.s32 $0x9F00;
	s16 =	simm.s32 $0xAF00;
	s17 =	simm.s32 $0xBF00  }
0x5: {  	s18 =	simm.s32 $0xCF00;
	s19 =	simm.s32 $0x1;
	s20 =	simm.s32 $0xDF00  }
0x6: {  	s21 =	simm.s32 $0xEF00;
	s22 =	simm.s32 $0xFF00;
	s23 =	simm.s32 $0x10F00  }
0x7: {  	s24 =	simm.s32 $0x2;
	s25 =	simm.s32 $0x0;
	s7 =	smul.u32 $0x2800, s0  }
0x8: {  	s6 =	sand.u32 $0x1, s1;
	s1 =	rddreg [dreg:$0x3];
	s11 =	smul.u32 $0x9E00, s0  }
0x9: {  	[smem:$0x7FF] =	sst s3;
	s31 =	sshll.u32 s0, $0x6;
	s4 =	smul.u32 $0x28000, s6  }
0xa: {  	_ =	strace $0x8000004D;
	s10 =	ssub.s32 $0x2, s6;
	s6 =	smul.u32 $0x9E000, s6  }
0xb: {  	s29 =	sshrl.u32 s10, $0x1;
	s30 =	sshrl.u32 s11, $0x1;
	s4 =	sadd.s32 s7, s4  }
0xc: {  	s7 =	sshrl.u32 s7, $0x3;
	s10 =	ssub.s32 s10, s29;
	s13 =	sadd.s32 s30, s2  }
0xd: {  	s11 =	sadd.s32 s11, s6;
	s6 =	sor.u32 $0x1C03, s31;
	s8 =	sshrl.u32 s4, $0x3  }
0xe: {  	s4 =	sadd.s32 $0x1F800, s5;
	s12 =	sadd.s32 s7, s5;
	s11 =	sshrl.u32 s11, $0x4  }
0xf: {  	s10 =	smax.u32 s10, $0x1;
	s8 =	sadd.s32 s8, s5;
	s5 =	sadd.s32 $0xD600, s5  }
0x10: {  	s9 =	sadd.s32 s9, s11;
	s11 =	sshrl.u32 s13, $0x3;
	s13 =	simm.s32 $0x2800  }
0x11: {  	s7 =	sadd.s32 $0x15800, s8;
	s8 =	sadd.s32 $0x1000, s12;
	s12 =	simm.s32 $0x3  }
.LBB2_1:
0x12: {  	[spmem:s11], [sflag:s6] =	dma.local [hbm:s5], $0x9E0  }
0x13: {  	_ =	swait.ge [sflag:s12], $0x9E0  }
0x14: {  	[sflag:s12] =	ssyncset.done $0x0  }
0x15: {  	[sflag:s12] =	ssyncadd.s32 $0xFFFFF620  }
0x16: {  	[tilespmem:s3], [sflag:$0x3] =	stream.linear.gather [hbm4b:s7+s3], $0x2800, $0x38;
	[tilespmem:$0x11F00] =	vst v63  }
0x17: {  	_ =	swait.ge [sflag:s12], $0x2800  }
0x18: {  	[sflag:s12] =	ssyncset.done $0x0  }
0x19: {  	[sflag:s12] =	ssyncadd.s32 $0xFFFFD800  }
0x1a: {  	[tilespmem:s13], [sflag:$0x3] =	stream.linear.gather [hbm4b:s8+s3], $0x2800, $0x38;
	[tilespmem:$0x11F00] =	vst v63  }
0x1b: {  	_ =	swait.ge [sflag:s12], $0x2800  }
0x1c: {  	[sflag:s12] =	ssyncset.done $0x0  }
0x1d: {  	[sflag:s12] =	ssyncadd.s32 $0xFFFFD800  }
0x1e: {  	s26 =	simm.s32 $0x0;
	[bflag:$0x0] =	sbarrier.arrive $0xFFFF  }
0x1f: {  	[tilespmem:s15], [sflag:$0x1] =	stream.indirect.gather [hbm4b:s4+s14], $0x20, s26, s14, $0xb8;
	[tilespmem:$0x11F00] =	vst v63  }
0x20: {  	s28 =	simm.s32 $0x80  }
0x21: {  	[tilespmem:s16], [sflag:$0x1] =	stream.indirect.gather [hbm4b:s4+s14], $0x20, s28, s14, $0xb8;
	[tilespmem:$0x11F00] =	vst v63  }
0x22: {  	s29 =	simm.s32 $0x100  }
0x23: {  	[tilespmem:s17], [sflag:$0x1] =	stream.indirect.gather [hbm4b:s4+s14], $0x20, s29, s14, $0xb8;
	[tilespmem:$0x11F00] =	vst v63  }
0x24: {  	s31 =	simm.s32 $0x180  }
0x25: {  	[tilespmem:s18], [sflag:$0x1] =	stream.indirect.gather [hbm4b:s4+s14], $0x20, s31, s14, $0xb8;
	[tilespmem:$0x11F00] =	vst v63  }
0x26: {  	_ =	swait.ge [sflag:s19], $0x1000  }
0x27: {  	[sflag:s19] =	ssyncset.done $0x0  }
0x28: {  	s28 =	simm.s32 $0x2800;
	[sflag:s19] =	ssyncadd.s32 $0xFFFFF000  }
0x29: {  	[spmem:s2] =	stream.indirect.scatter.add.bf16 [tilespmem:s15], [sflag:$0x2], $0x20, s28, s14, $0xb8;
	[tilespmem:$0x11F00] =	vst v63  }
0x2a: {  	_ =	swait.ge [sflag:s19], $0x1000  }
0x2b: {  	[sflag:s19] =	ssyncset.done $0x0  }
0x2c: {  	s29 =	simm.s32 $0x2880;
	[sflag:s19] =	ssyncadd.s32 $0xFFFFF000  }
0x2d: {  	[spmem:s2] =	stream.indirect.scatter.add.bf16 [tilespmem:s16], [sflag:$0x2], $0x20, s29, s14, $0xb8;
	[tilespmem:$0x11F00] =	vst v63  }
0x2e: {  	_ =	swait.ge [sflag:s19], $0x1000  }
0x2f: {  	[sflag:s19] =	ssyncset.done $0x0  }
0x30: {  	s31 =	simm.s32 $0x2900;
	[sflag:s19] =	ssyncadd.s32 $0xFFFFF000  }
0x31: {  	[spmem:s2] =	stream.indirect.scatter.add.bf16 [tilespmem:s17], [sflag:$0x2], $0x20, s31, s14, $0xb8;
	[tilespmem:$0x11F00] =	vst v63  }
0x32: {  	_ =	swait.ge [sflag:s19], $0x1000  }
0x33: {  	[sflag:s19] =	ssyncset.done $0x0  }
0x34: {  	s28 =	simm.s32 $0x2980;
	[sflag:s19] =	ssyncadd.s32 $0xFFFFF000  }
0x35: {  	[spmem:s2] =	stream.indirect.scatter.add.bf16 [tilespmem:s18], [sflag:$0x2], $0x20, s28, s14, $0xb8;
	[tilespmem:$0x11F00] =	vst v63  }
0x36: {  	s29 =	simm.s32 $0x200  }
0x37: {  	[tilespmem:s20], [sflag:$0x1] =	stream.indirect.gather [hbm4b:s4+s14], $0x20, s29, s14, $0xb8;
	[tilespmem:$0x11F00] =	vst v63  }
0x38: {  	s31 =	simm.s32 $0x280  }
0x39: {  	[tilespmem:s21], [sflag:$0x1] =	stream.indirect.gather [hbm4b:s4+s14], $0x20, s31, s14, $0xb8;
	[tilespmem:$0x11F00] =	vst v63  }
0x3a: {  	s28 =	simm.s32 $0x300  }
0x3b: {  	[tilespmem:s22], [sflag:$0x1] =	stream.indirect.gather [hbm4b:s4+s14], $0x20, s28, s14, $0xb8;
	[tilespmem:$0x11F00] =	vst v63  }
0x3c: {  	s29 =	simm.s32 $0x380  }
0x3d: {  	[tilespmem:s23], [sflag:$0x1] =	stream.indirect.gather [hbm4b:s4+s14], $0x20, s29, s14, $0xb8;
	[tilespmem:$0x11F00] =	vst v63  }
0x3e: {  	_ =	swait.ge [sflag:s19], $0x1000  }
0x3f: {  	[sflag:s19] =	ssyncset.done $0x0  }
0x40: {  	s31 =	simm.s32 $0x2A00;
	[sflag:s19] =	ssyncadd.s32 $0xFFFFF000  }
0x41: {  	[spmem:s2] =	stream.indirect.scatter.add.bf16 [tilespmem:s20], [sflag:$0x2], $0x20, s31, s14, $0xb8;
	[tilespmem:$0x11F00] =	vst v63  }
0x42: {  	_ =	swait.ge [sflag:s19], $0x1000  }
0x43: {  	[sflag:s19] =	ssyncset.done $0x0  }
0x44: {  	s28 =	simm.s32 $0x2A80;
	[sflag:s19] =	ssyncadd.s32 $0xFFFFF000  }
0x45: {  	[spmem:s2] =	stream.indirect.scatter.add.bf16 [tilespmem:s21], [sflag:$0x2], $0x20, s28, s14, $0xb8;
	[tilespmem:$0x11F00] =	vst v63  }
0x46: {  	_ =	swait.ge [sflag:s19], $0x1000  }
0x47: {  	[sflag:s19] =	ssyncset.done $0x0  }
0x48: {  	s29 =	simm.s32 $0x2B00;
	[sflag:s19] =	ssyncadd.s32 $0xFFFFF000  }
0x49: {  	[spmem:s2] =	stream.indirect.scatter.add.bf16 [tilespmem:s22], [sflag:$0x2], $0x20, s29, s14, $0xb8;
	[tilespmem:$0x11F00] =	vst v63  }
0x4a: {  	_ =	swait.ge [sflag:s19], $0x1000  }
0x4b: {  	[sflag:s19] =	ssyncset.done $0x0  }
0x4c: {  	s31 =	simm.s32 $0x2B80;
	[sflag:s19] =	ssyncadd.s32 $0xFFFFF000  }
0x4d: {  	[spmem:s2] =	stream.indirect.scatter.add.bf16 [tilespmem:s23], [sflag:$0x2], $0x20, s31, s14, $0xb8;
	[tilespmem:$0x11F00] =	vst v63  }
0x4e: {  	_ =	swait.ge [sflag:s24], $0x1000  }
0x4f: {  	[sflag:s24] =	ssyncset.done $0x0  }
0x50: {  	[sflag:s24] =	ssyncadd.s32 $0xFFFFF000  }
0x51: {  	_ =	swait.ge [sflag:s24], $0x1000  }
0x52: {  	[sflag:s24] =	ssyncset.done $0x0  }
0x53: {  	[sflag:s24] =	ssyncadd.s32 $0xFFFFF000  }
0x54: {  	_ =	swait.ge [sflag:s24], $0x1000  }
0x55: {  	[sflag:s24] =	ssyncset.done $0x0  }
0x56: {  	[sflag:s24] =	ssyncadd.s32 $0xFFFFF000  }
0x57: {  	_ =	swait.ge [sflag:s24], $0x1000  }
0x58: {  	[sflag:s24] =	ssyncset.done $0x0  }
0x59: {  	[sflag:s24] =	ssyncadd.s32 $0xFFFFF000  }
0x5a: {  	_ =	swait.ge [sflag:s24], $0x1000  }
0x5b: {  	[sflag:s24] =	ssyncset.done $0x0  }
0x5c: {  	[sflag:s24] =	ssyncadd.s32 $0xFFFFF000  }
0x5d: {  	_ =	swait.ge [sflag:s24], $0x1000  }
0x5e: {  	[sflag:s24] =	ssyncset.done $0x0  }
0x5f: {  	[sflag:s24] =	ssyncadd.s32 $0xFFFFF000  }
0x60: {  	_ =	swait.ge [sflag:s24], $0x1000  }
0x61: {  	[sflag:s24] =	ssyncset.done $0x0  }
0x62: {  	[sflag:s24] =	ssyncadd.s32 $0xFFFFF000  }
0x63: {  	_ =	swait.ge [sflag:s24], $0x1000  }
0x64: {  	s30 =	simm.s32 $0x2000;
	s26 =	simm.s32 $0x1000;
	[sflag:s24] =	ssyncset.done $0x0  }
.LBB2_2:
0x65: {  	s29 =	sshra.s32 s26, $0x2  }
0x66: {  	[sflag:s24] =	ssyncadd.s32 $0xFFFFF000;
	s26 =	smov.u32 s30;
	s28 =	sadd.s32 $0x1000, s30  }
0x67: {  	[tilespmem:s15], [sflag:$0x1] =	stream.indirect.gather [hbm4b:s4+s14], $0x20, s29, s14, $0xb8;
	[tilespmem:$0x11F00] =	vst v63  }
0x68: {  	p0 =	sne.s32 s30, $0x9000;
	s30 =	sadd.s32 $0x80, s29  }
0x69: {  	[tilespmem:s16], [sflag:$0x1] =	stream.indirect.gather [hbm4b:s4+s14], $0x20, s30, s14, $0xb8;
	[tilespmem:$0x11F00] =	vst v63  }
0x6a: {  	s30 =	sadd.s32 $0x100, s29  }
0x6b: {  	[tilespmem:s17], [sflag:$0x1] =	stream.indirect.gather [hbm4b:s4+s14], $0x20, s30, s14, $0xb8;
	[tilespmem:$0x11F00] =	vst v63  }
0x6c: {  	s30 =	sadd.s32 $0x180, s29  }
0x6d: {  	[tilespmem:s18], [sflag:$0x1] =	stream.indirect.gather [hbm4b:s4+s14], $0x20, s30, s14, $0xb8;
	[tilespmem:$0x11F00] =	vst v63  }
0x6e: {  	_ =	swait.ge [sflag:s19], $0x1000  }
0x6f: {  	[sflag:s19] =	ssyncset.done $0x0  }
0x70: {  	s30 =	sadd.s32 $0x2800, s29;
	[sflag:s19] =	ssyncadd.s32 $0xFFFFF000  }
0x71: {  	[spmem:s2] =	stream.indirect.scatter.add.bf16 [tilespmem:s15], [sflag:$0x2], $0x20, s30, s14, $0xb8;
	[tilespmem:$0x11F00] =	vst v63  }
0x72: {  	_ =	swait.ge [sflag:s19], $0x1000  }
0x73: {  	[sflag:s19] =	ssyncset.done $0x0  }
0x74: {  	s30 =	sadd.s32 $0x2880, s29;
	[sflag:s19] =	ssyncadd.s32 $0xFFFFF000  }
0x75: {  	[spmem:s2] =	stream.indirect.scatter.add.bf16 [tilespmem:s16], [sflag:$0x2], $0x20, s30, s14, $0xb8;
	[tilespmem:$0x11F00] =	vst v63  }
0x76: {  	_ =	swait.ge [sflag:s19], $0x1000  }
0x77: {  	[sflag:s19] =	ssyncset.done $0x0  }
0x78: {  	s30 =	sadd.s32 $0x2900, s29;
	[sflag:s19] =	ssyncadd.s32 $0xFFFFF000  }
0x79: {  	[spmem:s2] =	stream.indirect.scatter.add.bf16 [tilespmem:s17], [sflag:$0x2], $0x20, s30, s14, $0xb8;
	[tilespmem:$0x11F00] =	vst v63  }
0x7a: {  	_ =	swait.ge [sflag:s19], $0x1000  }
0x7b: {  	[sflag:s19] =	ssyncset.done $0x0  }
0x7c: {  	s30 =	sadd.s32 $0x2980, s29;
	[sflag:s19] =	ssyncadd.s32 $0xFFFFF000  }
0x7d: {  	[spmem:s2] =	stream.indirect.scatter.add.bf16 [tilespmem:s18], [sflag:$0x2], $0x20, s30, s14, $0xb8;
	[tilespmem:$0x11F00] =	vst v63  }
0x7e: {  	s30 =	sadd.s32 $0x200, s29  }
0x7f: {  	[tilespmem:s20], [sflag:$0x1] =	stream.indirect.gather [hbm4b:s4+s14], $0x20, s30, s14, $0xb8;
	[tilespmem:$0x11F00] =	vst v63  }
0x80: {  	s30 =	sadd.s32 $0x280, s29  }
0x81: {  	[tilespmem:s21], [sflag:$0x1] =	stream.indirect.gather [hbm4b:s4+s14], $0x20, s30, s14, $0xb8;
	[tilespmem:$0x11F00] =	vst v63  }
0x82: {  	s30 =	sadd.s32 $0x300, s29  }
0x83: {  	[tilespmem:s22], [sflag:$0x1] =	stream.indirect.gather [hbm4b:s4+s14], $0x20, s30, s14, $0xb8;
	[tilespmem:$0x11F00] =	vst v63  }
0x84: {  	s30 =	sadd.s32 $0x380, s29  }
0x85: {  	[tilespmem:s23], [sflag:$0x1] =	stream.indirect.gather [hbm4b:s4+s14], $0x20, s30, s14, $0xb8;
	[tilespmem:$0x11F00] =	vst v63  }
0x86: {  	_ =	swait.ge [sflag:s19], $0x1000  }
0x87: {  	[sflag:s19] =	ssyncset.done $0x0  }
0x88: {  	s30 =	sadd.s32 $0x2A00, s29;
	[sflag:s19] =	ssyncadd.s32 $0xFFFFF000  }
0x89: {  	[spmem:s2] =	stream.indirect.scatter.add.bf16 [tilespmem:s20], [sflag:$0x2], $0x20, s30, s14, $0xb8;
	[tilespmem:$0x11F00] =	vst v63  }
0x8a: {  	_ =	swait.ge [sflag:s19], $0x1000  }
0x8b: {  	[sflag:s19] =	ssyncset.done $0x0  }
0x8c: {  	s30 =	sadd.s32 $0x2A80, s29;
	[sflag:s19] =	ssyncadd.s32 $0xFFFFF000  }
0x8d: {  	[spmem:s2] =	stream.indirect.scatter.add.bf16 [tilespmem:s21], [sflag:$0x2], $0x20, s30, s14, $0xb8;
	[tilespmem:$0x11F00] =	vst v63  }
0x8e: {  	_ =	swait.ge [sflag:s19], $0x1000  }
0x8f: {  	[sflag:s19] =	ssyncset.done $0x0  }
0x90: {  	s30 =	sadd.s32 $0x2B00, s29;
	[sflag:s19] =	ssyncadd.s32 $0xFFFFF000  }
0x91: {  	[spmem:s2] =	stream.indirect.scatter.add.bf16 [tilespmem:s22], [sflag:$0x2], $0x20, s30, s14, $0xb8;
	[tilespmem:$0x11F00] =	vst v63  }
0x92: {  	_ =	swait.ge [sflag:s19], $0x1000  }
0x93: {  	[sflag:s19] =	ssyncset.done $0x0  }
0x94: {  	s29 =	sadd.s32 $0x2B80, s29;
	[sflag:s19] =	ssyncadd.s32 $0xFFFFF000  }
0x95: {  	[spmem:s2] =	stream.indirect.scatter.add.bf16 [tilespmem:s23], [sflag:$0x2], $0x20, s29, s14, $0xb8;
	[tilespmem:$0x11F00] =	vst v63  }
0x96: {  	_ =	swait.ge [sflag:s24], $0x1000  }
0x97: {  	[sflag:s24] =	ssyncset.done $0x0  }
0x98: {  	[sflag:s24] =	ssyncadd.s32 $0xFFFFF000  }
0x99: {  	_ =	swait.ge [sflag:s24], $0x1000  }
0x9a: {  	[sflag:s24] =	ssyncset.done $0x0  }
0x9b: {  	[sflag:s24] =	ssyncadd.s32 $0xFFFFF000  }
0x9c: {  	_ =	swait.ge [sflag:s24], $0x1000  }
0x9d: {  	[sflag:s24] =	ssyncset.done $0x0  }
0x9e: {  	[sflag:s24] =	ssyncadd.s32 $0xFFFFF000  }
0x9f: {  	_ =	swait.ge [sflag:s24], $0x1000  }
0xa0: {  	[sflag:s24] =	ssyncset.done $0x0  }
0xa1: {  	[sflag:s24] =	ssyncadd.s32 $0xFFFFF000  }
0xa2: {  	_ =	swait.ge [sflag:s24], $0x1000  }
0xa3: {  	[sflag:s24] =	ssyncset.done $0x0  }
0xa4: {  	[sflag:s24] =	ssyncadd.s32 $0xFFFFF000  }
0xa5: {  	_ =	swait.ge [sflag:s24], $0x1000  }
0xa6: {  	[sflag:s24] =	ssyncset.done $0x0  }
0xa7: {  	[sflag:s24] =	ssyncadd.s32 $0xFFFFF000  }
.Ltmp0:
0xa8: {  	_ =	swait.ge [sflag:s24], $0x1000;
	(pc) =	sbr.rel @p0 .LBB2_2-.Ltmp0, $4  }
0xa9: {  	[sflag:s24] =	ssyncset.done $0x0  }
0xaa: {  	[sflag:s24] =	ssyncadd.s32 $0xFFFFF000  }
0xab: {  	_ =	swait.ge [sflag:s24], $0x1000  }
0xac: {  	s30 =	smov.u32 s28;
	[sflag:s24] =	ssyncset.done $0x0  }
0xad: {  	s26 =	sshra.s32 s26, $0x2;
	[sflag:s24] =	ssyncadd.s32 $0xFFFFF000  }
0xae: {  	[tilespmem:s15], [sflag:$0x1] =	stream.indirect.gather [hbm4b:s4+s14], $0x20, s26, s14, $0xb8;
	[tilespmem:$0x11F00] =	vst v63  }
0xaf: {  	s28 =	sadd.s32 $0x80, s26  }
0xb0: {  	[tilespmem:s16], [sflag:$0x1] =	stream.indirect.gather [hbm4b:s4+s14], $0x20, s28, s14, $0xb8;
	[tilespmem:$0x11F00] =	vst v63  }
0xb1: {  	s31 =	sadd.s32 $0x100, s26  }
0xb2: {  	[tilespmem:s17], [sflag:$0x1] =	stream.indirect.gather [hbm4b:s4+s14], $0x20, s31, s14, $0xb8;
	[tilespmem:$0x11F00] =	vst v63  }
0xb3: {  	s29 =	sadd.s32 $0x180, s26  }
0xb4: {  	[tilespmem:s18], [sflag:$0x1] =	stream.indirect.gather [hbm4b:s4+s14], $0x20, s29, s14, $0xb8;
	[tilespmem:$0x11F00] =	vst v63  }
0xb5: {  	_ =	swait.ge [sflag:s19], $0x1000  }
0xb6: {  	[sflag:s19] =	ssyncset.done $0x0  }
0xb7: {  	s30 =	sadd.s32 $0x2800, s26;
	[sflag:s19] =	ssyncadd.s32 $0xFFFFF000  }
0xb8: {  	[spmem:s2] =	stream.indirect.scatter.add.bf16 [tilespmem:s15], [sflag:$0x2], $0x20, s30, s14, $0xb8;
	[tilespmem:$0x11F00] =	vst v63  }
0xb9: {  	_ =	swait.ge [sflag:s19], $0x1000  }
0xba: {  	[sflag:s19] =	ssyncset.done $0x0  }
0xbb: {  	s31 =	sadd.s32 $0x2880, s26;
	[sflag:s19] =	ssyncadd.s32 $0xFFFFF000  }
0xbc: {  	[spmem:s2] =	stream.indirect.scatter.add.bf16 [tilespmem:s16], [sflag:$0x2], $0x20, s31, s14, $0xb8;
	[tilespmem:$0x11F00] =	vst v63  }
0xbd: {  	_ =	swait.ge [sflag:s19], $0x1000  }
0xbe: {  	[sflag:s19] =	ssyncset.done $0x0  }
0xbf: {  	s29 =	sadd.s32 $0x2900, s26;
	[sflag:s19] =	ssyncadd.s32 $0xFFFFF000  }
0xc0: {  	[spmem:s2] =	stream.indirect.scatter.add.bf16 [tilespmem:s17], [sflag:$0x2], $0x20, s29, s14, $0xb8;
	[tilespmem:$0x11F00] =	vst v63  }
0xc1: {  	_ =	swait.ge [sflag:s19], $0x1000  }
0xc2: {  	[sflag:s19] =	ssyncset.done $0x0  }
0xc3: {  	s30 =	sadd.s32 $0x2980, s26;
	[sflag:s19] =	ssyncadd.s32 $0xFFFFF000  }
0xc4: {  	[spmem:s2] =	stream.indirect.scatter.add.bf16 [tilespmem:s18], [sflag:$0x2], $0x20, s30, s14, $0xb8;
	[tilespmem:$0x11F00] =	vst v63  }
0xc5: {  	s31 =	sadd.s32 $0x200, s26  }
0xc6: {  	[tilespmem:s20], [sflag:$0x1] =	stream.indirect.gather [hbm4b:s4+s14], $0x20, s31, s14, $0xb8;
	[tilespmem:$0x11F00] =	vst v63  }
0xc7: {  	s29 =	sadd.s32 $0x280, s26  }
0xc8: {  	[tilespmem:s21], [sflag:$0x1] =	stream.indirect.gather [hbm4b:s4+s14], $0x20, s29, s14, $0xb8;
	[tilespmem:$0x11F00] =	vst v63  }
0xc9: {  	s30 =	sadd.s32 $0x300, s26  }
0xca: {  	[tilespmem:s22], [sflag:$0x1] =	stream.indirect.gather [hbm4b:s4+s14], $0x20, s30, s14, $0xb8;
	[tilespmem:$0x11F00] =	vst v63  }
0xcb: {  	s31 =	sadd.s32 $0x380, s26  }
0xcc: {  	[tilespmem:s23], [sflag:$0x1] =	stream.indirect.gather [hbm4b:s4+s14], $0x20, s31, s14, $0xb8;
	[tilespmem:$0x11F00] =	vst v63  }
0xcd: {  	_ =	swait.ge [sflag:s19], $0x1000  }
0xce: {  	[sflag:s19] =	ssyncset.done $0x0  }
0xcf: {  	s29 =	sadd.s32 $0x2A00, s26;
	[sflag:s19] =	ssyncadd.s32 $0xFFFFF000  }
0xd0: {  	[spmem:s2] =	stream.indirect.scatter.add.bf16 [tilespmem:s20], [sflag:$0x2], $0x20, s29, s14, $0xb8;
	[tilespmem:$0x11F00] =	vst v63  }
0xd1: {  	_ =	swait.ge [sflag:s19], $0x1000  }
0xd2: {  	[sflag:s19] =	ssyncset.done $0x0  }
0xd3: {  	s30 =	sadd.s32 $0x2A80, s26;
	[sflag:s19] =	ssyncadd.s32 $0xFFFFF000  }
0xd4: {  	[spmem:s2] =	stream.indirect.scatter.add.bf16 [tilespmem:s21], [sflag:$0x2], $0x20, s30, s14, $0xb8;
	[tilespmem:$0x11F00] =	vst v63  }
0xd5: {  	_ =	swait.ge [sflag:s19], $0x1000  }
0xd6: {  	[sflag:s19] =	ssyncset.done $0x0  }
0xd7: {  	s31 =	sadd.s32 $0x2B00, s26;
	[sflag:s19] =	ssyncadd.s32 $0xFFFFF000  }
0xd8: {  	[spmem:s2] =	stream.indirect.scatter.add.bf16 [tilespmem:s22], [sflag:$0x2], $0x20, s31, s14, $0xb8;
	[tilespmem:$0x11F00] =	vst v63  }
0xd9: {  	_ =	swait.ge [sflag:s19], $0x1000  }
0xda: {  	[sflag:s19] =	ssyncset.done $0x0  }
0xdb: {  	s26 =	sadd.s32 $0x2B80, s26;
	[sflag:s19] =	ssyncadd.s32 $0xFFFFF000  }
0xdc: {  	[spmem:s2] =	stream.indirect.scatter.add.bf16 [tilespmem:s23], [sflag:$0x2], $0x20, s26, s14, $0xb8;
	[tilespmem:$0x11F00] =	vst v63  }
0xdd: {  	_ =	swait.ge [sflag:s24], $0x1000  }
0xde: {  	[sflag:s24] =	ssyncset.done $0x0  }
0xdf: {  	[sflag:s24] =	ssyncadd.s32 $0xFFFFF000  }
0xe0: {  	_ =	swait.ge [sflag:s24], $0x1000  }
0xe1: {  	[sflag:s24] =	ssyncset.done $0x0  }
0xe2: {  	[sflag:s24] =	ssyncadd.s32 $0xFFFFF000  }
0xe3: {  	_ =	swait.ge [sflag:s24], $0x1000  }
0xe4: {  	[sflag:s24] =	ssyncset.done $0x0  }
0xe5: {  	[sflag:s24] =	ssyncadd.s32 $0xFFFFF000  }
0xe6: {  	_ =	swait.ge [sflag:s24], $0x1000  }
0xe7: {  	[sflag:s24] =	ssyncset.done $0x0  }
0xe8: {  	[sflag:s24] =	ssyncadd.s32 $0xFFFFF000  }
0xe9: {  	_ =	swait.ge [sflag:s24], $0x1000  }
0xea: {  	[sflag:s24] =	ssyncset.done $0x0  }
0xeb: {  	[sflag:s24] =	ssyncadd.s32 $0xFFFFF000  }
0xec: {  	_ =	swait.ge [sflag:s24], $0x1000  }
0xed: {  	[sflag:s24] =	ssyncset.done $0x0  }
0xee: {  	[sflag:s24] =	ssyncadd.s32 $0xFFFFF000  }
0xef: {  	_ =	swait.ge [sflag:s24], $0x1000  }
0xf0: {  	[sflag:s24] =	ssyncset.done $0x0  }
0xf1: {  	[sflag:s24] =	ssyncadd.s32 $0xFFFFF000  }
0xf2: {  	_ =	swait.ge [sflag:s24], $0x1000  }
0xf3: {  	s25 =	sadd.s32 $0x1, s25;
	[sflag:s24] =	ssyncset.done $0x0  }
0xf4: {  	p0 =	sne.s32 s25, s10;
	[sflag:s24] =	ssyncadd.s32 $0xFFFFF000  }
.Ltmp1:
0xf5: {  	[bflag:$0x0] =	sbarrier.arrive $0xFFFF;
	(pc) =	sbr.rel @p0 .LBB2_1-.Ltmp1, $4  }
0xf6: {  	[hbm:s9], [sflag:s6] =	dma.local [spmem:s11], $0x9E0  }
0xf7: {  	_ =	swait.ge [sflag:s12], $0x9E0  }
0xf8: {  	[sflag:s12] =	ssyncset.done $0x0  }
0xf9: {  	[sflag:s12] =	ssyncadd.s32 $0xFFFFF620  }
0xfa: {  	_ =	sfence.sel $0x180000  }
0xfb: {  	[bflag:$0x0] =	sbarrier.arrive $0xFFFF  }
0xfc: {  	p0 =	sne.s32 s0, $0x0;
	_ =	strace $0x9000004D  }
0xfd: {  	s0 =	sadd.s32 @!p0 $0x100000, s1;
	[bflag:$0x2] =	sbarrier.arrive $0xFFFF  }
0xfe: {  	[sflag:s0] =	ssyncadd.tile.s32 @!p0 $0x1;
	_ =	shalt  }
.Lfunc_end2:
_tile_overlayer_lowered:
.L_overlay_start_2:
0xff: {  	(tag) =	ssettag $0x2  }
0x100: {  	s0 =	rddreg [dreg:$0x0];
	s2 =	stileid.u32  }
0x101: {  	s1 =	rddreg [dreg:$0x1];
	p0 =	sne.s32 s2, $0x0  }
0x102: {  	s3 =	rddreg [dreg:$0x2];
	[bflag:$0x3] =	sbarrier.arrive $0xFFFF;
	s2 =	simm.s32 @!p0 $0x1C03  }
0x103: {  	[timem:s3], [sflag:s2] =	dma.local @!p0 [hbm:s0], s1  }
0x104: {  	s0 =	simm.s32 @!p0 $0x3  }
0x105: {  	_ =	swait.ge @!p0 [sflag:s0], s1  }
0x106: {  	s1 =	ssub.s32 @!p0 $0x0, s1;
	[sflag:s0] =	ssyncset.done @!p0 $0x0  }
0x107: {  	[sflag:s0] =	ssyncadd.s32 @!p0 s1  }
0x108: {  	[bflag:$0x3] =	sbarrier.arrive $0xFFFF  }
0x109: {  	_ =	shalt  }

// kernel: kernel.8.cloned.1.call-start
scs
__scs_entry_jumppad:
0x0: {  	(pc) =	sbr.rel $0x88, $3  }
0x1: {  	(tag) =	ssettag $0x0;
	lr =	simm.s32 $0x1  }
0x2: {  	[smem:$0x3F9B] =	sst lr;
	_ =	strace $0xD0000000  }
0x3: {  	_ = 	snop  }
0x4: {  	_ = 	snop  }
0x5: {  	_ = 	snop  }
0x6: {  	_ = 	snop  }
0x7: {  	_ = 	snop  }
__scs_overlays_trampoline_lowered:
0x8: {  	[smem:$0x3FAA] =	sst s0  }
0x9: {  	[smem:$0x3FAB] =	sst s1  }
0xa: {  	[smem:$0x3FAC] =	sst s2  }
0xb: {  	[smem:$0x3FAD] =	sst s3  }
0xc: {  	[smem:$0x3FAE] =	sst s4  }
0xd: {  	[smem:$0x3FAF] =	sst s5  }
0xe: {  	[smem:$0x3FB0] =	sst s6  }
0xf: {  	[smem:$0x3FB1] =	sst s7  }
0x10: {  	[smem:$0x3FB2] =	sst s8  }
0x11: {  	[smem:$0x3FB3] =	sst s9;
	s0 =	simm.s32 @!p0 $0x0  }
0x12: {  	s1 =	sld [smem:$0x3F99];
	s0 =	simm.s32 @p0 $0x1  }
0x13: {  	[smem:$0x3FB4] =	sst s0;
	s0 =	simm.s32 @!p1 $0x0  }
0x14: {  	s2 =	sld [smem:$0x3F98];
	s0 =	simm.s32 @p1 $0x1  }
0x15: {  	[smem:$0x3FB5] =	sst s0;
	s0 =	simm.s32 @!p2 $0x0  }
0x16: {  	s3 =	sld [smem:$0x3FDB];
	s0 =	simm.s32 @p2 $0x1  }
0x17: {  	s4 =	simm.s32 $0x1BF5;
	[smem:$0x3FB7] =	sst s0  }
0x18: {  	s0 =	sld [smem:$0x3F9A];
	_ =	swait.ge [sflag:s4], $0x0  }
0x19: {  	s7 =	sld [smem:$0x3F9B]  }
0x1a: {  	s8 =	sadd.s32 $0xFFFFE003, lr  }
0x1b: {  	s9 =	sadd.s32 $0xFFFFFEF7, lr;
	s5 =	simm.s32 $0xFFFFFFFF;
	p2 =	slt.u32 s8, $0xFFFFF086  }
0x1c: {  	p1 =	slt.u32 s9, $0xF7A;
	s5 =	simm.s32 @!p2 $0x0  }
0x1d: {  	s5 =	simm.s32 @p1 $0x1;
	p0 =	seq.s32 s7, s2  }
0x1e: {  	s7 =	smul.u32 @!p0 $0xF7A, s2;
	p2 =	seq.s32 @!p0 s5, $0x0  }
0x1f: {  	s9 =	smul.u32 $0xF7A, s1;
	s8 =	simm.s32 @!p0 $0x1BF5;
	p2 =	por !p2, p0  }
0x20: {  	[sflag:s8] =	ssyncset.s32 @!p0 $0xFFFFF086;
	s6 =	sadd.s32 @!p0 s3, s7;
	s7 =	simm.s32 @!p0 $0x108  }
0x21: {  	s3 =	sadd.s32 s3, s9;
	s6 =	sadd.s32 @!p0 $0x88, s6;
	s7 =	simm.s32 @p2 $0x1082  }
0x22: {  	[simem:s7], [sflag:s8] =	dma.local @!p0 [hbm:s6], $0xF7A  }
0x23: {  	s9 =	sor.u32 $0xD0000000, s2;
	s6 =	simm.s32 $0x108;
	_ =	swait.ge @!p0 [sflag:s8], $0x0  }
0x24: {  	s3 =	sadd.s32 $0x88, s3;
	s6 =	simm.s32 @!p1 $0x1082;
	[sflag:s4] =	ssyncset.s32 $0xFFFFF086  }
0x25: {  	[simem:s6], [sflag:s4] =	dma.local [hbm:s3], $0xF7A  }
0x26: {  	[smem:$0x3F9B] =	sst s1;
	(tag) =	ssettag s2;
	_ =	strace s9  }
0x27: {  	s1 =	sld [smem:$0x3FAB]  }
0x28: {  	s2 =	sld [smem:$0x3FAC]  }
0x29: {  	s4 =	sld [smem:$0x3FAE]  }
0x2a: {  	p0 =	seq.s32 s5, $0x0;
	s5 =	sld [smem:$0x3FAF]  }
0x2b: {  	s6 =	sld [smem:$0x3FB0]  }
0x2c: {  	s7 =	sld [smem:$0x3FB1]  }
0x2d: {  	s3 =	simm.s32 $0x108;
	s8 =	sld [smem:$0x3FB2]  }
0x2e: {  	s3 =	simm.s32 @!p0 $0x1082;
	s9 =	sld [smem:$0x3FB3]  }
0x2f: {  	lr =	sadd.s32 s0, s3;
	s0 =	sld [smem:$0x3FAA]  }
0x30: {  	s3 =	sld [smem:$0x3FAD]  }
0x31: {  	[smem:$0x3FB6] =	sst s10  }
0x32: {  	s10 =	sld [smem:$0x3FB4];
	_ =	sdelay $0x3  }
0x33: {  	p0 =	seq.s32 s10, $0x1;
	s10 =	sld [smem:$0x3FB6];
	_ =	sdelay $0x3  }
0x34: {  	[smem:$0x3FB6] =	sst s10  }
0x35: {  	s10 =	sld [smem:$0x3FB5];
	_ =	sdelay $0x3  }
0x36: {  	p1 =	seq.s32 s10, $0x1;
	s10 =	sld [smem:$0x3FB6];
	_ =	sdelay $0x3  }
0x37: {  	[smem:$0x3FB6] =	sst s10  }
0x38: {  	s10 =	sld [smem:$0x3FB7]  }
0x39: {  	_ = 	snop;
	(pc) =	sbr.ind lr, $3  }
0x3a: {  	_ = 	snop  }
0x3b: {  	_ = 	snop  }
0x3c: {  	p2 =	seq.s32 s10, $0x1;
	s10 =	sld [smem:$0x3FB6]  }
0x3d: {  	_ =	shalt  }
0x3e: {  	_ =	shalt  }
0x3f: {  	_ =	shalt  }
0x40: {  	_ =	shalt  }
0x41: {  	_ =	shalt  }
0x42: {  	_ =	shalt  }
0x43: {  	_ =	shalt  }
0x44: {  	_ =	shalt  }
0x45: {  	_ =	shalt  }
0x46: {  	_ =	shalt  }
0x47: {  	_ =	shalt  }
0x48: {  	_ =	shalt  }
0x49: {  	_ =	shalt  }
0x4a: {  	_ =	shalt  }
0x4b: {  	_ =	shalt  }
0x4c: {  	_ =	shalt  }
0x4d: {  	_ =	shalt  }
0x4e: {  	_ =	shalt  }
0x4f: {  	_ =	shalt  }
0x50: {  	_ =	shalt  }
0x51: {  	_ =	shalt  }
0x52: {  	_ =	shalt  }
0x53: {  	_ =	shalt  }
0x54: {  	_ =	shalt  }
0x55: {  	_ =	shalt  }
0x56: {  	_ =	shalt  }
0x57: {  	_ =	shalt  }
0x58: {  	_ =	shalt  }
0x59: {  	_ =	shalt  }
0x5a: {  	_ =	shalt  }
0x5b: {  	_ =	shalt  }
0x5c: {  	_ =	shalt  }
0x5d: {  	_ =	shalt  }
0x5e: {  	_ =	shalt  }
0x5f: {  	_ =	shalt  }
0x60: {  	_ =	shalt  }
0x61: {  	_ =	shalt  }
0x62: {  	_ =	shalt  }
0x63: {  	_ =	shalt  }
0x64: {  	_ =	shalt  }
0x65: {  	_ =	shalt  }
0x66: {  	_ =	shalt  }
0x67: {  	_ =	shalt  }
0x68: {  	_ =	shalt  }
0x69: {  	_ =	shalt  }
0x6a: {  	_ =	shalt  }
0x6b: {  	_ =	shalt  }
0x6c: {  	_ =	shalt  }
0x6d: {  	_ =	shalt  }
0x6e: {  	_ =	shalt  }
0x6f: {  	_ =	shalt  }
0x70: {  	_ =	shalt  }
0x71: {  	_ =	shalt  }
0x72: {  	_ =	shalt  }
0x73: {  	_ =	shalt  }
0x74: {  	_ =	shalt  }
0x75: {  	_ =	shalt  }
0x76: {  	_ =	shalt  }
0x77: {  	_ =	shalt  }
0x78: {  	_ =	shalt  }
0x79: {  	_ =	shalt  }
0x7a: {  	_ =	shalt  }
0x7b: {  	_ =	shalt  }
0x7c: {  	_ =	shalt  }
0x7d: {  	_ =	shalt  }
0x7e: {  	_ =	shalt  }
0x7f: {  	_ =	shalt  }
0x80: {  	_ =	shalt  }
0x81: {  	_ =	shalt  }
0x82: {  	_ =	shalt  }
0x83: {  	_ =	shalt  }
0x84: {  	_ =	shalt  }
0x85: {  	_ =	shalt  }
0x86: {  	_ =	shalt  }
0x87: {  	_ =	shalt  }
.Lfunc_end0:
.L_simem_size_0:
called_computation_lowered:
.L_overlay_start_0:
0x88: {  	s2 =	sld [smem:$0x3FD9]  }
0x89: {  	s3 =	sld [smem:$0x3FFE];
	_ =	sdelay $0x1  }
0x8a: {  	s1 =	srdreg.scid  }
0x8b: {  	s0 =	sand.u32 $0x1, s1  }
0x8c: {  	s17 =	sshll.u32 s0, $0xA;
	s2 =	sadd.s32 s3, s2  }
0x8d: {  	s2 =	sadd.s32 s2, s17  }
0x8e: {  	[smem:$0x3FC2] =	sst s2  }
0x8f: {  	_ = 	snop  }
0x90: {  	s2 =	sld [smem:$0x3FD0];
	(tm) =	ssettm $0x1  }
0x91: {  	s18 =	sld [smem:$0x3FFB];
	_ =	sdelay $0x3  }
0x92: {  	_ =	strace s18  }
0x93: {  	s3 =	sld [smem:$0x3FFC];
	_ =	sdelay $0x3  }
0x94: {  	_ =	strace s3  }
0x95: {  	s3 =	sld [smem:$0x3FFD];
	_ =	sdelay $0x3  }
0x96: {  	_ =	strace s3  }
0x97: {  	_ =	strace $0x8FFFFFFF  }
0x98: {  	s19 =	sld [smem:$0x3FDB];
	_ =	sdelay $0x1  }
0x99: {  	s4 =	simm.s32 $_scs_section_size  }
0x9a: {  	s5 =	simm.s32 $_size__tile_overlayer_lowered;
	s6 =	simm.s32 $_tile_overlayer_lowered  }
0x9b: {  	s22 =	simm.s32 $0x1BFF;
	s21 =	sshll.u32 s6, $0x1;
	s3 =	sadd.s32 s4, s19  }
0x9c: {  	s7 =	simm.s32 $0x0;
	s20 =	sshll.u32 s5, $0x1;
	s5 =	sadd.s32 s21, s3  }
0x9d: {  	[timem:s7], [sflag:s22] =	dma.local [hbm:s5], s20  }
0x9e: {  	_ =	swait.ge [sflag:s22], s20  }
0x9f: {  	s4 =	ssub.s32 $0x0, s20;
	[sflag:s22] =	ssyncset.done $0x0  }
0xa0: {  	[sflag:s22] =	ssyncadd.s32 s4;
	_ =	sdelay $0x1  }
0xa1: {  	s23 =	simm.s32 $0x1B8B  }
0xa2: {  	_ =	swait.ge [sflag:s23], $0x1  }
0xa3: {  	[sflag:s23] =	ssyncset.done $0x0  }
0xa4: {  	s25 =	simm.s32 $0x1B8E;
	s24 =	sld [smem:$0x3FFE];
	[sflag:s23] =	ssyncadd.s32 $0xFFFFFFFF  }
0xa5: {  	s26 =	simm.s32 $execute0_lowered;
	[smem:$0x3FD2] =	sst s25  }
0xa6: {  	s5 =	sshll.u32 s26, $0x1;
	_ =	strace $0x80000046;
	[dreg:$0x1] =	wrdreg $0xFFFFFFFF  }
0xa7: {  	s28 =	simm.s32 $_size_execute0_lowered;
	s3 =	sadd.s32 s3, s5;
	[dreg:$0x0] =	wrdreg $0x0  }
0xa8: {  	s5 =	sshll.u32 s28, $0x1;
	[dreg:$0x2] =	wrdreg s3  }
0xa9: {  	[dreg:$0x3] =	wrdreg s5  }
0xaa: {  	[dreg:$0x4] =	wrdreg $0xC0  }
0xab: {  	_ =	task [dreg:s7], $0x5FFFF  }
0xac: {  	[dreg:$0x1] =	wrdreg $0xFFFFFFFF  }
0xad: {  	[dreg:$0x0] =	wrdreg $0x60  }
0xae: {  	[dreg:$0x2] =	wrdreg s24  }
0xaf: {  	[dreg:$0x3] =	wrdreg s2  }
0xb0: {  	[dreg:$0x4] =	wrdreg $0x14000  }
0xb1: {  	[dreg:$0x5] =	wrdreg $0x9  }
0xb2: {  	_ =	task.clear_ibuf [dreg:s7], $0x6FFFF;
	_ =	strace $0x90000046  }
0xb3: {  	s29 =	simm.s32 $0x9;
	_ =	strace $0x80000048  }
0xb4: {  	_ =	swait.ge [sflag:s29], $0x1  }
0xb5: {  	[sflag:s29] =	ssyncadd.s32 $0xFFFFFFFF  }
0xb6: {  	_ =	strace $0x90000048  }
0xb7: {  	_ =	sfence  }
0xb8: {  	s30 =	sld [smem:$0x0];
	_ =	sdelay $0x2  }
0xb9: {  	s31 =	sshll.u32 s1, $0xD;
	s1 =	sshrl.u32 s1, $0x2  }
0xba: {  	s3 =	sand.u32 $0x4000, s31;
	s1 =	sadd.s32 s1, s30  }
0xbb: {  	s0 =	sor.u32 s3, s0;
	s1 =	sshll.u32 s1, $0x11  }
0xbc: {  	s0 =	sor.u32 s1, s0  }
0xbd: {  	s0 =	sadd.s32 $0x8F2B, s0  }
0xbe: {  	[sflag:s0] =	ssyncadd.remote.s32 $0x1  }
0xbf: {  	_ =	sfence.sel $0xFFFF  }
0xc0: {  	[dreg:$0x0] =	wrdreg $0xFFFFFFFF;
	(pc) =	sbr.abs _section_cstart, $3  }
0xc1: {  	[dreg:$0x1] =	wrdreg $0xFFFFFFFF  }
0xc2: {  	_ =	task.clear_ibuf [dreg:s7], $0x2FFFF;
	_ =	strace $0x9FFFFFFF  }
0xc3: {  	(tm) =	ssettm $0x7FFFFFFF  }
tec
execute0_lowered:
.L_overlay_start_1:
0x0: {  	(tag) =	ssettag $0x1  }
0x1: {  	s0 =	rddreg [dreg:$0x0]  }
0x2: {  	s1 =	rddreg [dreg:$0x1]  }
0x3: {  	s2 =	rddreg [dreg:$0x2]  }
0x4: {  	s9 =	rddreg [dreg:$0x3]  }
0x5: {  	s31 =	simm.s32 $0x0;
	[dreg:$0x5] =	wrdreg s1  }
0x6: {  	[smem:$0x7FF] =	sst s31;
	s6 =	sadd.s32 $0x6000, s0  }
0x7: {  	s8 =	simm.s32 $0x180;
	_ =	strace $0x80000047;
	[dreg:$0x4] =	wrdreg s6  }
0x8: {  	s10 =	simm.s32 $0x200;
	[dreg:$0x9] =	wrdreg s8  }
0x9: {  	s5 =	srdreg.scid;
	s11 =	simm.s32 $0x280;
	[dreg:$0xa] =	wrdreg s10  }
0xa: {  	s7 =	stileid.u32;
	s12 =	simm.s32 $0x300;
	[dreg:$0xb] =	wrdreg s11  }
0xb: {  	s13 =	simm.s32 $0x380;
	s14 =	simm.s32 $0x400;
	[dreg:$0xc] =	wrdreg s12  }
0xc: {  	s16 =	simm.s32 $0x480;
	s17 =	simm.s32 $0x500;
	[dreg:$0xd] =	wrdreg s13  }
0xd: {  	s18 =	simm.s32 $0x580;
	s20 =	simm.s32 $0x600;
	[dreg:$0xe] =	wrdreg s14  }
0xe: {  	s21 =	simm.s32 $0x680;
	s22 =	simm.s32 $0x700;
	[dreg:$0xf] =	wrdreg s16  }
0xf: {  	s23 =	simm.s32 $0x780;
	s24 =	simm.s32 $0x800;
	[dreg:$0x10] =	wrdreg s17  }
0x10: {  	s25 =	simm.s32 $0x880;
	s26 =	simm.s32 $0x900;
	[dreg:$0x11] =	wrdreg s18  }
0x11: {  	s28 =	simm.s32 $0xD80;
	s29 =	simm.s32 $0xE00;
	[dreg:$0x12] =	wrdreg s20  }
0x12: {  	s30 =	simm.s32 $0xE80;
	p0 =	por $0x0, $0x0;
	[dreg:$0x13] =	wrdreg s21  }
0x13: {  	s1 =	sand.u32 $0x1, s5;
	s3 =	sshll.u32 s7, $0x1;
	[dreg:$0x14] =	wrdreg s22  }
0x14: {  	s4 =	smul.u32 $0x2780, s7;
	s19 =	sshll.u32 s7, $0x6;
	[dreg:$0x15] =	wrdreg s23  }
0x15: {  	s7 =	simm.s32 $0x3B80;
	s3 =	sor.u32 s1, s3;
	[dreg:$0x16] =	wrdreg s24  }
0x16: {  	s5 =	smul.u32 $0x27800, s1;
	s6 =	simm.s32 $0x100;
	[dreg:$0x17] =	wrdreg s25  }
0x17: {  	s1 =	ssub.s32 $0x2, s1;
	s8 =	simm.s32 $0x80;
	[dreg:$0x18] =	wrdreg s26  }
0x18: {  	s20 =	simm.s32 $0x980;
	s21 =	simm.s32 $0xA80;
	s22 =	simm.s32 $0xB00  }
0x19: {  	s23 =	simm.s32 $0xB80;
	s24 =	simm.s32 $0xC00;
	s25 =	simm.s32 $0xC80  }
0x1a: {  	s26 =	simm.s32 $0xD00;
	s10 =	simm.s32 $0xF00;
	s11 =	simm.s32 $0xF80  }
0x1b: {  	s12 =	simm.s32 $0x1000;
	s13 =	simm.s32 $0x1080;
	s14 =	simm.s32 $0x1100  }
0x1c: {  	s16 =	simm.s32 $0x1200;
	s17 =	simm.s32 $0x1280;
	s15 =	sshrl.u32 s1, $0x1  }
0x1d: {  	s18 =	simm.s32 $0x1300;
	s3 =	smul.u32 $0x280, s3;
	s1 =	ssub.s32 s1, s15  }
0x1e: {  	[dreg:$0x8] =	wrdreg s6;
	s6 =	simm.s32 $0x1;
	s1 =	smax.u32 s1, $0x1  }
0x1f: {  	s5 =	sadd.s32 s4, s5;
	s4 =	sadd.s32 s4, s2;
	p1 =	sne.s32 s1, $0x1  }
.Ltmp0:
0x20: {  	s3 =	sadd.s32 s3, s0;
	s5 =	sshrl.u32 s5, $0x3;
	(pc) =	sbr.rel @!p1 .LBB2_1-.Ltmp0, $4  }
0x21: {  	s15 =	simm.s32 $0x1180;
	s0 =	sadd.s32 s5, s0;
	s3 =	sadd.s32 $0x1000, s3  }
0x22: {  	s4 =	sshrl.u32 s4, $0x3;
	[dreg:$0x6] =	wrdreg s3;
	s0 =	sadd.s32 $0x6200, s0  }
0x23: {  	s5 =	simm.s32 $0x2;
	s3 =	sor.u32 $0x1C02, s19;
	[dreg:$0x7] =	wrdreg s0  }
0x24: {  	s19 =	simm.s32 $0x1380;
	s0 =	sadd.s32 $0xFFFFFFFF, s1;
	s1 =	rddreg [dreg:$0x5]  }
0x25: {  	[spmem:s4], [sflag:s3] =	dma.local [hbm:s1], $0x4F0  }
0x26: {  	_ =	swait.ge [sflag:s5], $0x4F0  }
0x27: {  	[sflag:s5] =	ssyncset.done $0x0  }
0x28: {  	s9 =	rddreg [dreg:$0x6];
	[sflag:s5] =	ssyncadd.s32 $0xFFFFFB10  }
0x29: {  	[tilespmem:s31], [sflag:$0x2] =	stream.linear.gather [hbm4b:s9+s31], $0x1400, $0x38;
	[tilespmem:$0x4380] =	vst v63  }
0x2a: {  	_ =	swait.ge [sflag:s5], $0x1400  }
0x2b: {  	[sflag:s5] =	ssyncset.done $0x0  }
0x2c: {  	s9 =	rddreg [dreg:$0x4];
	[sflag:s5] =	ssyncadd.s32 $0xFFFFEC00  }
0x2d: {  	[tilespmem:s7], [sflag:$0x2] =	stream.linear.gather [hbm4b:s9+s31], $0x800, $0x38;
	[tilespmem:$0x4380] =	vst v63  }
0x2e: {  	_ =	swait.ge [sflag:s5], $0x800  }
0x2f: {  	[sflag:s5] =	ssyncset.done $0x0  }
0x30: {  	[sflag:s5] =	ssyncadd.s32 $0xFFFFF800  }
0x31: {  	[bflag:$0x0] =	sbarrier.arrive $0xFFFF  }
0x32: {  	[spmem:s2] =	stream.indirect.scatter.add.f32 [tilespmem:s7], [sflag:$0x1], $0x10, s31, s8, $0xb8;
	[tilespmem:$0x4380] =	vst v63  }
0x33: {  	_ = 	snop  }
0x34: {  	[spmem:s2] =	stream.indirect.scatter.add.f32 [tilespmem:s7], [sflag:$0x1], $0x10, s8, s8, $0xb8;
	[tilespmem:$0x4380] =	vst v63  }
0x35: {  	s1 =	rddreg [dreg:$0x8]  }
0x36: {  	[spmem:s2] =	stream.indirect.scatter.add.f32 [tilespmem:s7], [sflag:$0x1], $0x10, s1, s8, $0xb8;
	[tilespmem:$0x4380] =	vst v63  }
0x37: {  	s9 =	smov.u32 s0;
	s0 =	rddreg [dreg:$0x9]  }
0x38: {  	[spmem:s2] =	stream.indirect.scatter.add.f32 [tilespmem:s7], [sflag:$0x1], $0x10, s0, s8, $0xb8;
	[tilespmem:$0x4380] =	vst v63  }
0x39: {  	s1 =	rddreg [dreg:$0xa]  }
0x3a: {  	[spmem:s2] =	stream.indirect.scatter.add.f32 [tilespmem:s7], [sflag:$0x1], $0x10, s1, s8, $0xb8;
	[tilespmem:$0x4380] =	vst v63  }
0x3b: {  	s0 =	rddreg [dreg:$0xb]  }
0x3c: {  	[spmem:s2] =	stream.indirect.scatter.add.f32 [tilespmem:s7], [sflag:$0x1], $0x10, s0, s8, $0xb8;
	[tilespmem:$0x4380] =	vst v63  }
0x3d: {  	s1 =	rddreg [dreg:$0xc]  }
0x3e: {  	[spmem:s2] =	stream.indirect.scatter.add.f32 [tilespmem:s7], [sflag:$0x1], $0x10, s1, s8, $0xb8;
	[tilespmem:$0x4380] =	vst v63  }
0x3f: {  	s0 =	rddreg [dreg:$0xd]  }
0x40: {  	[spmem:s2] =	stream.indirect.scatter.add.f32 [tilespmem:s7], [sflag:$0x1], $0x10, s0, s8, $0xb8;
	[tilespmem:$0x4380] =	vst v63  }
0x41: {  	s1 =	rddreg [dreg:$0xe]  }
0x42: {  	[spmem:s2] =	stream.indirect.scatter.add.f32 [tilespmem:s7], [sflag:$0x1], $0x10, s1, s8, $0xb8;
	[tilespmem:$0x4380] =	vst v63  }
0x43: {  	s0 =	rddreg [dreg:$0xf]  }
0x44: {  	[spmem:s2] =	stream.indirect.scatter.add.f32 [tilespmem:s7], [sflag:$0x1], $0x10, s0, s8, $0xb8;
	[tilespmem:$0x4380] =	vst v63  }
0x45: {  	_ =	swait.ge [sflag:s6], $0x800  }
0x46: {  	[sflag:s6] =	ssyncset.done $0x0  }
0x47: {  	[sflag:s6] =	ssyncadd.s32 $0xFFFFF800  }
0x48: {  	_ =	swait.ge [sflag:s6], $0x800  }
0x49: {  	[sflag:s6] =	ssyncset.done $0x0  }
0x4a: {  	[sflag:s6] =	ssyncadd.s32 $0xFFFFF800  }
0x4b: {  	_ =	swait.ge [sflag:s6], $0x800  }
0x4c: {  	[sflag:s6] =	ssyncset.done $0x0  }
0x4d: {  	[sflag:s6] =	ssyncadd.s32 $0xFFFFF800  }
0x4e: {  	_ =	swait.ge [sflag:s6], $0x800  }
0x4f: {  	[sflag:s6] =	ssyncset.done $0x0  }
0x50: {  	[sflag:s6] =	ssyncadd.s32 $0xFFFFF800  }
0x51: {  	_ =	swait.ge [sflag:s6], $0x800  }
0x52: {  	[sflag:s6] =	ssyncset.done $0x0  }
0x53: {  	[sflag:s6] =	ssyncadd.s32 $0xFFFFF800  }
0x54: {  	_ =	swait.ge [sflag:s6], $0x800  }
0x55: {  	[sflag:s6] =	ssyncset.done $0x0  }
0x56: {  	[sflag:s6] =	ssyncadd.s32 $0xFFFFF800  }
0x57: {  	_ =	swait.ge [sflag:s6], $0x800  }
0x58: {  	[sflag:s6] =	ssyncset.done $0x0  }
0x59: {  	[sflag:s6] =	ssyncadd.s32 $0xFFFFF800  }
0x5a: {  	_ =	swait.ge [sflag:s6], $0x800  }
0x5b: {  	[sflag:s6] =	ssyncset.done $0x0  }
0x5c: {  	[sflag:s6] =	ssyncadd.s32 $0xFFFFF800  }
0x5d: {  	_ =	swait.ge [sflag:s6], $0x800  }
0x5e: {  	[sflag:s6] =	ssyncset.done $0x0  }
0x5f: {  	[sflag:s6] =	ssyncadd.s32 $0xFFFFF800  }
0x60: {  	_ =	swait.ge [sflag:s6], $0x800  }
0x61: {  	[sflag:s6] =	ssyncset.done $0x0  }
0x62: {  	s0 =	rddreg [dreg:$0x10];
	[sflag:s6] =	ssyncadd.s32 $0xFFFFF800  }
0x63: {  	[spmem:s2] =	stream.indirect.scatter.add.f32 [tilespmem:s7], [sflag:$0x1], $0x10, s0, s8, $0xb8;
	[tilespmem:$0x4380] =	vst v63  }
0x64: {  	s1 =	rddreg [dreg:$0x11]  }
0x65: {  	[spmem:s2] =	stream.indirect.scatter.add.f32 [tilespmem:s7], [sflag:$0x1], $0x10, s1, s8, $0xb8;
	[tilespmem:$0x4380] =	vst v63  }
0x66: {  	s0 =	rddreg [dreg:$0x12]  }
0x67: {  	[spmem:s2] =	stream.indirect.scatter.add.f32 [tilespmem:s7], [sflag:$0x1], $0x10, s0, s8, $0xb8;
	[tilespmem:$0x4380] =	vst v63  }
0x68: {  	s1 =	rddreg [dreg:$0x13]  }
0x69: {  	[spmem:s2] =	stream.indirect.scatter.add.f32 [tilespmem:s7], [sflag:$0x1], $0x10, s1, s8, $0xb8;
	[tilespmem:$0x4380] =	vst v63  }
0x6a: {  	s0 =	rddreg [dreg:$0x14]  }
0x6b: {  	[spmem:s2] =	stream.indirect.scatter.add.f32 [tilespmem:s7], [sflag:$0x1], $0x10, s0, s8, $0xb8;
	[tilespmem:$0x4380] =	vst v63  }
0x6c: {  	s1 =	rddreg [dreg:$0x15]  }
0x6d: {  	[spmem:s2] =	stream.indirect.scatter.add.f32 [tilespmem:s7], [sflag:$0x1], $0x10, s1, s8, $0xb8;
	[tilespmem:$0x4380] =	vst v63  }
0x6e: {  	s0 =	rddreg [dreg:$0x16]  }
0x6f: {  	[spmem:s2] =	stream.indirect.scatter.add.f32 [tilespmem:s7], [sflag:$0x1], $0x10, s0, s8, $0xb8;
	[tilespmem:$0x4380] =	vst v63  }
0x70: {  	s1 =	rddreg [dreg:$0x17]  }
0x71: {  	[spmem:s2] =	stream.indirect.scatter.add.f32 [tilespmem:s7], [sflag:$0x1], $0x10, s1, s8, $0xb8;
	[tilespmem:$0x4380] =	vst v63  }
0x72: {  	s0 =	rddreg [dreg:$0x18]  }
0x73: {  	[spmem:s2] =	stream.indirect.scatter.add.f32 [tilespmem:s7], [sflag:$0x1], $0x10, s0, s8, $0xb8;
	[tilespmem:$0x4380] =	vst v63  }
0x74: {  	_ = 	snop  }
0x75: {  	[spmem:s2] =	stream.indirect.scatter.add.f32 [tilespmem:s7], [sflag:$0x1], $0x10, s20, s8, $0xb8;
	[tilespmem:$0x4380] =	vst v63  }
0x76: {  	_ =	swait.ge [sflag:s6], $0x800  }
0x77: {  	[sflag:s6] =	ssyncset.done $0x0  }
0x78: {  	[sflag:s6] =	ssyncadd.s32 $0xFFFFF800  }
0x79: {  	_ =	swait.ge [sflag:s6], $0x800  }
0x7a: {  	[sflag:s6] =	ssyncset.done $0x0  }
0x7b: {  	[sflag:s6] =	ssyncadd.s32 $0xFFFFF800  }
0x7c: {  	_ =	swait.ge [sflag:s6], $0x800  }
0x7d: {  	[sflag:s6] =	ssyncset.done $0x0  }
0x7e: {  	[sflag:s6] =	ssyncadd.s32 $0xFFFFF800  }
0x7f: {  	_ =	swait.ge [sflag:s6], $0x800  }
0x80: {  	[sflag:s6] =	ssyncset.done $0x0  }
0x81: {  	[sflag:s6] =	ssyncadd.s32 $0xFFFFF800  }
0x82: {  	_ =	swait.ge [sflag:s6], $0x800  }
0x83: {  	[sflag:s6] =	ssyncset.done $0x0  }
0x84: {  	[sflag:s6] =	ssyncadd.s32 $0xFFFFF800  }
0x85: {  	_ =	swait.ge [sflag:s6], $0x800  }
0x86: {  	[sflag:s6] =	ssyncset.done $0x0  }
0x87: {  	[sflag:s6] =	ssyncadd.s32 $0xFFFFF800  }
0x88: {  	_ =	swait.ge [sflag:s6], $0x800  }
0x89: {  	[sflag:s6] =	ssyncset.done $0x0  }
0x8a: {  	[sflag:s6] =	ssyncadd.s32 $0xFFFFF800  }
0x8b: {  	_ =	swait.ge [sflag:s6], $0x800  }
0x8c: {  	[sflag:s6] =	ssyncset.done $0x0  }
0x8d: {  	[sflag:s6] =	ssyncadd.s32 $0xFFFFF800  }
0x8e: {  	_ =	swait.ge [sflag:s6], $0x800  }
0x8f: {  	[sflag:s6] =	ssyncset.done $0x0  }
0x90: {  	[sflag:s6] =	ssyncadd.s32 $0xFFFFF800  }
0x91: {  	_ =	swait.ge [sflag:s6], $0x800  }
0x92: {  	[sflag:s6] =	ssyncset.done $0x0  }
0x93: {  	s1 =	simm.s32 $0xA00;
	[sflag:s6] =	ssyncadd.s32 $0xFFFFF800  }
0x94: {  	[spmem:s2] =	stream.indirect.scatter.add.f32 [tilespmem:s7], [sflag:$0x1], $0x10, s1, s8, $0xb8;
	[tilespmem:$0x4380] =	vst v63  }
0x95: {  	_ = 	snop  }
0x96: {  	[spmem:s2] =	stream.indirect.scatter.add.f32 [tilespmem:s7], [sflag:$0x1], $0x10, s21, s8, $0xb8;
	[tilespmem:$0x4380] =	vst v63  }
0x97: {  	_ = 	snop  }
0x98: {  	[spmem:s2] =	stream.indirect.scatter.add.f32 [tilespmem:s7], [sflag:$0x1], $0x10, s22, s8, $0xb8;
	[tilespmem:$0x4380] =	vst v63  }
0x99: {  	_ = 	snop  }
0x9a: {  	[spmem:s2] =	stream.indirect.scatter.add.f32 [tilespmem:s7], [sflag:$0x1], $0x10, s23, s8, $0xb8;
	[tilespmem:$0x4380] =	vst v63  }
0x9b: {  	_ = 	snop  }
0x9c: {  	[spmem:s2] =	stream.indirect.scatter.add.f32 [tilespmem:s7], [sflag:$0x1], $0x10, s24, s8, $0xb8;
	[tilespmem:$0x4380] =	vst v63  }
0x9d: {  	_ = 	snop  }
0x9e: {  	[spmem:s2] =	stream.indirect.scatter.add.f32 [tilespmem:s7], [sflag:$0x1], $0x10, s25, s8, $0xb8;
	[tilespmem:$0x4380] =	vst v63  }
0x9f: {  	_ = 	snop  }
0xa0: {  	[spmem:s2] =	stream.indirect.scatter.add.f32 [tilespmem:s7], [sflag:$0x1], $0x10, s26, s8, $0xb8;
	[tilespmem:$0x4380] =	vst v63  }
0xa1: {  	_ = 	snop  }
0xa2: {  	[spmem:s2] =	stream.indirect.scatter.add.f32 [tilespmem:s7], [sflag:$0x1], $0x10, s28, s8, $0xb8;
	[tilespmem:$0x4380] =	vst v63  }
0xa3: {  	_ = 	snop  }
0xa4: {  	[spmem:s2] =	stream.indirect.scatter.add.f32 [tilespmem:s7], [sflag:$0x1], $0x10, s29, s8, $0xb8;
	[tilespmem:$0x4380] =	vst v63  }
0xa5: {  	_ = 	snop  }
0xa6: {  	[spmem:s2] =	stream.indirect.scatter.add.f32 [tilespmem:s7], [sflag:$0x1], $0x10, s30, s8, $0xb8;
	[tilespmem:$0x4380] =	vst v63  }
0xa7: {  	_ =	swait.ge [sflag:s6], $0x800  }
0xa8: {  	[sflag:s6] =	ssyncset.done $0x0  }
0xa9: {  	[sflag:s6] =	ssyncadd.s32 $0xFFFFF800  }
0xaa: {  	_ =	swait.ge [sflag:s6], $0x800  }
0xab: {  	[sflag:s6] =	ssyncset.done $0x0  }
0xac: {  	[sflag:s6] =	ssyncadd.s32 $0xFFFFF800  }
0xad: {  	_ =	swait.ge [sflag:s6], $0x800  }
0xae: {  	[sflag:s6] =	ssyncset.done $0x0  }
0xaf: {  	[sflag:s6] =	ssyncadd.s32 $0xFFFFF800  }
0xb0: {  	_ =	swait.ge [sflag:s6], $0x800  }
0xb1: {  	[sflag:s6] =	ssyncset.done $0x0  }
0xb2: {  	[sflag:s6] =	ssyncadd.s32 $0xFFFFF800  }
0xb3: {  	_ =	swait.ge [sflag:s6], $0x800  }
0xb4: {  	[sflag:s6] =	ssyncset.done $0x0  }
0xb5: {  	[sflag:s6] =	ssyncadd.s32 $0xFFFFF800  }
0xb6: {  	_ =	swait.ge [sflag:s6], $0x800  }
0xb7: {  	[sflag:s6] =	ssyncset.done $0x0  }
0xb8: {  	[sflag:s6] =	ssyncadd.s32 $0xFFFFF800  }
0xb9: {  	_ =	swait.ge [sflag:s6], $0x800  }
0xba: {  	[sflag:s6] =	ssyncset.done $0x0  }
0xbb: {  	[sflag:s6] =	ssyncadd.s32 $0xFFFFF800  }
0xbc: {  	_ =	swait.ge [sflag:s6], $0x800  }
0xbd: {  	[sflag:s6] =	ssyncset.done $0x0  }
0xbe: {  	[sflag:s6] =	ssyncadd.s32 $0xFFFFF800  }
0xbf: {  	_ =	swait.ge [sflag:s6], $0x800  }
0xc0: {  	[sflag:s6] =	ssyncset.done $0x0  }
0xc1: {  	[sflag:s6] =	ssyncadd.s32 $0xFFFFF800  }
0xc2: {  	_ =	swait.ge [sflag:s6], $0x800  }
0xc3: {  	[sflag:s6] =	ssyncset.done $0x0  }
0xc4: {  	[sflag:s6] =	ssyncadd.s32 $0xFFFFF800  }
0xc5: {  	[spmem:s2] =	stream.indirect.scatter.add.f32 [tilespmem:s7], [sflag:$0x1], $0x10, s10, s8, $0xb8;
	[tilespmem:$0x4380] =	vst v63  }
0xc6: {  	_ = 	snop  }
0xc7: {  	[spmem:s2] =	stream.indirect.scatter.add.f32 [tilespmem:s7], [sflag:$0x1], $0x10, s11, s8, $0xb8;
	[tilespmem:$0x4380] =	vst v63  }
0xc8: {  	_ = 	snop  }
0xc9: {  	[spmem:s2] =	stream.indirect.scatter.add.f32 [tilespmem:s7], [sflag:$0x1], $0x10, s12, s8, $0xb8;
	[tilespmem:$0x4380] =	vst v63  }
0xca: {  	_ = 	snop  }
0xcb: {  	[spmem:s2] =	stream.indirect.scatter.add.f32 [tilespmem:s7], [sflag:$0x1], $0x10, s13, s8, $0xb8;
	[tilespmem:$0x4380] =	vst v63  }
0xcc: {  	_ = 	snop  }
0xcd: {  	[spmem:s2] =	stream.indirect.scatter.add.f32 [tilespmem:s7], [sflag:$0x1], $0x10, s14, s8, $0xb8;
	[tilespmem:$0x4380] =	vst v63  }
0xce: {  	_ = 	snop  }
0xcf: {  	[spmem:s2] =	stream.indirect.scatter.add.f32 [tilespmem:s7], [sflag:$0x1], $0x10, s15, s8, $0xb8;
	[tilespmem:$0x4380] =	vst v63  }
0xd0: {  	_ = 	snop  }
0xd1: {  	[spmem:s2] =	stream.indirect.scatter.add.f32 [tilespmem:s7], [sflag:$0x1], $0x10, s16, s8, $0xb8;
	[tilespmem:$0x4380] =	vst v63  }
0xd2: {  	_ = 	snop  }
0xd3: {  	[spmem:s2] =	stream.indirect.scatter.add.f32 [tilespmem:s7], [sflag:$0x1], $0x10, s17, s8, $0xb8;
	[tilespmem:$0x4380] =	vst v63  }
0xd4: {  	_ = 	snop  }
0xd5: {  	[spmem:s2] =	stream.indirect.scatter.add.f32 [tilespmem:s7], [sflag:$0x1], $0x10, s18, s8, $0xb8;
	[tilespmem:$0x4380] =	vst v63  }
0xd6: {  	_ = 	snop  }
0xd7: {  	[spmem:s2] =	stream.indirect.scatter.add.f32 [tilespmem:s7], [sflag:$0x1], $0x10, s19, s8, $0xb8;
	[tilespmem:$0x4380] =	vst v63  }
0xd8: {  	_ =	swait.ge [sflag:s6], $0x800  }
0xd9: {  	[sflag:s6] =	ssyncset.done $0x0  }
0xda: {  	[sflag:s6] =	ssyncadd.s32 $0xFFFFF800  }
0xdb: {  	_ =	swait.ge [sflag:s6], $0x800  }
0xdc: {  	[sflag:s6] =	ssyncset.done $0x0  }
0xdd: {  	[sflag:s6] =	ssyncadd.s32 $0xFFFFF800  }
0xde: {  	_ =	swait.ge [sflag:s6], $0x800  }
0xdf: {  	[sflag:s6] =	ssyncset.done $0x0  }
0xe0: {  	[sflag:s6] =	ssyncadd.s32 $0xFFFFF800  }
0xe1: {  	_ =	swait.ge [sflag:s6], $0x800  }
0xe2: {  	[sflag:s6] =	ssyncset.done $0x0  }
0xe3: {  	[sflag:s6] =	ssyncadd.s32 $0xFFFFF800  }
0xe4: {  	_ =	swait.ge [sflag:s6], $0x800  }
0xe5: {  	[sflag:s6] =	ssyncset.done $0x0  }
0xe6: {  	[sflag:s6] =	ssyncadd.s32 $0xFFFFF800  }
0xe7: {  	_ =	swait.ge [sflag:s6], $0x800  }
0xe8: {  	[sflag:s6] =	ssyncset.done $0x0  }
0xe9: {  	[sflag:s6] =	ssyncadd.s32 $0xFFFFF800  }
0xea: {  	_ =	swait.ge [sflag:s6], $0x800  }
0xeb: {  	[sflag:s6] =	ssyncset.done $0x0  }
0xec: {  	[sflag:s6] =	ssyncadd.s32 $0xFFFFF800  }
0xed: {  	_ =	swait.ge [sflag:s6], $0x800  }
0xee: {  	[sflag:s6] =	ssyncset.done $0x0  }
0xef: {  	[sflag:s6] =	ssyncadd.s32 $0xFFFFF800  }
0xf0: {  	_ =	swait.ge [sflag:s6], $0x800  }
0xf1: {  	[sflag:s6] =	ssyncset.done $0x0  }
0xf2: {  	[sflag:s6] =	ssyncadd.s32 $0xFFFFF800  }
0xf3: {  	_ =	swait.ge [sflag:s6], $0x800  }
0xf4: {  	[sflag:s6] =	ssyncset.done $0x0  }
0xf5: {  	p1 =	sne.s32 s9, $0x1;
	[sflag:s6] =	ssyncadd.s32 $0xFFFFF800  }
.Ltmp1:
0xf6: {  	[bflag:$0x0] =	sbarrier.arrive $0xFFFF;
	(pc) =	sbr.rel @!p1 .LBB2_3-.Ltmp1, $4  }
0xf7: {  	s1 =	rddreg [dreg:$0x7]  }
0xf8: {  	[hbm:s1], [sflag:s3] =	dma.local [spmem:s4], $0x4F0  }
0xf9: {  	p0 =	por $0x1, $0x1;
	_ =	swait.ge [sflag:s5], $0x4F0  }
0xfa: {  	s0 =	sadd.s32 $0xFFFFFFFF, s9;
	s1 =	rddreg [dreg:$0x5];
	[sflag:s5] =	ssyncset.done $0x0  }
.LBB2_4:
0xfb: {  	[sflag:s5] =	ssyncadd.s32 $0xFFFFFB10  }
0xfc: {  	[spmem:s4], [sflag:s3] =	dma.local [hbm:s1], $0x4F0  }
0xfd: {  	_ =	swait.ge [sflag:s5], $0x4F0  }
0xfe: {  	[sflag:s5] =	ssyncset.done $0x0  }
0xff: {  	s9 =	rddreg [dreg:$0x6];
	[sflag:s5] =	ssyncadd.s32 $0xFFFFFB10  }
0x100: {  	[tilespmem:s31], [sflag:$0x2] =	stream.linear.gather [hbm4b:s9+s31], $0x1400, $0x38;
	[tilespmem:$0x4380] =	vst v63  }
0x101: {  	_ =	swait.ge [sflag:s5], $0x1400  }
0x102: {  	[sflag:s5] =	ssyncset.done $0x0  }
0x103: {  	s9 =	rddreg [dreg:$0x4];
	[sflag:s5] =	ssyncadd.s32 $0xFFFFEC00  }
0x104: {  	[tilespmem:s7], [sflag:$0x2] =	stream.linear.gather [hbm4b:s9+s31], $0x800, $0x38;
	[tilespmem:$0x4380] =	vst v63  }
0x105: {  	_ =	swait.ge [sflag:s5], $0x800  }
0x106: {  	[sflag:s5] =	ssyncset.done $0x0  }
0x107: {  	[sflag:s5] =	ssyncadd.s32 $0xFFFFF800  }
0x108: {  	[bflag:$0x0] =	sbarrier.arrive $0xFFFF  }
0x109: {  	[spmem:s2] =	stream.indirect.scatter.add.f32 [tilespmem:s7], [sflag:$0x1], $0x10, s31, s8, $0xb8;
	[tilespmem:$0x4380] =	vst v63  }
0x10a: {  	_ = 	snop  }
0x10b: {  	[spmem:s2] =	stream.indirect.scatter.add.f32 [tilespmem:s7], [sflag:$0x1], $0x10, s8, s8, $0xb8;
	[tilespmem:$0x4380] =	vst v63  }
0x10c: {  	s1 =	rddreg [dreg:$0x8]  }
0x10d: {  	[spmem:s2] =	stream.indirect.scatter.add.f32 [tilespmem:s7], [sflag:$0x1], $0x10, s1, s8, $0xb8;
	[tilespmem:$0x4380] =	vst v63  }
0x10e: {  	s9 =	rddreg [dreg:$0x9]  }
0x10f: {  	[spmem:s2] =	stream.indirect.scatter.add.f32 [tilespmem:s7], [sflag:$0x1], $0x10, s9, s8, $0xb8;
	[tilespmem:$0x4380] =	vst v63  }
0x110: {  	s1 =	rddreg [dreg:$0xa]  }
0x111: {  	[spmem:s2] =	stream.indirect.scatter.add.f32 [tilespmem:s7], [sflag:$0x1], $0x10, s1, s8, $0xb8;
	[tilespmem:$0x4380] =	vst v63  }
0x112: {  	s9 =	rddreg [dreg:$0xb]  }
0x113: {  	[spmem:s2] =	stream.indirect.scatter.add.f32 [tilespmem:s7], [sflag:$0x1], $0x10, s9, s8, $0xb8;
	[tilespmem:$0x4380] =	vst v63  }
0x114: {  	s1 =	rddreg [dreg:$0xc]  }
0x115: {  	[spmem:s2] =	stream.indirect.scatter.add.f32 [tilespmem:s7], [sflag:$0x1], $0x10, s1, s8, $0xb8;
	[tilespmem:$0x4380] =	vst v63  }
0x116: {  	s9 =	rddreg [dreg:$0xd]  }
0x117: {  	[spmem:s2] =	stream.indirect.scatter.add.f32 [tilespmem:s7], [sflag:$0x1], $0x10, s9, s8, $0xb8;
	[tilespmem:$0x4380] =	vst v63  }
0x118: {  	s1 =	rddreg [dreg:$0xe]  }
0x119: {  	[spmem:s2] =	stream.indirect.scatter.add.f32 [tilespmem:s7], [sflag:$0x1], $0x10, s1, s8, $0xb8;
	[tilespmem:$0x4380] =	vst v63  }
0x11a: {  	s9 =	rddreg [dreg:$0xf]  }
0x11b: {  	[spmem:s2] =	stream.indirect.scatter.add.f32 [tilespmem:s7], [sflag:$0x1], $0x10, s9, s8, $0xb8;
	[tilespmem:$0x4380] =	vst v63  }
0x11c: {  	_ =	swait.ge [sflag:s6], $0x800  }
0x11d: {  	[sflag:s6] =	ssyncset.done $0x0  }
0x11e: {  	[sflag:s6] =	ssyncadd.s32 $0xFFFFF800  }
0x11f: {  	_ =	swait.ge [sflag:s6], $0x800  }
0x120: {  	[sflag:s6] =	ssyncset.done $0x0  }
0x121: {  	[sflag:s6] =	ssyncadd.s32 $0xFFFFF800  }
0x122: {  	_ =	swait.ge [sflag:s6], $0x800  }
0x123: {  	[sflag:s6] =	ssyncset.done $0x0  }
0x124: {  	[sflag:s6] =	ssyncadd.s32 $0xFFFFF800  }
0x125: {  	_ =	swait.ge [sflag:s6], $0x800  }
0x126: {  	[sflag:s6] =	ssyncset.done $0x0  }
0x127: {  	[sflag:s6] =	ssyncadd.s32 $0xFFFFF800  }
0x128: {  	_ =	swait.ge [sflag:s6], $0x800  }
0x129: {  	[sflag:s6] =	ssyncset.done $0x0  }
0x12a: {  	[sflag:s6] =	ssyncadd.s32 $0xFFFFF800  }
0x12b: {  	_ =	swait.ge [sflag:s6], $0x800  }
0x12c: {  	[sflag:s6] =	ssyncset.done $0x0  }
0x12d: {  	[sflag:s6] =	ssyncadd.s32 $0xFFFFF800  }
0x12e: {  	_ =	swait.ge [sflag:s6], $0x800  }
0x12f: {  	[sflag:s6] =	ssyncset.done $0x0  }
0x130: {  	[sflag:s6] =	ssyncadd.s32 $0xFFFFF800  }
0x131: {  	_ =	swait.ge [sflag:s6], $0x800  }
0x132: {  	[sflag:s6] =	ssyncset.done $0x0  }
0x133: {  	[sflag:s6] =	ssyncadd.s32 $0xFFFFF800  }
0x134: {  	_ =	swait.ge [sflag:s6], $0x800  }
0x135: {  	[sflag:s6] =	ssyncset.done $0x0  }
0x136: {  	[sflag:s6] =	ssyncadd.s32 $0xFFFFF800  }
0x137: {  	_ =	swait.ge [sflag:s6], $0x800  }
0x138: {  	[sflag:s6] =	ssyncset.done $0x0  }
0x139: {  	s1 =	rddreg [dreg:$0x10];
	[sflag:s6] =	ssyncadd.s32 $0xFFFFF800  }
0x13a: {  	[spmem:s2] =	stream.indirect.scatter.add.f32 [tilespmem:s7], [sflag:$0x1], $0x10, s1, s8, $0xb8;
	[tilespmem:$0x4380] =	vst v63  }
0x13b: {  	s9 =	rddreg [dreg:$0x11]  }
0x13c: {  	[spmem:s2] =	stream.indirect.scatter.add.f32 [tilespmem:s7], [sflag:$0x1], $0x10, s9, s8, $0xb8;
	[tilespmem:$0x4380] =	vst v63  }
0x13d: {  	s1 =	rddreg [dreg:$0x12]  }
0x13e: {  	[spmem:s2] =	stream.indirect.scatter.add.f32 [tilespmem:s7], [sflag:$0x1], $0x10, s1, s8, $0xb8;
	[tilespmem:$0x4380] =	vst v63  }
0x13f: {  	s9 =	rddreg [dreg:$0x13]  }
0x140: {  	[spmem:s2] =	stream.indirect.scatter.add.f32 [tilespmem:s7], [sflag:$0x1], $0x10, s9, s8, $0xb8;
	[tilespmem:$0x4380] =	vst v63  }
0x141: {  	s1 =	rddreg [dreg:$0x14]  }
0x142: {  	[spmem:s2] =	stream.indirect.scatter.add.f32 [tilespmem:s7], [sflag:$0x1], $0x10, s1, s8, $0xb8;
	[tilespmem:$0x4380] =	vst v63  }
0x143: {  	s9 =	rddreg [dreg:$0x15]  }
0x144: {  	[spmem:s2] =	stream.indirect.scatter.add.f32 [tilespmem:s7], [sflag:$0x1], $0x10, s9, s8, $0xb8;
	[tilespmem:$0x4380] =	vst v63  }
0x145: {  	s1 =	rddreg [dreg:$0x16]  }
0x146: {  	[spmem:s2] =	stream.indirect.scatter.add.f32 [tilespmem:s7], [sflag:$0x1], $0x10, s1, s8, $0xb8;
	[tilespmem:$0x4380] =	vst v63  }
0x147: {  	s9 =	rddreg [dreg:$0x17]  }
0x148: {  	[spmem:s2] =	stream.indirect.scatter.add.f32 [tilespmem:s7], [sflag:$0x1], $0x10, s9, s8, $0xb8;
	[tilespmem:$0x4380] =	vst v63  }
0x149: {  	s1 =	rddreg [dreg:$0x18]  }
0x14a: {  	[spmem:s2] =	stream.indirect.scatter.add.f32 [tilespmem:s7], [sflag:$0x1], $0x10, s1, s8, $0xb8;
	[tilespmem:$0x4380] =	vst v63  }
0x14b: {  	_ = 	snop  }
0x14c: {  	[spmem:s2] =	stream.indirect.scatter.add.f32 [tilespmem:s7], [sflag:$0x1], $0x10, s20, s8, $0xb8;
	[tilespmem:$0x4380] =	vst v63  }
0x14d: {  	_ =	swait.ge [sflag:s6], $0x800  }
0x14e: {  	[sflag:s6] =	ssyncset.done $0x0  }
0x14f: {  	[sflag:s6] =	ssyncadd.s32 $0xFFFFF800  }
0x150: {  	_ =	swait.ge [sflag:s6], $0x800  }
0x151: {  	[sflag:s6] =	ssyncset.done $0x0  }
0x152: {  	[sflag:s6] =	ssyncadd.s32 $0xFFFFF800  }
0x153: {  	_ =	swait.ge [sflag:s6], $0x800  }
0x154: {  	[sflag:s6] =	ssyncset.done $0x0  }
0x155: {  	[sflag:s6] =	ssyncadd.s32 $0xFFFFF800  }
0x156: {  	_ =	swait.ge [sflag:s6], $0x800  }
0x157: {  	[sflag:s6] =	ssyncset.done $0x0  }
0x158: {  	[sflag:s6] =	ssyncadd.s32 $0xFFFFF800  }
0x159: {  	_ =	swait.ge [sflag:s6], $0x800  }
0x15a: {  	[sflag:s6] =	ssyncset.done $0x0  }
0x15b: {  	[sflag:s6] =	ssyncadd.s32 $0xFFFFF800  }
0x15c: {  	_ =	swait.ge [sflag:s6], $0x800  }
0x15d: {  	[sflag:s6] =	ssyncset.done $0x0  }
0x15e: {  	[sflag:s6] =	ssyncadd.s32 $0xFFFFF800  }
0x15f: {  	_ =	swait.ge [sflag:s6], $0x800  }
0x160: {  	[sflag:s6] =	ssyncset.done $0x0  }
0x161: {  	[sflag:s6] =	ssyncadd.s32 $0xFFFFF800  }
0x162: {  	_ =	swait.ge [sflag:s6], $0x800  }
0x163: {  	[sflag:s6] =	ssyncset.done $0x0  }
0x164: {  	[sflag:s6] =	ssyncadd.s32 $0xFFFFF800  }
0x165: {  	_ =	swait.ge [sflag:s6], $0x800  }
0x166: {  	[sflag:s6] =	ssyncset.done $0x0  }
0x167: {  	[sflag:s6] =	ssyncadd.s32 $0xFFFFF800  }
0x168: {  	_ =	swait.ge [sflag:s6], $0x800  }
0x169: {  	[sflag:s6] =	ssyncset.done $0x0  }
0x16a: {  	s9 =	simm.s32 $0xA00;
	[sflag:s6] =	ssyncadd.s32 $0xFFFFF800  }
0x16b: {  	[spmem:s2] =	stream.indirect.scatter.add.f32 [tilespmem:s7], [sflag:$0x1], $0x10, s9, s8, $0xb8;
	[tilespmem:$0x4380] =	vst v63  }
0x16c: {  	_ = 	snop  }
0x16d: {  	[spmem:s2] =	stream.indirect.scatter.add.f32 [tilespmem:s7], [sflag:$0x1], $0x10, s21, s8, $0xb8;
	[tilespmem:$0x4380] =	vst v63  }
0x16e: {  	_ = 	snop  }
0x16f: {  	[spmem:s2] =	stream.indirect.scatter.add.f32 [tilespmem:s7], [sflag:$0x1], $0x10, s22, s8, $0xb8;
	[tilespmem:$0x4380] =	vst v63  }
0x170: {  	_ = 	snop  }
0x171: {  	[spmem:s2] =	stream.indirect.scatter.add.f32 [tilespmem:s7], [sflag:$0x1], $0x10, s23, s8, $0xb8;
	[tilespmem:$0x4380] =	vst v63  }
0x172: {  	_ = 	snop  }
0x173: {  	[spmem:s2] =	stream.indirect.scatter.add.f32 [tilespmem:s7], [sflag:$0x1], $0x10, s24, s8, $0xb8;
	[tilespmem:$0x4380] =	vst v63  }
0x174: {  	_ = 	snop  }
0x175: {  	[spmem:s2] =	stream.indirect.scatter.add.f32 [tilespmem:s7], [sflag:$0x1], $0x10, s25, s8, $0xb8;
	[tilespmem:$0x4380] =	vst v63  }
0x176: {  	_ = 	snop  }
0x177: {  	[spmem:s2] =	stream.indirect.scatter.add.f32 [tilespmem:s7], [sflag:$0x1], $0x10, s26, s8, $0xb8;
	[tilespmem:$0x4380] =	vst v63  }
0x178: {  	_ = 	snop  }
0x179: {  	[spmem:s2] =	stream.indirect.scatter.add.f32 [tilespmem:s7], [sflag:$0x1], $0x10, s28, s8, $0xb8;
	[tilespmem:$0x4380] =	vst v63  }
0x17a: {  	_ = 	snop  }
0x17b: {  	[spmem:s2] =	stream.indirect.scatter.add.f32 [tilespmem:s7], [sflag:$0x1], $0x10, s29, s8, $0xb8;
	[tilespmem:$0x4380] =	vst v63  }
0x17c: {  	_ = 	snop  }
0x17d: {  	[spmem:s2] =	stream.indirect.scatter.add.f32 [tilespmem:s7], [sflag:$0x1], $0x10, s30, s8, $0xb8;
	[tilespmem:$0x4380] =	vst v63  }
0x17e: {  	_ =	swait.ge [sflag:s6], $0x800  }
0x17f: {  	[sflag:s6] =	ssyncset.done $0x0  }
0x180: {  	[sflag:s6] =	ssyncadd.s32 $0xFFFFF800  }
0x181: {  	_ =	swait.ge [sflag:s6], $0x800  }
0x182: {  	[sflag:s6] =	ssyncset.done $0x0  }
0x183: {  	[sflag:s6] =	ssyncadd.s32 $0xFFFFF800  }
0x184: {  	_ =	swait.ge [sflag:s6], $0x800  }
0x185: {  	[sflag:s6] =	ssyncset.done $0x0  }
0x186: {  	[sflag:s6] =	ssyncadd.s32 $0xFFFFF800  }
0x187: {  	_ =	swait.ge [sflag:s6], $0x800  }
0x188: {  	[sflag:s6] =	ssyncset.done $0x0  }
0x189: {  	[sflag:s6] =	ssyncadd.s32 $0xFFFFF800  }
0x18a: {  	_ =	swait.ge [sflag:s6], $0x800  }
0x18b: {  	[sflag:s6] =	ssyncset.done $0x0  }
0x18c: {  	[sflag:s6] =	ssyncadd.s32 $0xFFFFF800  }
0x18d: {  	_ =	swait.ge [sflag:s6], $0x800  }
0x18e: {  	[sflag:s6] =	ssyncset.done $0x0  }
0x18f: {  	[sflag:s6] =	ssyncadd.s32 $0xFFFFF800  }
0x190: {  	_ =	swait.ge [sflag:s6], $0x800  }
0x191: {  	[sflag:s6] =	ssyncset.done $0x0  }
0x192: {  	[sflag:s6] =	ssyncadd.s32 $0xFFFFF800  }
0x193: {  	_ =	swait.ge [sflag:s6], $0x800  }
0x194: {  	[sflag:s6] =	ssyncset.done $0x0  }
0x195: {  	[sflag:s6] =	ssyncadd.s32 $0xFFFFF800  }
0x196: {  	_ =	swait.ge [sflag:s6], $0x800  }
0x197: {  	[sflag:s6] =	ssyncset.done $0x0  }
0x198: {  	[sflag:s6] =	ssyncadd.s32 $0xFFFFF800  }
0x199: {  	_ =	swait.ge [sflag:s6], $0x800  }
0x19a: {  	[sflag:s6] =	ssyncset.done $0x0  }
0x19b: {  	[sflag:s6] =	ssyncadd.s32 $0xFFFFF800  }
0x19c: {  	[spmem:s2] =	stream.indirect.scatter.add.f32 [tilespmem:s7], [sflag:$0x1], $0x10, s10, s8, $0xb8;
	[tilespmem:$0x4380] =	vst v63  }
0x19d: {  	_ = 	snop  }
0x19e: {  	[spmem:s2] =	stream.indirect.scatter.add.f32 [tilespmem:s7], [sflag:$0x1], $0x10, s11, s8, $0xb8;
	[tilespmem:$0x4380] =	vst v63  }
0x19f: {  	_ = 	snop  }
0x1a0: {  	[spmem:s2] =	stream.indirect.scatter.add.f32 [tilespmem:s7], [sflag:$0x1], $0x10, s12, s8, $0xb8;
	[tilespmem:$0x4380] =	vst v63  }
0x1a1: {  	_ = 	snop  }
0x1a2: {  	[spmem:s2] =	stream.indirect.scatter.add.f32 [tilespmem:s7], [sflag:$0x1], $0x10, s13, s8, $0xb8;
	[tilespmem:$0x4380] =	vst v63  }
0x1a3: {  	_ = 	snop  }
0x1a4: {  	[spmem:s2] =	stream.indirect.scatter.add.f32 [tilespmem:s7], [sflag:$0x1], $0x10, s14, s8, $0xb8;
	[tilespmem:$0x4380] =	vst v63  }
0x1a5: {  	_ = 	snop  }
0x1a6: {  	[spmem:s2] =	stream.indirect.scatter.add.f32 [tilespmem:s7], [sflag:$0x1], $0x10, s15, s8, $0xb8;
	[tilespmem:$0x4380] =	vst v63  }
0x1a7: {  	_ = 	snop  }
0x1a8: {  	[spmem:s2] =	stream.indirect.scatter.add.f32 [tilespmem:s7], [sflag:$0x1], $0x10, s16, s8, $0xb8;
	[tilespmem:$0x4380] =	vst v63  }
0x1a9: {  	_ = 	snop  }
0x1aa: {  	[spmem:s2] =	stream.indirect.scatter.add.f32 [tilespmem:s7], [sflag:$0x1], $0x10, s17, s8, $0xb8;
	[tilespmem:$0x4380] =	vst v63  }
0x1ab: {  	_ = 	snop  }
0x1ac: {  	[spmem:s2] =	stream.indirect.scatter.add.f32 [tilespmem:s7], [sflag:$0x1], $0x10, s18, s8, $0xb8;
	[tilespmem:$0x4380] =	vst v63  }
0x1ad: {  	_ = 	snop  }
0x1ae: {  	[spmem:s2] =	stream.indirect.scatter.add.f32 [tilespmem:s7], [sflag:$0x1], $0x10, s19, s8, $0xb8;
	[tilespmem:$0x4380] =	vst v63  }
0x1af: {  	_ =	swait.ge [sflag:s6], $0x800  }
0x1b0: {  	[sflag:s6] =	ssyncset.done $0x0  }
0x1b1: {  	[sflag:s6] =	ssyncadd.s32 $0xFFFFF800  }
0x1b2: {  	_ =	swait.ge [sflag:s6], $0x800  }
0x1b3: {  	[sflag:s6] =	ssyncset.done $0x0  }
0x1b4: {  	[sflag:s6] =	ssyncadd.s32 $0xFFFFF800  }
0x1b5: {  	_ =	swait.ge [sflag:s6], $0x800  }
0x1b6: {  	[sflag:s6] =	ssyncset.done $0x0  }
0x1b7: {  	[sflag:s6] =	ssyncadd.s32 $0xFFFFF800  }
0x1b8: {  	_ =	swait.ge [sflag:s6], $0x800  }
0x1b9: {  	[sflag:s6] =	ssyncset.done $0x0  }
0x1ba: {  	[sflag:s6] =	ssyncadd.s32 $0xFFFFF800  }
0x1bb: {  	_ =	swait.ge [sflag:s6], $0x800  }
0x1bc: {  	[sflag:s6] =	ssyncset.done $0x0  }
0x1bd: {  	[sflag:s6] =	ssyncadd.s32 $0xFFFFF800  }
0x1be: {  	_ =	swait.ge [sflag:s6], $0x800  }
0x1bf: {  	[sflag:s6] =	ssyncset.done $0x0  }
0x1c0: {  	[sflag:s6] =	ssyncadd.s32 $0xFFFFF800  }
0x1c1: {  	_ =	swait.ge [sflag:s6], $0x800  }
0x1c2: {  	[sflag:s6] =	ssyncset.done $0x0  }
0x1c3: {  	[sflag:s6] =	ssyncadd.s32 $0xFFFFF800  }
0x1c4: {  	_ =	swait.ge [sflag:s6], $0x800  }
0x1c5: {  	[sflag:s6] =	ssyncset.done $0x0  }
0x1c6: {  	[sflag:s6] =	ssyncadd.s32 $0xFFFFF800  }
0x1c7: {  	_ =	swait.ge [sflag:s6], $0x800  }
0x1c8: {  	[sflag:s6] =	ssyncset.done $0x0  }
0x1c9: {  	[sflag:s6] =	ssyncadd.s32 $0xFFFFF800  }
0x1ca: {  	_ =	swait.ge [sflag:s6], $0x800  }
0x1cb: {  	[sflag:s6] =	ssyncset.done $0x0  }
0x1cc: {  	p1 =	sne.s32 s0, $0x1;
	[sflag:s6] =	ssyncadd.s32 $0xFFFFF800  }
.Ltmp2:
0x1cd: {  	[bflag:$0x0] =	sbarrier.arrive $0xFFFF;
	(pc) =	sbr.rel @p1 .LBB2_4-.Ltmp2, $4  }
0x1ce: {  	s9 =	rddreg [dreg:$0x7]  }
0x1cf: {  	[hbm:s9], [sflag:s3] =	dma.local [spmem:s4], $0x4F0  }
0x1d0: {  	_ =	swait.ge [sflag:s5], $0x4F0  }
0x1d1: {  	s0 =	sadd.s32 $0xFFFFFFFF, s0;
	s1 =	rddreg [dreg:$0x5];
	[sflag:s5] =	ssyncset.done $0x0  }
0x1d2: {  	s19 =	simm.s32 $0x980;
	s30 =	simm.s32 $0xE80;
	s29 =	simm.s32 $0xE00  }
0x1d3: {  	s28 =	simm.s32 $0xD80;
	s26 =	simm.s32 $0xD00;
	s25 =	simm.s32 $0xC80  }
0x1d4: {  	s24 =	simm.s32 $0xC00;
	s23 =	simm.s32 $0xB80;
	s22 =	simm.s32 $0xB00  }
0x1d5: {  	s21 =	simm.s32 $0xA80;
	s20 =	simm.s32 $0xA00;
	s18 =	simm.s32 $0x1300  }
0x1d6: {  	s17 =	simm.s32 $0x1280;
	s16 =	simm.s32 $0x1200;
	s15 =	simm.s32 $0x1180  }
0x1d7: {  	s14 =	simm.s32 $0x1100;
	s13 =	simm.s32 $0x1080;
	s12 =	simm.s32 $0x1000  }
0x1d8: {  	s11 =	simm.s32 $0xF80;
	s10 =	simm.s32 $0xF00;
	s9 =	rddreg [dreg:$0x3]  }
.LBB2_6:
0x1d9: {  	[sflag:s5] =	ssyncadd.s32 @p0 $0xFFFFFB10  }
0x1da: {  	[spmem:s4], [sflag:s3] =	dma.local [hbm:s1], $0x4F0  }
0x1db: {  	_ =	swait.ge [sflag:s5], $0x4F0  }
0x1dc: {  	[sflag:s5] =	ssyncset.done $0x0  }
0x1dd: {  	s0 =	rddreg [dreg:$0x6];
	[sflag:s5] =	ssyncadd.s32 $0xFFFFFB10  }
0x1de: {  	[tilespmem:s31], [sflag:$0x2] =	stream.linear.gather [hbm4b:s0+s31], $0x1400, $0x38;
	[tilespmem:$0x4380] =	vst v63  }
0x1df: {  	_ =	swait.ge [sflag:s5], $0x1400  }
0x1e0: {  	[sflag:s5] =	ssyncset.done $0x0  }
0x1e1: {  	s1 =	rddreg [dreg:$0x4];
	[sflag:s5] =	ssyncadd.s32 $0xFFFFEC00  }
0x1e2: {  	[tilespmem:s7], [sflag:$0x2] =	stream.linear.gather [hbm4b:s1+s31], $0x800, $0x38;
	[tilespmem:$0x4380] =	vst v63  }
0x1e3: {  	_ =	swait.ge [sflag:s5], $0x800  }
0x1e4: {  	[sflag:s5] =	ssyncset.done $0x0  }
0x1e5: {  	[sflag:s5] =	ssyncadd.s32 $0xFFFFF800  }
0x1e6: {  	[bflag:$0x0] =	sbarrier.arrive $0xFFFF  }
0x1e7: {  	[spmem:s2] =	stream.indirect.scatter.add.f32 [tilespmem:s7], [sflag:$0x1], $0x10, s31, s8, $0xb8;
	[tilespmem:$0x4380] =	vst v63  }
0x1e8: {  	_ = 	snop  }
0x1e9: {  	[spmem:s2] =	stream.indirect.scatter.add.f32 [tilespmem:s7], [sflag:$0x1], $0x10, s8, s8, $0xb8;
	[tilespmem:$0x4380] =	vst v63  }
0x1ea: {  	s1 =	rddreg [dreg:$0x8]  }
0x1eb: {  	[spmem:s2] =	stream.indirect.scatter.add.f32 [tilespmem:s7], [sflag:$0x1], $0x10, s1, s8, $0xb8;
	[tilespmem:$0x4380] =	vst v63  }
0x1ec: {  	s31 =	rddreg [dreg:$0x9]  }
0x1ed: {  	[spmem:s2] =	stream.indirect.scatter.add.f32 [tilespmem:s7], [sflag:$0x1], $0x10, s31, s8, $0xb8;
	[tilespmem:$0x4380] =	vst v63  }
0x1ee: {  	s0 =	rddreg [dreg:$0xa]  }
0x1ef: {  	[spmem:s2] =	stream.indirect.scatter.add.f32 [tilespmem:s7], [sflag:$0x1], $0x10, s0, s8, $0xb8;
	[tilespmem:$0x4380] =	vst v63  }
0x1f0: {  	s31 =	rddreg [dreg:$0xb]  }
0x1f1: {  	[spmem:s2] =	stream.indirect.scatter.add.f32 [tilespmem:s7], [sflag:$0x1], $0x10, s31, s8, $0xb8;
	[tilespmem:$0x4380] =	vst v63  }
0x1f2: {  	s0 =	rddreg [dreg:$0xc]  }
0x1f3: {  	[spmem:s2] =	stream.indirect.scatter.add.f32 [tilespmem:s7], [sflag:$0x1], $0x10, s0, s8, $0xb8;
	[tilespmem:$0x4380] =	vst v63  }
0x1f4: {  	s31 =	rddreg [dreg:$0xd]  }
0x1f5: {  	[spmem:s2] =	stream.indirect.scatter.add.f32 [tilespmem:s7], [sflag:$0x1], $0x10, s31, s8, $0xb8;
	[tilespmem:$0x4380] =	vst v63  }
0x1f6: {  	s0 =	rddreg [dreg:$0xe]  }
0x1f7: {  	[spmem:s2] =	stream.indirect.scatter.add.f32 [tilespmem:s7], [sflag:$0x1], $0x10, s0, s8, $0xb8;
	[tilespmem:$0x4380] =	vst v63  }
0x1f8: {  	s31 =	rddreg [dreg:$0xf]  }
0x1f9: {  	[spmem:s2] =	stream.indirect.scatter.add.f32 [tilespmem:s7], [sflag:$0x1], $0x10, s31, s8, $0xb8;
	[tilespmem:$0x4380] =	vst v63  }
0x1fa: {  	_ =	swait.ge [sflag:s6], $0x800  }
0x1fb: {  	[sflag:s6] =	ssyncset.done $0x0  }
0x1fc: {  	[sflag:s6] =	ssyncadd.s32 $0xFFFFF800  }
0x1fd: {  	_ =	swait.ge [sflag:s6], $0x800  }
0x1fe: {  	[sflag:s6] =	ssyncset.done $0x0  }
0x1ff: {  	[sflag:s6] =	ssyncadd.s32 $0xFFFFF800  }
0x200: {  	_ =	swait.ge [sflag:s6], $0x800  }
0x201: {  	[sflag:s6] =	ssyncset.done $0x0  }
0x202: {  	[sflag:s6] =	ssyncadd.s32 $0xFFFFF800  }
0x203: {  	_ =	swait.ge [sflag:s6], $0x800  }
0x204: {  	[sflag:s6] =	ssyncset.done $0x0  }
0x205: {  	[sflag:s6] =	ssyncadd.s32 $0xFFFFF800  }
0x206: {  	_ =	swait.ge [sflag:s6], $0x800  }
0x207: {  	[sflag:s6] =	ssyncset.done $0x0  }
0x208: {  	[sflag:s6] =	ssyncadd.s32 $0xFFFFF800  }
0x209: {  	_ =	swait.ge [sflag:s6], $0x800  }
0x20a: {  	[sflag:s6] =	ssyncset.done $0x0  }
0x20b: {  	[sflag:s6] =	ssyncadd.s32 $0xFFFFF800  }
0x20c: {  	_ =	swait.ge [sflag:s6], $0x800  }
0x20d: {  	[sflag:s6] =	ssyncset.done $0x0  }
0x20e: {  	[sflag:s6] =	ssyncadd.s32 $0xFFFFF800  }
0x20f: {  	_ =	swait.ge [sflag:s6], $0x800  }
0x210: {  	[sflag:s6] =	ssyncset.done $0x0  }
0x211: {  	[sflag:s6] =	ssyncadd.s32 $0xFFFFF800  }
0x212: {  	_ =	swait.ge [sflag:s6], $0x800  }
0x213: {  	[sflag:s6] =	ssyncset.done $0x0  }
0x214: {  	[sflag:s6] =	ssyncadd.s32 $0xFFFFF800  }
0x215: {  	_ =	swait.ge [sflag:s6], $0x800  }
0x216: {  	[sflag:s6] =	ssyncset.done $0x0  }
0x217: {  	s31 =	rddreg [dreg:$0x10];
	[sflag:s6] =	ssyncadd.s32 $0xFFFFF800  }
0x218: {  	[spmem:s2] =	stream.indirect.scatter.add.f32 [tilespmem:s7], [sflag:$0x1], $0x10, s31, s8, $0xb8;
	[tilespmem:$0x4380] =	vst v63  }
0x219: {  	s1 =	rddreg [dreg:$0x11]  }
0x21a: {  	[spmem:s2] =	stream.indirect.scatter.add.f32 [tilespmem:s7], [sflag:$0x1], $0x10, s1, s8, $0xb8;
	[tilespmem:$0x4380] =	vst v63  }
0x21b: {  	s31 =	rddreg [dreg:$0x12]  }
0x21c: {  	[spmem:s2] =	stream.indirect.scatter.add.f32 [tilespmem:s7], [sflag:$0x1], $0x10, s31, s8, $0xb8;
	[tilespmem:$0x4380] =	vst v63  }
0x21d: {  	s1 =	rddreg [dreg:$0x13]  }
0x21e: {  	[spmem:s2] =	stream.indirect.scatter.add.f32 [tilespmem:s7], [sflag:$0x1], $0x10, s1, s8, $0xb8;
	[tilespmem:$0x4380] =	vst v63  }
0x21f: {  	s31 =	rddreg [dreg:$0x14]  }
0x220: {  	[spmem:s2] =	stream.indirect.scatter.add.f32 [tilespmem:s7], [sflag:$0x1], $0x10, s31, s8, $0xb8;
	[tilespmem:$0x4380] =	vst v63  }
0x221: {  	s1 =	rddreg [dreg:$0x15]  }
0x222: {  	[spmem:s2] =	stream.indirect.scatter.add.f32 [tilespmem:s7], [sflag:$0x1], $0x10, s1, s8, $0xb8;
	[tilespmem:$0x4380] =	vst v63  }
0x223: {  	s31 =	rddreg [dreg:$0x16]  }
0x224: {  	[spmem:s2] =	stream.indirect.scatter.add.f32 [tilespmem:s7], [sflag:$0x1], $0x10, s31, s8, $0xb8;
	[tilespmem:$0x4380] =	vst v63  }
0x225: {  	s1 =	rddreg [dreg:$0x17]  }
0x226: {  	[spmem:s2] =	stream.indirect.scatter.add.f32 [tilespmem:s7], [sflag:$0x1], $0x10, s1, s8, $0xb8;
	[tilespmem:$0x4380] =	vst v63  }
0x227: {  	s31 =	rddreg [dreg:$0x18]  }
0x228: {  	[spmem:s2] =	stream.indirect.scatter.add.f32 [tilespmem:s7], [sflag:$0x1], $0x10, s31, s8, $0xb8;
	[tilespmem:$0x4380] =	vst v63  }
0x229: {  	_ = 	snop  }
0x22a: {  	[spmem:s2] =	stream.indirect.scatter.add.f32 [tilespmem:s7], [sflag:$0x1], $0x10, s19, s8, $0xb8;
	[tilespmem:$0x4380] =	vst v63  }
0x22b: {  	_ =	swait.ge [sflag:s6], $0x800  }
0x22c: {  	[sflag:s6] =	ssyncset.done $0x0  }
0x22d: {  	[sflag:s6] =	ssyncadd.s32 $0xFFFFF800  }
0x22e: {  	_ =	swait.ge [sflag:s6], $0x800  }
0x22f: {  	[sflag:s6] =	ssyncset.done $0x0  }
0x230: {  	[sflag:s6] =	ssyncadd.s32 $0xFFFFF800  }
0x231: {  	_ =	swait.ge [sflag:s6], $0x800  }
0x232: {  	[sflag:s6] =	ssyncset.done $0x0  }
0x233: {  	[sflag:s6] =	ssyncadd.s32 $0xFFFFF800  }
0x234: {  	_ =	swait.ge [sflag:s6], $0x800  }
0x235: {  	[sflag:s6] =	ssyncset.done $0x0  }
0x236: {  	[sflag:s6] =	ssyncadd.s32 $0xFFFFF800  }
0x237: {  	_ =	swait.ge [sflag:s6], $0x800  }
0x238: {  	[sflag:s6] =	ssyncset.done $0x0  }
0x239: {  	[sflag:s6] =	ssyncadd.s32 $0xFFFFF800  }
0x23a: {  	_ =	swait.ge [sflag:s6], $0x800  }
0x23b: {  	[sflag:s6] =	ssyncset.done $0x0  }
0x23c: {  	[sflag:s6] =	ssyncadd.s32 $0xFFFFF800  }
0x23d: {  	_ =	swait.ge [sflag:s6], $0x800  }
0x23e: {  	[sflag:s6] =	ssyncset.done $0x0  }
0x23f: {  	[sflag:s6] =	ssyncadd.s32 $0xFFFFF800  }
0x240: {  	_ =	swait.ge [sflag:s6], $0x800  }
0x241: {  	[sflag:s6] =	ssyncset.done $0x0  }
0x242: {  	[sflag:s6] =	ssyncadd.s32 $0xFFFFF800  }
0x243: {  	_ =	swait.ge [sflag:s6], $0x800  }
0x244: {  	[sflag:s6] =	ssyncset.done $0x0  }
0x245: {  	[sflag:s6] =	ssyncadd.s32 $0xFFFFF800  }
0x246: {  	_ =	swait.ge [sflag:s6], $0x800  }
0x247: {  	[sflag:s6] =	ssyncset.done $0x0  }
0x248: {  	[sflag:s6] =	ssyncadd.s32 $0xFFFFF800  }
0x249: {  	[spmem:s2] =	stream.indirect.scatter.add.f32 [tilespmem:s7], [sflag:$0x1], $0x10, s20, s8, $0xb8;
	[tilespmem:$0x4380] =	vst v63  }
0x24a: {  	_ = 	snop  }
0x24b: {  	[spmem:s2] =	stream.indirect.scatter.add.f32 [tilespmem:s7], [sflag:$0x1], $0x10, s21, s8, $0xb8;
	[tilespmem:$0x4380] =	vst v63  }
0x24c: {  	_ = 	snop  }
0x24d: {  	[spmem:s2] =	stream.indirect.scatter.add.f32 [tilespmem:s7], [sflag:$0x1], $0x10, s22, s8, $0xb8;
	[tilespmem:$0x4380] =	vst v63  }
0x24e: {  	_ = 	snop  }
0x24f: {  	[spmem:s2] =	stream.indirect.scatter.add.f32 [tilespmem:s7], [sflag:$0x1], $0x10, s23, s8, $0xb8;
	[tilespmem:$0x4380] =	vst v63  }
0x250: {  	_ = 	snop  }
0x251: {  	[spmem:s2] =	stream.indirect.scatter.add.f32 [tilespmem:s7], [sflag:$0x1], $0x10, s24, s8, $0xb8;
	[tilespmem:$0x4380] =	vst v63  }
0x252: {  	_ = 	snop  }
0x253: {  	[spmem:s2] =	stream.indirect.scatter.add.f32 [tilespmem:s7], [sflag:$0x1], $0x10, s25, s8, $0xb8;
	[tilespmem:$0x4380] =	vst v63  }
0x254: {  	_ = 	snop  }
0x255: {  	[spmem:s2] =	stream.indirect.scatter.add.f32 [tilespmem:s7], [sflag:$0x1], $0x10, s26, s8, $0xb8;
	[tilespmem:$0x4380] =	vst v63  }
0x256: {  	_ = 	snop  }
0x257: {  	[spmem:s2] =	stream.indirect.scatter.add.f32 [tilespmem:s7], [sflag:$0x1], $0x10, s28, s8, $0xb8;
	[tilespmem:$0x4380] =	vst v63  }
0x258: {  	_ = 	snop  }
0x259: {  	[spmem:s2] =	stream.indirect.scatter.add.f32 [tilespmem:s7], [sflag:$0x1], $0x10, s29, s8, $0xb8;
	[tilespmem:$0x4380] =	vst v63  }
0x25a: {  	_ = 	snop  }
0x25b: {  	[spmem:s2] =	stream.indirect.scatter.add.f32 [tilespmem:s7], [sflag:$0x1], $0x10, s30, s8, $0xb8;
	[tilespmem:$0x4380] =	vst v63  }
0x25c: {  	_ =	swait.ge [sflag:s6], $0x800  }
0x25d: {  	[sflag:s6] =	ssyncset.done $0x0  }
0x25e: {  	[sflag:s6] =	ssyncadd.s32 $0xFFFFF800  }
0x25f: {  	_ =	swait.ge [sflag:s6], $0x800  }
0x260: {  	[sflag:s6] =	ssyncset.done $0x0  }
0x261: {  	[sflag:s6] =	ssyncadd.s32 $0xFFFFF800  }
0x262: {  	_ =	swait.ge [sflag:s6], $0x800  }
0x263: {  	[sflag:s6] =	ssyncset.done $0x0  }
0x264: {  	[sflag:s6] =	ssyncadd.s32 $0xFFFFF800  }
0x265: {  	_ =	swait.ge [sflag:s6], $0x800  }
0x266: {  	[sflag:s6] =	ssyncset.done $0x0  }
0x267: {  	[sflag:s6] =	ssyncadd.s32 $0xFFFFF800  }
0x268: {  	_ =	swait.ge [sflag:s6], $0x800  }
0x269: {  	[sflag:s6] =	ssyncset.done $0x0  }
0x26a: {  	[sflag:s6] =	ssyncadd.s32 $0xFFFFF800  }
0x26b: {  	_ =	swait.ge [sflag:s6], $0x800  }
0x26c: {  	[sflag:s6] =	ssyncset.done $0x0  }
0x26d: {  	[sflag:s6] =	ssyncadd.s32 $0xFFFFF800  }
0x26e: {  	_ =	swait.ge [sflag:s6], $0x800  }
0x26f: {  	[sflag:s6] =	ssyncset.done $0x0  }
0x270: {  	[sflag:s6] =	ssyncadd.s32 $0xFFFFF800  }
0x271: {  	_ =	swait.ge [sflag:s6], $0x800  }
0x272: {  	[sflag:s6] =	ssyncset.done $0x0  }
0x273: {  	[sflag:s6] =	ssyncadd.s32 $0xFFFFF800  }
0x274: {  	_ =	swait.ge [sflag:s6], $0x800  }
0x275: {  	[sflag:s6] =	ssyncset.done $0x0  }
0x276: {  	[sflag:s6] =	ssyncadd.s32 $0xFFFFF800  }
0x277: {  	_ =	swait.ge [sflag:s6], $0x800  }
0x278: {  	[sflag:s6] =	ssyncset.done $0x0  }
0x279: {  	[sflag:s6] =	ssyncadd.s32 $0xFFFFF800  }
0x27a: {  	[spmem:s2] =	stream.indirect.scatter.add.f32 [tilespmem:s7], [sflag:$0x1], $0x10, s10, s8, $0xb8;
	[tilespmem:$0x4380] =	vst v63  }
0x27b: {  	_ = 	snop  }
0x27c: {  	[spmem:s2] =	stream.indirect.scatter.add.f32 [tilespmem:s7], [sflag:$0x1], $0x10, s11, s8, $0xb8;
	[tilespmem:$0x4380] =	vst v63  }
0x27d: {  	_ = 	snop  }
0x27e: {  	[spmem:s2] =	stream.indirect.scatter.add.f32 [tilespmem:s7], [sflag:$0x1], $0x10, s12, s8, $0xb8;
	[tilespmem:$0x4380] =	vst v63  }
0x27f: {  	_ = 	snop  }
0x280: {  	[spmem:s2] =	stream.indirect.scatter.add.f32 [tilespmem:s7], [sflag:$0x1], $0x10, s13, s8, $0xb8;
	[tilespmem:$0x4380] =	vst v63  }
0x281: {  	_ = 	snop  }
0x282: {  	[spmem:s2] =	stream.indirect.scatter.add.f32 [tilespmem:s7], [sflag:$0x1], $0x10, s14, s8, $0xb8;
	[tilespmem:$0x4380] =	vst v63  }
0x283: {  	_ = 	snop  }
0x284: {  	[spmem:s2] =	stream.indirect.scatter.add.f32 [tilespmem:s7], [sflag:$0x1], $0x10, s15, s8, $0xb8;
	[tilespmem:$0x4380] =	vst v63  }
0x285: {  	_ = 	snop  }
0x286: {  	[spmem:s2] =	stream.indirect.scatter.add.f32 [tilespmem:s7], [sflag:$0x1], $0x10, s16, s8, $0xb8;
	[tilespmem:$0x4380] =	vst v63  }
0x287: {  	_ = 	snop  }
0x288: {  	[spmem:s2] =	stream.indirect.scatter.add.f32 [tilespmem:s7], [sflag:$0x1], $0x10, s17, s8, $0xb8;
	[tilespmem:$0x4380] =	vst v63  }
0x289: {  	_ = 	snop  }
0x28a: {  	[spmem:s2] =	stream.indirect.scatter.add.f32 [tilespmem:s7], [sflag:$0x1], $0x10, s18, s8, $0xb8;
	[tilespmem:$0x4380] =	vst v63  }
0x28b: {  	s29 =	simm.s32 $0x1380  }
0x28c: {  	[spmem:s2] =	stream.indirect.scatter.add.f32 [tilespmem:s7], [sflag:$0x1], $0x10, s29, s8, $0xb8;
	[tilespmem:$0x4380] =	vst v63  }
0x28d: {  	_ =	swait.ge [sflag:s6], $0x800  }
0x28e: {  	[sflag:s6] =	ssyncset.done $0x0  }
0x28f: {  	[sflag:s6] =	ssyncadd.s32 $0xFFFFF800  }
0x290: {  	_ =	swait.ge [sflag:s6], $0x800  }
0x291: {  	[sflag:s6] =	ssyncset.done $0x0  }
0x292: {  	[sflag:s6] =	ssyncadd.s32 $0xFFFFF800  }
0x293: {  	_ =	swait.ge [sflag:s6], $0x800  }
0x294: {  	[sflag:s6] =	ssyncset.done $0x0  }
0x295: {  	[sflag:s6] =	ssyncadd.s32 $0xFFFFF800  }
0x296: {  	_ =	swait.ge [sflag:s6], $0x800  }
0x297: {  	[sflag:s6] =	ssyncset.done $0x0  }
0x298: {  	[sflag:s6] =	ssyncadd.s32 $0xFFFFF800  }
0x299: {  	_ =	swait.ge [sflag:s6], $0x800  }
0x29a: {  	[sflag:s6] =	ssyncset.done $0x0  }
0x29b: {  	[sflag:s6] =	ssyncadd.s32 $0xFFFFF800  }
0x29c: {  	_ =	swait.ge [sflag:s6], $0x800  }
0x29d: {  	[sflag:s6] =	ssyncset.done $0x0  }
0x29e: {  	[sflag:s6] =	ssyncadd.s32 $0xFFFFF800  }
0x29f: {  	_ =	swait.ge [sflag:s6], $0x800  }
0x2a0: {  	[sflag:s6] =	ssyncset.done $0x0  }
0x2a1: {  	[sflag:s6] =	ssyncadd.s32 $0xFFFFF800  }
0x2a2: {  	_ =	swait.ge [sflag:s6], $0x800  }
0x2a3: {  	[sflag:s6] =	ssyncset.done $0x0  }
0x2a4: {  	[sflag:s6] =	ssyncadd.s32 $0xFFFFF800  }
0x2a5: {  	_ =	swait.ge [sflag:s6], $0x800  }
0x2a6: {  	[sflag:s6] =	ssyncset.done $0x0  }
0x2a7: {  	[sflag:s6] =	ssyncadd.s32 $0xFFFFF800  }
0x2a8: {  	_ =	swait.ge [sflag:s6], $0x800  }
0x2a9: {  	[sflag:s6] =	ssyncset.done $0x0  }
0x2aa: {  	[sflag:s6] =	ssyncadd.s32 $0xFFFFF800  }
0x2ab: {  	[bflag:$0x0] =	sbarrier.arrive $0xFFFF  }
0x2ac: {  	s30 =	rddreg [dreg:$0x7]  }
0x2ad: {  	[hbm:s30], [sflag:s3] =	dma.local [spmem:s4], $0x4F0  }
0x2ae: {  	_ =	swait.ge [sflag:s5], $0x4F0  }
0x2af: {  	[sflag:s5] =	ssyncset.done $0x0  }
0x2b0: {  	[sflag:s5] =	ssyncadd.s32 $0xFFFFFB10  }
0x2b1: {  	_ =	sfence.sel $0x180000  }
0x2b2: {  	s31 =	stileid.u32;
	[bflag:$0x0] =	sbarrier.arrive $0xFFFF  }
0x2b3: {  	p0 =	sne.s32 s31, $0x0;
	_ =	strace $0x90000047  }
0x2b4: {  	s0 =	sadd.s32 @!p0 $0x100000, s9;
	[bflag:$0x2] =	sbarrier.arrive $0xFFFF  }
0x2b5: {  	[sflag:s0] =	ssyncadd.tile.s32 @!p0 $0x1;
	_ =	shalt  }
.LBB2_1:
0x2b6: {  	s19 =	simm.s32 $0x980;
	s30 =	simm.s32 $0xE80;
	s29 =	simm.s32 $0xE00  }
0x2b7: {  	s28 =	simm.s32 $0xD80;
	s26 =	simm.s32 $0xD00;
	s25 =	simm.s32 $0xC80  }
.Ltmp3:
0x2b8: {  	s24 =	simm.s32 $0xC00;
	s23 =	simm.s32 $0xB80;
	(pc) =	sbr.rel .LBB2_6-.Ltmp3, $4  }
0x2b9: {  	s22 =	simm.s32 $0xB00;
	s21 =	simm.s32 $0xA80;
	s20 =	simm.s32 $0xA00  }
0x2ba: {  	s18 =	simm.s32 $0x1300;
	s17 =	simm.s32 $0x1280;
	s16 =	simm.s32 $0x1200  }
0x2bb: {  	s15 =	simm.s32 $0x1180;
	s14 =	simm.s32 $0x1100;
	s13 =	simm.s32 $0x1080  }
0x2bc: {  	s12 =	simm.s32 $0x1000;
	s11 =	simm.s32 $0xF80;
	s10 =	simm.s32 $0xF00  }
.LBB2_3:
0x2bd: {  	s19 =	simm.s32 $0x980  }
0x2be: {  	s30 =	simm.s32 $0xE80;
	s29 =	simm.s32 $0xE00;
	s28 =	simm.s32 $0xD80  }
0x2bf: {  	s26 =	simm.s32 $0xD00;
	s25 =	simm.s32 $0xC80;
	s24 =	simm.s32 $0xC00  }
.Ltmp4:
0x2c0: {  	s23 =	simm.s32 $0xB80;
	s22 =	simm.s32 $0xB00;
	(pc) =	sbr.rel .LBB2_6-.Ltmp4, $4  }
0x2c1: {  	s21 =	simm.s32 $0xA80;
	s20 =	simm.s32 $0xA00;
	s18 =	simm.s32 $0x1300  }
0x2c2: {  	s17 =	simm.s32 $0x1280;
	s16 =	simm.s32 $0x1200;
	s15 =	simm.s32 $0x1180  }
0x2c3: {  	s14 =	simm.s32 $0x1100;
	s13 =	simm.s32 $0x1080;
	s12 =	simm.s32 $0x1000  }
0x2c4: {  	s11 =	simm.s32 $0xF80;
	s10 =	simm.s32 $0xF00;
	s9 =	rddreg [dreg:$0x3]  }
.Lfunc_end2:
_tile_overlayer_lowered:
.L_overlay_start_2:
0x2c5: {  	(tag) =	ssettag $0x2  }
0x2c6: {  	s0 =	rddreg [dreg:$0x0];
	s2 =	stileid.u32  }
0x2c7: {  	s1 =	rddreg [dreg:$0x1];
	p0 =	sne.s32 s2, $0x0  }
0x2c8: {  	s3 =	rddreg [dreg:$0x2];
	[bflag:$0x3] =	sbarrier.arrive $0xFFFF;
	s2 =	simm.s32 @!p0 $0x1C02  }
0x2c9: {  	[timem:s3], [sflag:s2] =	dma.local @!p0 [hbm:s0], s1  }
0x2ca: {  	s0 =	simm.s32 @!p0 $0x2  }
0x2cb: {  	_ =	swait.ge @!p0 [sflag:s0], s1  }
0x2cc: {  	s1 =	ssub.s32 @!p0 $0x0, s1;
	[sflag:s0] =	ssyncset.done @!p0 $0x0  }
0x2cd: {  	[sflag:s0] =	ssyncadd.s32 @!p0 s1  }
0x2ce: {  	[bflag:$0x3] =	sbarrier.arrive $0xFFFF  }
0x2cf: {  	_ =	shalt  }

</sc_bundles>
